<compile_context>
chip_gen: v7x
topology: tpu7x:2x2x1
jax: 0.10.2.dev20260603
libtpu: 0.0.44.dev20260713+nightly
codegen_flags: <defaults>
</compile_context>

<pallas_src>
import functools

import jax
import jax.numpy as jnp
from jax import lax
from jax.experimental import pallas as pl
from jax.experimental.pallas import tpu as pltpu, tpu_sc as plsc

M = 999999
C2 = (1 << 32) % M
R20 = (1 << 20) % M

GR_LO = 0x7F4A7C15
GR_HI = 0x9E3779B9
M1 = 0xBF58476D1CE4E5B9
M1LO, M1HI = M1 & 0xFFFFFFFF, M1 >> 32
M2 = 0x94D049BB133111EB
M2LO, M2HI = M2 & 0xFFFFFFFF, M2 >> 32

ROWS, COLS = 16384, 26
N = ROWS * COLS
NW = 32
PER_W = N // NW
VECS = PER_W // 16
UNROLL = 4


def _u(c):
    return jnp.uint32(c & 0xFFFFFFFF)


def _mul32x32(a, b_const):
    a0 = a & _u(0xFFFF)
    a1 = a >> _u(16)
    b0 = _u(b_const & 0xFFFF)
    b1 = _u(b_const >> 16)
    ll = a0 * b0
    mid1 = a0 * b1 + (ll >> _u(16))
    mid2 = a1 * b0 + (mid1 & _u(0xFFFF))
    lo = (mid2 << _u(16)) | (ll & _u(0xFFFF))
    hi = a1 * b1 + (mid1 >> _u(16)) + (mid2 >> _u(16))
    return lo, hi


def _red(v):
    return (v >> _u(20)) * _u(R20) + (v & _u(0xFFFFF))


def _hash_bucket(lo):
    l = lo + _u(GR_LO)
    h_c = GR_HI
    l = l ^ ((l >> _u(30)) | _u(h_c << 2))
    h_c = h_c ^ (h_c >> 30)
    plo, phi = _mul32x32(l, M1LO)
    h = phi + l * _u(M1HI) + _u(h_c * M1LO)
    l = plo
    l2 = l ^ ((l >> _u(27)) | (h << _u(5)))
    h2 = h ^ (h >> _u(27))
    plo, phi = _mul32x32(l2, M2LO)
    h3 = phi + l2 * _u(M2HI) + h2 * _u(M2LO)
    l3 = plo
    l4 = l3 ^ ((l3 >> _u(31)) | (h3 << _u(1)))
    h4 = h3 ^ (h3 >> _u(31))
    a = _red(_red(_red(h4)))
    plo, phi = _mul32x32(a, C2)
    s = plo + l4
    carry = ((plo & l4) | ((plo | l4) & ~s)) >> _u(31)
    thi = phi + carry
    t = thi * _u(C2) + _red(s)
    t = _red(_red(_red(t)))
    t = jnp.where(t >= _u(M), t - _u(M), t)
    return jnp.where(lo != _u(0), t + _u(1), _u(0))


def _body(x_hbm, out_hbm, x_v, o_v):
    wid = lax.axis_index("s") * jnp.int32(2) + lax.axis_index("c")
    base = wid * jnp.int32(PER_W)
    pltpu.sync_copy(x_hbm.at[pl.ds(base, PER_W)], x_v)

    def step(i, carry):
        b = i * jnp.int32(16 * UNROLL)
        for k in range(UNROLL):
            lv = x_v[pl.ds(b + jnp.int32(k * 16), 16)]
            o_v[pl.ds(b + jnp.int32(k * 16), 16)] = _hash_bucket(lv)
        return carry

    lax.fori_loop(jnp.int32(0), jnp.int32(VECS // UNROLL), step, jnp.int32(0))
    pltpu.sync_copy(o_v, out_hbm.at[pl.ds(base, PER_W)])


_hash_call = functools.partial(
    pl.kernel,
    out_type=jax.ShapeDtypeStruct((N,), jnp.uint32),
    mesh=plsc.VectorSubcoreMesh(core_axis_name="c", subcore_axis_name="s"),
    scratch_types=[
        pltpu.VMEM((PER_W,), jnp.uint32),
        pltpu.VMEM((PER_W,), jnp.uint32),
    ],
)(_body)


@jax.jit
def kernel(x):
    xt = x.T
    lo_t = xt.astype(jnp.uint32)
    r = _hash_call(lo_t.reshape(N))
    out_t = r.reshape(COLS, ROWS).astype(x.dtype)
    return out_t.T

# --- scband reference (transcript-rebuilt; emitter-appended) ---
"""Pipeline reference for scband-hash-layer-23433341567503 (READ-ONLY COPY).

The authoritative reference and input builder live on the scoring server;
editing this copy changes nothing except your own understanding.
"""

import jax, jax.numpy as jnp
import numpy as np
jax.config.update('jax_enable_x64', True)

NUM_BUCKETS = 1000000
MASK_ZERO = True


def _splitmix64(x):
    # Deterministic 64-bit integer hash standing in for tf.strings.to_hash_bucket_fast
    # (FarmHash fingerprint of the string repr). Same structure: hash -> mod num_buckets.
    x = x.astype(jnp.uint64)
    x = x + jnp.uint64(0x9E3779B97F4A7C15)
    x = x ^ (x >> jnp.uint64(30))
    x = x * jnp.uint64(0xBF58476D1CE4E5B9)
    x = x ^ (x >> jnp.uint64(27))
    x = x * jnp.uint64(0x94D049BB133111EB)
    x = x ^ (x >> jnp.uint64(31))
    return x


def setup_inputs(seed: int = 0) -> dict:
    key = jax.random.key(seed)
    x = jax.random.randint(key, (16384, 26), 0, 1000000, dtype=jnp.int64)
    return {"x": x}


def reference(x):
    num_buckets = NUM_BUCKETS - 1 if MASK_ZERO else NUM_BUCKETS
    h = _splitmix64(x)
    hash_x = (h % jnp.uint64(num_buckets)).astype(jnp.int64)
    if MASK_ZERO:
        mask = (x != 0).astype(jnp.int64)
        hash_x = (hash_x + 1) * mask
    return hash_x

if __name__ == "__main__":
    import jax
    _d = setup_inputs()
    print(jax.jit(kernel)(*tuple(_d.values())))

</pallas_src>

<mosaic_0001>
#map = affine_map<(d0, d1) -> (0)>
module attributes {stable_mosaic.version = 14 : i64} {
  func.func @_body(%arg0: i32, %arg1: i32, %arg2: memref<425984xi32, #tpu.memory_space<hbm>>, %arg3: memref<425984xi32, #tpu.memory_space<hbm>>, %arg4: memref<13312xi32, #tpu.memory_space<vmem>>, %arg5: memref<13312xi32, #tpu.memory_space<vmem>>) attributes {dimension_semantics = [#tpu.dimension_semantics<core_parallel>, #tpu.dimension_semantics<subcore_parallel>], iteration_bounds = array<i64: 2, 16>, scalar_prefetch = 0 : i64, scratch_operands = 2 : i64, tpu.core_type = #tpu.core_type<sc_vector_subcore>, window_params = [{transform_indices = #map}, {transform_indices = #map}]} {
    %mul3A = arith.constant 2 : i32
    %mul3A_0 = arith.muli %arg1, %mul3A : i32
    %add3A = arith.addi %mul3A_0, %arg0 : i32
    %mul3A_1 = arith.constant 13312 : i32
    %mul3A_2 = arith.muli %add3A, %mul3A_1 : i32
    "tpu.region"() ({
      %run_scoped3A = tpu.sem_alloc : memref<!tpu.dma_semaphore, #tpu.memory_space<semaphore_mem>>
      %dma_start3A = tpu.memref_slice %arg2[%mul3A_2] : memref<425984xi32, #tpu.memory_space<hbm>> -> memref<13312xi32, #tpu.memory_space<hbm>>
      %dma_start3A_13 = tpu.memref_slice %arg2[%mul3A_2] : memref<425984xi32, #tpu.memory_space<hbm>> -> memref<13312xi32, #tpu.memory_space<hbm>>
      tpu.enqueue_dma source(%dma_start3A_13 : memref<13312xi32, #tpu.memory_space<hbm>>) target(%arg4 : memref<13312xi32, #tpu.memory_space<vmem>>) target_semaphore(%run_scoped3A : memref<!tpu.dma_semaphore, #tpu.memory_space<semaphore_mem>>)
      %dma_wait3A = tpu.memref_slice %arg2[%mul3A_2] : memref<425984xi32, #tpu.memory_space<hbm>> -> memref<13312xi32, #tpu.memory_space<hbm>>
      %dma_wait3A_14 = tpu.memref_slice %arg2[%mul3A_2] : memref<425984xi32, #tpu.memory_space<hbm>> -> memref<13312xi32, #tpu.memory_space<hbm>>
      tpu.wait_dma2 semaphore(%run_scoped3A : memref<!tpu.dma_semaphore, #tpu.memory_space<semaphore_mem>>) src(%dma_wait3A_14 : memref<13312xi32, #tpu.memory_space<hbm>>) dst(%arg4 : memref<13312xi32, #tpu.memory_space<vmem>>)
      tpu.yield
    }) : () -> ()
    %while3A = arith.constant 0 : i32
    %while3A_3 = arith.constant 0 : i32
    %while3A_4 = arith.constant 208 : i32
    %while3A_5 = arith.subi %while3A_4, %while3A_3 : i32
    %while3A_6 = arith.addi %while3A_3, %while3A_5 : i32
    %while3A_7 = arith.constant 1 : i32
    %while3A_8 = arith.divsi %while3A_5, %while3A_7 : i32
    %while3A_9 = arith.muli %while3A_8, %while3A_7 : i32
    %while3A_10 = arith.addi %while3A_3, %while3A_9 : i32
    %while3A_11 = arith.constant 1 : i32
    scf.for %while3A_13 = %while3A_3 to %while3A_10 step %while3A_11  : i32 {
      %mul3A_14 = arith.constant 64 : i32
      %mul3A_15 = arith.muli %while3A_13, %mul3A_14 : i32
      %add3A_16 = arith.constant 0 : i32
      %add3A_17 = arith.addi %mul3A_15, %add3A_16 : i32
      %get3A = arith.index_cast %add3A_17 : i32 to index
      %get3A_18 = tpu.vector_load %arg4[%get3A] {strides = array<i32>} : memref<13312xi32, #tpu.memory_space<vmem>>, vector<16xi32>,
      %get3A_19 = vector.shape_cast %get3A_18 : vector<16xi32> to vector<16xi32>
      %add3A_20 = arith.constant 2135587861 : i32
      %add3A_21 = vector.broadcast %add3A_20 : i32 to vector<16xi32>
      %add3A_22 = arith.addi %get3A_19, %add3A_21 : vector<16xi32>
      %shift_right_logical3A = arith.constant 30 : i32
      %shift_right_logical3A_23 = vector.broadcast %shift_right_logical3A : i32 to vector<16xi32>
      %shift_right_logical3A_24 = arith.shrui %add3A_22, %shift_right_logical3A_23 : vector<16xi32>
      %or3A = arith.constant 2027808484 : i32
      %or3A_25 = vector.broadcast %or3A : i32 to vector<16xi32>
      %or3A_26 = arith.ori %shift_right_logical3A_24, %or3A_25 : vector<16xi32>
      %xor3A = arith.xori %add3A_22, %or3A_26 : vector<16xi32>
      %and3A = arith.constant 65535 : i32
      %and3A_27 = vector.broadcast %and3A : i32 to vector<16xi32>
      %and3A_28 = arith.andi %xor3A, %and3A_27 : vector<16xi32>
      %shift_right_logical3A_29 = arith.constant 16 : i32
      %shift_right_logical3A_30 = vector.broadcast %shift_right_logical3A_29 : i32 to vector<16xi32>
      %shift_right_logical3A_31 = arith.shrui %xor3A, %shift_right_logical3A_30 : vector<16xi32>
      %mul3A_32 = arith.constant 58809 : i32
      %mul3A_33 = vector.broadcast %mul3A_32 : i32 to vector<16xi32>
      %mul3A_34 = arith.muli %and3A_28, %mul3A_33 : vector<16xi32>
      %mul3A_35 = arith.constant 7396 : i32
      %mul3A_36 = vector.broadcast %mul3A_35 : i32 to vector<16xi32>
      %mul3A_37 = arith.muli %and3A_28, %mul3A_36 : vector<16xi32>
      %shift_right_logical3A_38 = arith.constant 16 : i32
      %shift_right_logical3A_39 = vector.broadcast %shift_right_logical3A_38 : i32 to vector<16xi32>
      %shift_right_logical3A_40 = arith.shrui %mul3A_34, %shift_right_logical3A_39 : vector<16xi32>
      %add3A_41 = arith.addi %mul3A_37, %shift_right_logical3A_40 : vector<16xi32>
      %mul3A_42 = arith.constant 58809 : i32
      %mul3A_43 = vector.broadcast %mul3A_42 : i32 to vector<16xi32>
      %mul3A_44 = arith.muli %shift_right_logical3A_31, %mul3A_43 : vector<16xi32>
      %and3A_45 = arith.constant 65535 : i32
      %and3A_46 = vector.broadcast %and3A_45 : i32 to vector<16xi32>
      %and3A_47 = arith.andi %add3A_41, %and3A_46 : vector<16xi32>
      %add3A_48 = arith.addi %mul3A_44, %and3A_47 : vector<16xi32>
      %shift_left3A = arith.constant 16 : i32
      %shift_left3A_49 = vector.broadcast %shift_left3A : i32 to vector<16xi32>
      %shift_left3A_50 = arith.shli %add3A_48, %shift_left3A_49 : vector<16xi32>
      %and3A_51 = arith.constant 65535 : i32
      %and3A_52 = vector.broadcast %and3A_51 : i32 to vector<16xi32>
      %and3A_53 = arith.andi %mul3A_34, %and3A_52 : vector<16xi32>
      %or3A_54 = arith.ori %shift_left3A_50, %and3A_53 : vector<16xi32>
      %mul3A_55 = arith.constant 7396 : i32
      %mul3A_56 = vector.broadcast %mul3A_55 : i32 to vector<16xi32>
      %mul3A_57 = arith.muli %shift_right_logical3A_31, %mul3A_56 : vector<16xi32>
      %shift_right_logical3A_58 = arith.constant 16 : i32
      %shift_right_logical3A_59 = vector.broadcast %shift_right_logical3A_58 : i32 to vector<16xi32>
      %shift_right_logical3A_60 = arith.shrui %add3A_41, %shift_right_logical3A_59 : vector<16xi32>
      %add3A_61 = arith.addi %mul3A_57, %shift_right_logical3A_60 : vector<16xi32>
      %shift_right_logical3A_62 = arith.constant 16 : i32
      %shift_right_logical3A_63 = vector.broadcast %shift_right_logical3A_62 : i32 to vector<16xi32>
      %shift_right_logical3A_64 = arith.shrui %add3A_48, %shift_right_logical3A_63 : vector<16xi32>
      %add3A_65 = arith.addi %add3A_61, %shift_right_logical3A_64 : vector<16xi32>
      %mul3A_66 = arith.constant -1084733587 : i32
      %mul3A_67 = vector.broadcast %mul3A_66 : i32 to vector<16xi32>
      %mul3A_68 = arith.muli %xor3A, %mul3A_67 : vector<16xi32>
      %add3A_69 = arith.addi %add3A_65, %mul3A_68 : vector<16xi32>
      %add3A_70 = arith.constant -729333981 : i32
      %add3A_71 = vector.broadcast %add3A_70 : i32 to vector<16xi32>
      %add3A_72 = arith.addi %add3A_69, %add3A_71 : vector<16xi32>
      %shift_right_logical3A_73 = arith.constant 27 : i32
      %shift_right_logical3A_74 = vector.broadcast %shift_right_logical3A_73 : i32 to vector<16xi32>
      %shift_right_logical3A_75 = arith.shrui %or3A_54, %shift_right_logical3A_74 : vector<16xi32>
      %shift_left3A_76 = arith.constant 5 : i32
      %shift_left3A_77 = vector.broadcast %shift_left3A_76 : i32 to vector<16xi32>
      %shift_left3A_78 = arith.shli %add3A_72, %shift_left3A_77 : vector<16xi32>
      %or3A_79 = arith.ori %shift_right_logical3A_75, %shift_left3A_78 : vector<16xi32>
      %xor3A_80 = arith.xori %or3A_54, %or3A_79 : vector<16xi32>
      %shift_right_logical3A_81 = arith.constant 27 : i32
      %shift_right_logical3A_82 = vector.broadcast %shift_right_logical3A_81 : i32 to vector<16xi32>
      %shift_right_logical3A_83 = arith.shrui %add3A_72, %shift_right_logical3A_82 : vector<16xi32>
      %xor3A_84 = arith.xori %add3A_72, %shift_right_logical3A_83 : vector<16xi32>
      %and3A_85 = arith.constant 65535 : i32
      %and3A_86 = vector.broadcast %and3A_85 : i32 to vector<16xi32>
      %and3A_87 = arith.andi %xor3A_80, %and3A_86 : vector<16xi32>
      %shift_right_logical3A_88 = arith.constant 16 : i32
      %shift_right_logical3A_89 = vector.broadcast %shift_right_logical3A_88 : i32 to vector<16xi32>
      %shift_right_logical3A_90 = arith.shrui %xor3A_80, %shift_right_logical3A_89 : vector<16xi32>
      %mul3A_91 = arith.constant 4587 : i32
      %mul3A_92 = vector.broadcast %mul3A_91 : i32 to vector<16xi32>
      %mul3A_93 = arith.muli %and3A_87, %mul3A_92 : vector<16xi32>
      %mul3A_94 = arith.constant 4913 : i32
      %mul3A_95 = vector.broadcast %mul3A_94 : i32 to vector<16xi32>
      %mul3A_96 = arith.muli %and3A_87, %mul3A_95 : vector<16xi32>
      %shift_right_logical3A_97 = arith.constant 16 : i32
      %shift_right_logical3A_98 = vector.broadcast %shift_right_logical3A_97 : i32 to vector<16xi32>
      %shift_right_logical3A_99 = arith.shrui %mul3A_93, %shift_right_logical3A_98 : vector<16xi32>
      %add3A_100 = arith.addi %mul3A_96, %shift_right_logical3A_99 : vector<16xi32>
      %mul3A_101 = arith.constant 4587 : i32
      %mul3A_102 = vector.broadcast %mul3A_101 : i32 to vector<16xi32>
      %mul3A_103 = arith.muli %shift_right_logical3A_90, %mul3A_102 : vector<16xi32>
      %and3A_104 = arith.constant 65535 : i32
      %and3A_105 = vector.broadcast %and3A_104 : i32 to vector<16xi32>
      %and3A_106 = arith.andi %add3A_100, %and3A_105 : vector<16xi32>
      %add3A_107 = arith.addi %mul3A_103, %and3A_106 : vector<16xi32>
      %shift_left3A_108 = arith.constant 16 : i32
      %shift_left3A_109 = vector.broadcast %shift_left3A_108 : i32 to vector<16xi32>
      %shift_left3A_110 = arith.shli %add3A_107, %shift_left3A_109 : vector<16xi32>
      %and3A_111 = arith.constant 65535 : i32
      %and3A_112 = vector.broadcast %and3A_111 : i32 to vector<16xi32>
      %and3A_113 = arith.andi %mul3A_93, %and3A_112 : vector<16xi32>
      %or3A_114 = arith.ori %shift_left3A_110, %and3A_113 : vector<16xi32>
      %mul3A_115 = arith.constant 4913 : i32
      %mul3A_116 = vector.broadcast %mul3A_115 : i32 to vector<16xi32>
      %mul3A_117 = arith.muli %shift_right_logical3A_90, %mul3A_116 : vector<16xi32>
      %shift_right_logical3A_118 = arith.constant 16 : i32
      %shift_right_logical3A_119 = vector.broadcast %shift_right_logical3A_118 : i32 to vector<16xi32>
      %shift_right_logical3A_120 = arith.shrui %add3A_100, %shift_right_logical3A_119 : vector<16xi32>
      %add3A_121 = arith.addi %mul3A_117, %shift_right_logical3A_120 : vector<16xi32>
      %shift_right_logical3A_122 = arith.constant 16 : i32
      %shift_right_logical3A_123 = vector.broadcast %shift_right_logical3A_122 : i32 to vector<16xi32>
      %shift_right_logical3A_124 = arith.shrui %add3A_107, %shift_right_logical3A_123 : vector<16xi32>
      %add3A_125 = arith.addi %add3A_121, %shift_right_logical3A_124 : vector<16xi32>
      %mul3A_126 = arith.constant -1798288965 : i32
      %mul3A_127 = vector.broadcast %mul3A_126 : i32 to vector<16xi32>
      %mul3A_128 = arith.muli %xor3A_80, %mul3A_127 : vector<16xi32>
      %add3A_129 = arith.addi %add3A_125, %mul3A_128 : vector<16xi32>
      %mul3A_130 = arith.constant 321982955 : i32
      %mul3A_131 = vector.broadcast %mul3A_130 : i32 to vector<16xi32>
      %mul3A_132 = arith.muli %xor3A_84, %mul3A_131 : vector<16xi32>
      %add3A_133 = arith.addi %add3A_129, %mul3A_132 : vector<16xi32>
      %shift_right_logical3A_134 = arith.constant 31 : i32
      %shift_right_logical3A_135 = vector.broadcast %shift_right_logical3A_134 : i32 to vector<16xi32>
      %shift_right_logical3A_136 = arith.shrui %or3A_114, %shift_right_logical3A_135 : vector<16xi32>
      %shift_left3A_137 = arith.constant 1 : i32
      %shift_left3A_138 = vector.broadcast %shift_left3A_137 : i32 to vector<16xi32>
      %shift_left3A_139 = arith.shli %add3A_133, %shift_left3A_138 : vector<16xi32>
      %or3A_140 = arith.ori %shift_right_logical3A_136, %shift_left3A_139 : vector<16xi32>
      %xor3A_141 = arith.xori %or3A_114, %or3A_140 : vector<16xi32>
      %shift_right_logical3A_142 = arith.constant 31 : i32
      %shift_right_logical3A_143 = vector.broadcast %shift_right_logical3A_142 : i32 to vector<16xi32>
      %shift_right_logical3A_144 = arith.shrui %add3A_133, %shift_right_logical3A_143 : vector<16xi32>
      %xor3A_145 = arith.xori %add3A_133, %shift_right_logical3A_144 : vector<16xi32>
      %shift_right_logical3A_146 = arith.constant 20 : i32
      %shift_right_logical3A_147 = vector.broadcast %shift_right_logical3A_146 : i32 to vector<16xi32>
      %shift_right_logical3A_148 = arith.shrui %xor3A_145, %shift_right_logical3A_147 : vector<16xi32>
      %mul3A_149 = arith.constant 48577 : i32
      %mul3A_150 = vector.broadcast %mul3A_149 : i32 to vector<16xi32>
      %mul3A_151 = arith.muli %shift_right_logical3A_148, %mul3A_150 : vector<16xi32>
      %and3A_152 = arith.constant 1048575 : i32
      %and3A_153 = vector.broadcast %and3A_152 : i32 to vector<16xi32>
      %and3A_154 = arith.andi %xor3A_145, %and3A_153 : vector<16xi32>
      %add3A_155 = arith.addi %mul3A_151, %and3A_154 : vector<16xi32>
      %shift_right_logical3A_156 = arith.constant 20 : i32
      %shift_right_logical3A_157 = vector.broadcast %shift_right_logical3A_156 : i32 to vector<16xi32>
      %shift_right_logical3A_158 = arith.shrui %add3A_155, %shift_right_logical3A_157 : vector<16xi32>
      %mul3A_159 = arith.constant 48577 : i32
      %mul3A_160 = vector.broadcast %mul3A_159 : i32 to vector<16xi32>
      %mul3A_161 = arith.muli %shift_right_logical3A_158, %mul3A_160 : vector<16xi32>
      %and3A_162 = arith.constant 1048575 : i32
      %and3A_163 = vector.broadcast %and3A_162 : i32 to vector<16xi32>
      %and3A_164 = arith.andi %add3A_155, %and3A_163 : vector<16xi32>
      %add3A_165 = arith.addi %mul3A_161, %and3A_164 : vector<16xi32>
      %shift_right_logical3A_166 = arith.constant 20 : i32
      %shift_right_logical3A_167 = vector.broadcast %shift_right_logical3A_166 : i32 to vector<16xi32>
      %shift_right_logical3A_168 = arith.shrui %add3A_165, %shift_right_logical3A_167 : vector<16xi32>
      %mul3A_169 = arith.constant 48577 : i32
      %mul3A_170 = vector.broadcast %mul3A_169 : i32 to vector<16xi32>
      %mul3A_171 = arith.muli %shift_right_logical3A_168, %mul3A_170 : vector<16xi32>
      %and3A_172 = arith.constant 1048575 : i32
      %and3A_173 = vector.broadcast %and3A_172 : i32 to vector<16xi32>
      %and3A_174 = arith.andi %add3A_165, %and3A_173 : vector<16xi32>
      %add3A_175 = arith.addi %mul3A_171, %and3A_174 : vector<16xi32>
      %and3A_176 = arith.constant 65535 : i32
      %and3A_177 = vector.broadcast %and3A_176 : i32 to vector<16xi32>
      %and3A_178 = arith.andi %add3A_175, %and3A_177 : vector<16xi32>
      %shift_right_logical3A_179 = arith.constant 16 : i32
      %shift_right_logical3A_180 = vector.broadcast %shift_right_logical3A_179 : i32 to vector<16xi32>
      %shift_right_logical3A_181 = arith.shrui %add3A_175, %shift_right_logical3A_180 : vector<16xi32>
      %mul3A_182 = arith.constant 54086 : i32
      %mul3A_183 = vector.broadcast %mul3A_182 : i32 to vector<16xi32>
      %mul3A_184 = arith.muli %and3A_178, %mul3A_183 : vector<16xi32>
      %mul3A_185 = arith.constant 14 : i32
      %mul3A_186 = vector.broadcast %mul3A_185 : i32 to vector<16xi32>
      %mul3A_187 = arith.muli %and3A_178, %mul3A_186 : vector<16xi32>
      %shift_right_logical3A_188 = arith.constant 16 : i32
      %shift_right_logical3A_189 = vector.broadcast %shift_right_logical3A_188 : i32 to vector<16xi32>
      %shift_right_logical3A_190 = arith.shrui %mul3A_184, %shift_right_logical3A_189 : vector<16xi32>
      %add3A_191 = arith.addi %mul3A_187, %shift_right_logical3A_190 : vector<16xi32>
      %mul3A_192 = arith.constant 54086 : i32
      %mul3A_193 = vector.broadcast %mul3A_192 : i32 to vector<16xi32>
      %mul3A_194 = arith.muli %shift_right_logical3A_181, %mul3A_193 : vector<16xi32>
      %and3A_195 = arith.constant 65535 : i32
      %and3A_196 = vector.broadcast %and3A_195 : i32 to vector<16xi32>
      %and3A_197 = arith.andi %add3A_191, %and3A_196 : vector<16xi32>
      %add3A_198 = arith.addi %mul3A_194, %and3A_197 : vector<16xi32>
      %shift_left3A_199 = arith.constant 16 : i32
      %shift_left3A_200 = vector.broadcast %shift_left3A_199 : i32 to vector<16xi32>
      %shift_left3A_201 = arith.shli %add3A_198, %shift_left3A_200 : vector<16xi32>
      %and3A_202 = arith.constant 65535 : i32
      %and3A_203 = vector.broadcast %and3A_202 : i32 to vector<16xi32>
      %and3A_204 = arith.andi %mul3A_184, %and3A_203 : vector<16xi32>
      %or3A_205 = arith.ori %shift_left3A_201, %and3A_204 : vector<16xi32>
      %mul3A_206 = arith.constant 14 : i32
      %mul3A_207 = vector.broadcast %mul3A_206 : i32 to vector<16xi32>
      %mul3A_208 = arith.muli %shift_right_logical3A_181, %mul3A_207 : vector<16xi32>
      %shift_right_logical3A_209 = arith.constant 16 : i32
      %shift_right_logical3A_210 = vector.broadcast %shift_right_logical3A_209 : i32 to vector<16xi32>
      %shift_right_logical3A_211 = arith.shrui %add3A_191, %shift_right_logical3A_210 : vector<16xi32>
      %add3A_212 = arith.addi %mul3A_208, %shift_right_logical3A_211 : vector<16xi32>
      %shift_right_logical3A_213 = arith.constant 16 : i32
      %shift_right_logical3A_214 = vector.broadcast %shift_right_logical3A_213 : i32 to vector<16xi32>
      %shift_right_logical3A_215 = arith.shrui %add3A_198, %shift_right_logical3A_214 : vector<16xi32>
      %add3A_216 = arith.addi %add3A_212, %shift_right_logical3A_215 : vector<16xi32>
      %add3A_217 = arith.addi %or3A_205, %xor3A_141 : vector<16xi32>
      %and3A_218 = arith.andi %or3A_205, %xor3A_141 : vector<16xi32>
      %or3A_219 = arith.ori %or3A_205, %xor3A_141 : vector<16xi32>
      %not3A = arith.constant dense<-1> : vector<16xi32>
      %not3A_220 = arith.xori %add3A_217, %not3A : vector<16xi32>
      %and3A_221 = arith.andi %or3A_219, %not3A_220 : vector<16xi32>
      %or3A_222 = arith.ori %and3A_218, %and3A_221 : vector<16xi32>
      %shift_right_logical3A_223 = arith.constant 31 : i32
      %shift_right_logical3A_224 = vector.broadcast %shift_right_logical3A_223 : i32 to vector<16xi32>
      %shift_right_logical3A_225 = arith.shrui %or3A_222, %shift_right_logical3A_224 : vector<16xi32>
      %add3A_226 = arith.addi %add3A_216, %shift_right_logical3A_225 : vector<16xi32>
      %mul3A_227 = arith.constant 971590 : i32
      %mul3A_228 = vector.broadcast %mul3A_227 : i32 to vector<16xi32>
      %mul3A_229 = arith.muli %add3A_226, %mul3A_228 : vector<16xi32>
      %shift_right_logical3A_230 = arith.constant 20 : i32
      %shift_right_logical3A_231 = vector.broadcast %shift_right_logical3A_230 : i32 to vector<16xi32>
      %shift_right_logical3A_232 = arith.shrui %add3A_217, %shift_right_logical3A_231 : vector<16xi32>
      %mul3A_233 = arith.constant 48577 : i32
      %mul3A_234 = vector.broadcast %mul3A_233 : i32 to vector<16xi32>
      %mul3A_235 = arith.muli %shift_right_logical3A_232, %mul3A_234 : vector<16xi32>
      %and3A_236 = arith.constant 1048575 : i32
      %and3A_237 = vector.broadcast %and3A_236 : i32 to vector<16xi32>
      %and3A_238 = arith.andi %add3A_217, %and3A_237 : vector<16xi32>
      %add3A_239 = arith.addi %mul3A_235, %and3A_238 : vector<16xi32>
      %add3A_240 = arith.addi %mul3A_229, %add3A_239 : vector<16xi32>
      %shift_right_logical3A_241 = arith.constant 20 : i32
      %shift_right_logical3A_242 = vector.broadcast %shift_right_logical3A_241 : i32 to vector<16xi32>
      %shift_right_logical3A_243 = arith.shrui %add3A_240, %shift_right_logical3A_242 : vector<16xi32>
      %mul3A_244 = arith.constant 48577 : i32
      %mul3A_245 = vector.broadcast %mul3A_244 : i32 to vector<16xi32>
      %mul3A_246 = arith.muli %shift_right_logical3A_243, %mul3A_245 : vector<16xi32>
      %and3A_247 = arith.constant 1048575 : i32
      %and3A_248 = vector.broadcast %and3A_247 : i32 to vector<16xi32>
      %and3A_249 = arith.andi %add3A_240, %and3A_248 : vector<16xi32>
      %add3A_250 = arith.addi %mul3A_246, %and3A_249 : vector<16xi32>
      %shift_right_logical3A_251 = arith.constant 20 : i32
      %shift_right_logical3A_252 = vector.broadcast %shift_right_logical3A_251 : i32 to vector<16xi32>
      %shift_right_logical3A_253 = arith.shrui %add3A_250, %shift_right_logical3A_252 : vector<16xi32>
      %mul3A_254 = arith.constant 48577 : i32
      %mul3A_255 = vector.broadcast %mul3A_254 : i32 to vector<16xi32>
      %mul3A_256 = arith.muli %shift_right_logical3A_253, %mul3A_255 : vector<16xi32>
      %and3A_257 = arith.constant 1048575 : i32
      %and3A_258 = vector.broadcast %and3A_257 : i32 to vector<16xi32>
      %and3A_259 = arith.andi %add3A_250, %and3A_258 : vector<16xi32>
      %add3A_260 = arith.addi %mul3A_256, %and3A_259 : vector<16xi32>
      %shift_right_logical3A_261 = arith.constant 20 : i32
      %shift_right_logical3A_262 = vector.broadcast %shift_right_logical3A_261 : i32 to vector<16xi32>
      %shift_right_logical3A_263 = arith.shrui %add3A_260, %shift_right_logical3A_262 : vector<16xi32>
      %mul3A_264 = arith.constant 48577 : i32
      %mul3A_265 = vector.broadcast %mul3A_264 : i32 to vector<16xi32>
      %mul3A_266 = arith.muli %shift_right_logical3A_263, %mul3A_265 : vector<16xi32>
      %and3A_267 = arith.constant 1048575 : i32
      %and3A_268 = vector.broadcast %and3A_267 : i32 to vector<16xi32>
      %and3A_269 = arith.andi %add3A_260, %and3A_268 : vector<16xi32>
      %add3A_270 = arith.addi %mul3A_266, %and3A_269 : vector<16xi32>
      %ge3A = arith.constant 999999 : i32
      %ge3A_271 = vector.broadcast %ge3A : i32 to vector<16xi32>
      %ge3A_272 = arith.cmpi uge, %add3A_270, %ge3A_271 : vector<16xi32>
      %sub3A = arith.constant 999999 : i32
      %sub3A_273 = vector.broadcast %sub3A : i32 to vector<16xi32>
      %sub3A_274 = arith.subi %add3A_270, %sub3A_273 : vector<16xi32>
      %select_n3A = arith.select %ge3A_272, %sub3A_274, %add3A_270 : vector<16xi1>, vector<16xi32>
      %ne3A = arith.constant 0 : i32
      %ne3A_275 = vector.broadcast %ne3A : i32 to vector<16xi32>
      %ne3A_276 = arith.cmpi ne, %get3A_19, %ne3A_275 : vector<16xi32>
      %add3A_277 = arith.constant 1 : i32
      %add3A_278 = vector.broadcast %add3A_277 : i32 to vector<16xi32>
      %add3A_279 = arith.addi %select_n3A, %add3A_278 : vector<16xi32>
      %jit3A = arith.constant 0 : i32
      %broadcast_in_dim3A = vector.broadcast %jit3A : i32 to vector<16xi32>
      %select_n3A_280 = arith.select %ne3A_276, %add3A_279, %broadcast_in_dim3A : vector<16xi1>, vector<16xi32>
      %add3A_281 = arith.constant 0 : i32
      %add3A_282 = arith.addi %mul3A_15, %add3A_281 : i32
      %swap3A = arith.index_cast %add3A_282 : i32 to index
      %swap3A_283 = tpu.vector_load %arg5[%swap3A] {strides = array<i32>} : memref<13312xi32, #tpu.memory_space<vmem>>, vector<16xi32>,
      %swap3A_284 = vector.shape_cast %swap3A_283 : vector<16xi32> to vector<16xi32>
      %swap3A_285 = vector.shape_cast %select_n3A_280 : vector<16xi32> to vector<16xi32>
      tpu.vector_store %arg5[%swap3A], %swap3A_285 {strides = array<i32>} : memref<13312xi32, #tpu.memory_space<vmem>>, vector<16xi32>,
      %add3A_286 = arith.constant 16 : i32
      %add3A_287 = arith.addi %mul3A_15, %add3A_286 : i32
      %get3A_288 = arith.index_cast %add3A_287 : i32 to index
      %get3A_289 = tpu.vector_load %arg4[%get3A_288] {strides = array<i32>} : memref<13312xi32, #tpu.memory_space<vmem>>, vector<16xi32>,
      %get3A_290 = vector.shape_cast %get3A_289 : vector<16xi32> to vector<16xi32>
      %add3A_291 = arith.constant 2135587861 : i32
      %add3A_292 = vector.broadcast %add3A_291 : i32 to vector<16xi32>
      %add3A_293 = arith.addi %get3A_290, %add3A_292 : vector<16xi32>
      %shift_right_logical3A_294 = arith.constant 30 : i32
      %shift_right_logical3A_295 = vector.broadcast %shift_right_logical3A_294 : i32 to vector<16xi32>
      %shift_right_logical3A_296 = arith.shrui %add3A_293, %shift_right_logical3A_295 : vector<16xi32>
      %or3A_297 = arith.constant 2027808484 : i32
      %or3A_298 = vector.broadcast %or3A_297 : i32 to vector<16xi32>
      %or3A_299 = arith.ori %shift_right_logical3A_296, %or3A_298 : vector<16xi32>
      %xor3A_300 = arith.xori %add3A_293, %or3A_299 : vector<16xi32>
      %and3A_301 = arith.constant 65535 : i32
      %and3A_302 = vector.broadcast %and3A_301 : i32 to vector<16xi32>
      %and3A_303 = arith.andi %xor3A_300, %and3A_302 : vector<16xi32>
      %shift_right_logical3A_304 = arith.constant 16 : i32
      %shift_right_logical3A_305 = vector.broadcast %shift_right_logical3A_304 : i32 to vector<16xi32>
      %shift_right_logical3A_306 = arith.shrui %xor3A_300, %shift_right_logical3A_305 : vector<16xi32>
      %mul3A_307 = arith.constant 58809 : i32
      %mul3A_308 = vector.broadcast %mul3A_307 : i32 to vector<16xi32>
      %mul3A_309 = arith.muli %and3A_303, %mul3A_308 : vector<16xi32>
      %mul3A_310 = arith.constant 7396 : i32
      %mul3A_311 = vector.broadcast %mul3A_310 : i32 to vector<16xi32>
      %mul3A_312 = arith.muli %and3A_303, %mul3A_311 : vector<16xi32>
      %shift_right_logical3A_313 = arith.constant 16 : i32
      %shift_right_logical3A_314 = vector.broadcast %shift_right_logical3A_313 : i32 to vector<16xi32>
      %shift_right_logical3A_315 = arith.shrui %mul3A_309, %shift_right_logical3A_314 : vector<16xi32>
      %add3A_316 = arith.addi %mul3A_312, %shift_right_logical3A_315 : vector<16xi32>
      %mul3A_317 = arith.constant 58809 : i32
      %mul3A_318 = vector.broadcast %mul3A_317 : i32 to vector<16xi32>
      %mul3A_319 = arith.muli %shift_right_logical3A_306, %mul3A_318 : vector<16xi32>
      %and3A_320 = arith.constant 65535 : i32
      %and3A_321 = vector.broadcast %and3A_320 : i32 to vector<16xi32>
      %and3A_322 = arith.andi %add3A_316, %and3A_321 : vector<16xi32>
      %add3A_323 = arith.addi %mul3A_319, %and3A_322 : vector<16xi32>
      %shift_left3A_324 = arith.constant 16 : i32
      %shift_left3A_325 = vector.broadcast %shift_left3A_324 : i32 to vector<16xi32>
      %shift_left3A_326 = arith.shli %add3A_323, %shift_left3A_325 : vector<16xi32>
      %and3A_327 = arith.constant 65535 : i32
      %and3A_328 = vector.broadcast %and3A_327 : i32 to vector<16xi32>
      %and3A_329 = arith.andi %mul3A_309, %and3A_328 : vector<16xi32>
      %or3A_330 = arith.ori %shift_left3A_326, %and3A_329 : vector<16xi32>
      %mul3A_331 = arith.constant 7396 : i32
      %mul3A_332 = vector.broadcast %mul3A_331 : i32 to vector<16xi32>
      %mul3A_333 = arith.muli %shift_right_logical3A_306, %mul3A_332 : vector<16xi32>
      %shift_right_logical3A_334 = arith.constant 16 : i32
      %shift_right_logical3A_335 = vector.broadcast %shift_right_logical3A_334 : i32 to vector<16xi32>
      %shift_right_logical3A_336 = arith.shrui %add3A_316, %shift_right_logical3A_335 : vector<16xi32>
      %add3A_337 = arith.addi %mul3A_333, %shift_right_logical3A_336 : vector<16xi32>
      %shift_right_logical3A_338 = arith.constant 16 : i32
      %shift_right_logical3A_339 = vector.broadcast %shift_right_logical3A_338 : i32 to vector<16xi32>
      %shift_right_logical3A_340 = arith.shrui %add3A_323, %shift_right_logical3A_339 : vector<16xi32>
      %add3A_341 = arith.addi %add3A_337, %shift_right_logical3A_340 : vector<16xi32>
      %mul3A_342 = arith.constant -1084733587 : i32
      %mul3A_343 = vector.broadcast %mul3A_342 : i32 to vector<16xi32>
      %mul3A_344 = arith.muli %xor3A_300, %mul3A_343 : vector<16xi32>
      %add3A_345 = arith.addi %add3A_341, %mul3A_344 : vector<16xi32>
      %add3A_346 = arith.constant -729333981 : i32
      %add3A_347 = vector.broadcast %add3A_346 : i32 to vector<16xi32>
      %add3A_348 = arith.addi %add3A_345, %add3A_347 : vector<16xi32>
      %shift_right_logical3A_349 = arith.constant 27 : i32
      %shift_right_logical3A_350 = vector.broadcast %shift_right_logical3A_349 : i32 to vector<16xi32>
      %shift_right_logical3A_351 = arith.shrui %or3A_330, %shift_right_logical3A_350 : vector<16xi32>
      %shift_left3A_352 = arith.constant 5 : i32
      %shift_left3A_353 = vector.broadcast %shift_left3A_352 : i32 to vector<16xi32>
      %shift_left3A_354 = arith.shli %add3A_348, %shift_left3A_353 : vector<16xi32>
      %or3A_355 = arith.ori %shift_right_logical3A_351, %shift_left3A_354 : vector<16xi32>
      %xor3A_356 = arith.xori %or3A_330, %or3A_355 : vector<16xi32>
      %shift_right_logical3A_357 = arith.constant 27 : i32
      %shift_right_logical3A_358 = vector.broadcast %shift_right_logical3A_357 : i32 to vector<16xi32>
      %shift_right_logical3A_359 = arith.shrui %add3A_348, %shift_right_logical3A_358 : vector<16xi32>
      %xor3A_360 = arith.xori %add3A_348, %shift_right_logical3A_359 : vector<16xi32>
      %and3A_361 = arith.constant 65535 : i32
      %and3A_362 = vector.broadcast %and3A_361 : i32 to vector<16xi32>
      %and3A_363 = arith.andi %xor3A_356, %and3A_362 : vector<16xi32>
      %shift_right_logical3A_364 = arith.constant 16 : i32
      %shift_right_logical3A_365 = vector.broadcast %shift_right_logical3A_364 : i32 to vector<16xi32>
      %shift_right_logical3A_366 = arith.shrui %xor3A_356, %shift_right_logical3A_365 : vector<16xi32>
      %mul3A_367 = arith.constant 4587 : i32
      %mul3A_368 = vector.broadcast %mul3A_367 : i32 to vector<16xi32>
      %mul3A_369 = arith.muli %and3A_363, %mul3A_368 : vector<16xi32>
      %mul3A_370 = arith.constant 4913 : i32
      %mul3A_371 = vector.broadcast %mul3A_370 : i32 to vector<16xi32>
      %mul3A_372 = arith.muli %and3A_363, %mul3A_371 : vector<16xi32>
      %shift_right_logical3A_373 = arith.constant 16 : i32
      %shift_right_logical3A_374 = vector.broadcast %shift_right_logical3A_373 : i32 to vector<16xi32>
      %shift_right_logical3A_375 = arith.shrui %mul3A_369, %shift_right_logical3A_374 : vector<16xi32>
      %add3A_376 = arith.addi %mul3A_372, %shift_right_logical3A_375 : vector<16xi32>
      %mul3A_377 = arith.constant 4587 : i32
      %mul3A_378 = vector.broadcast %mul3A_377 : i32 to vector<16xi32>
      %mul3A_379 = arith.muli %shift_right_logical3A_366, %mul3A_378 : vector<16xi32>
      %and3A_380 = arith.constant 65535 : i32
      %and3A_381 = vector.broadcast %and3A_380 : i32 to vector<16xi32>
      %and3A_382 = arith.andi %add3A_376, %and3A_381 : vector<16xi32>
      %add3A_383 = arith.addi %mul3A_379, %and3A_382 : vector<16xi32>
      %shift_left3A_384 = arith.constant 16 : i32
      %shift_left3A_385 = vector.broadcast %shift_left3A_384 : i32 to vector<16xi32>
      %shift_left3A_386 = arith.shli %add3A_383, %shift_left3A_385 : vector<16xi32>
      %and3A_387 = arith.constant 65535 : i32
      %and3A_388 = vector.broadcast %and3A_387 : i32 to vector<16xi32>
      %and3A_389 = arith.andi %mul3A_369, %and3A_388 : vector<16xi32>
      %or3A_390 = arith.ori %shift_left3A_386, %and3A_389 : vector<16xi32>
      %mul3A_391 = arith.constant 4913 : i32
      %mul3A_392 = vector.broadcast %mul3A_391 : i32 to vector<16xi32>
      %mul3A_393 = arith.muli %shift_right_logical3A_366, %mul3A_392 : vector<16xi32>
      %shift_right_logical3A_394 = arith.constant 16 : i32
      %shift_right_logical3A_395 = vector.broadcast %shift_right_logical3A_394 : i32 to vector<16xi32>
      %shift_right_logical3A_396 = arith.shrui %add3A_376, %shift_right_logical3A_395 : vector<16xi32>
      %add3A_397 = arith.addi %mul3A_393, %shift_right_logical3A_396 : vector<16xi32>
      %shift_right_logical3A_398 = arith.constant 16 : i32
      %shift_right_logical3A_399 = vector.broadcast %shift_right_logical3A_398 : i32 to vector<16xi32>
      %shift_right_logical3A_400 = arith.shrui %add3A_383, %shift_right_logical3A_399 : vector<16xi32>
      %add3A_401 = arith.addi %add3A_397, %shift_right_logical3A_400 : vector<16xi32>
      %mul3A_402 = arith.constant -1798288965 : i32
      %mul3A_403 = vector.broadcast %mul3A_402 : i32 to vector<16xi32>
      %mul3A_404 = arith.muli %xor3A_356, %mul3A_403 : vector<16xi32>
      %add3A_405 = arith.addi %add3A_401, %mul3A_404 : vector<16xi32>
      %mul3A_406 = arith.constant 321982955 : i32
      %mul3A_407 = vector.broadcast %mul3A_406 : i32 to vector<16xi32>
      %mul3A_408 = arith.muli %xor3A_360, %mul3A_407 : vector<16xi32>
      %add3A_409 = arith.addi %add3A_405, %mul3A_408 : vector<16xi32>
      %shift_right_logical3A_410 = arith.constant 31 : i32
      %shift_right_logical3A_411 = vector.broadcast %shift_right_logical3A_410 : i32 to vector<16xi32>
      %shift_right_logical3A_412 = arith.shrui %or3A_390, %shift_right_logical3A_411 : vector<16xi32>
      %shift_left3A_413 = arith.constant 1 : i32
      %shift_left3A_414 = vector.broadcast %shift_left3A_413 : i32 to vector<16xi32>
      %shift_left3A_415 = arith.shli %add3A_409, %shift_left3A_414 : vector<16xi32>
      %or3A_416 = arith.ori %shift_right_logical3A_412, %shift_left3A_415 : vector<16xi32>
      %xor3A_417 = arith.xori %or3A_390, %or3A_416 : vector<16xi32>
      %shift_right_logical3A_418 = arith.constant 31 : i32
      %shift_right_logical3A_419 = vector.broadcast %shift_right_logical3A_418 : i32 to vector<16xi32>
      %shift_right_logical3A_420 = arith.shrui %add3A_409, %shift_right_logical3A_419 : vector<16xi32>
      %xor3A_421 = arith.xori %add3A_409, %shift_right_logical3A_420 : vector<16xi32>
      %shift_right_logical3A_422 = arith.constant 20 : i32
      %shift_right_logical3A_423 = vector.broadcast %shift_right_logical3A_422 : i32 to vector<16xi32>
      %shift_right_logical3A_424 = arith.shrui %xor3A_421, %shift_right_logical3A_423 : vector<16xi32>
      %mul3A_425 = arith.constant 48577 : i32
      %mul3A_426 = vector.broadcast %mul3A_425 : i32 to vector<16xi32>
      %mul3A_427 = arith.muli %shift_right_logical3A_424, %mul3A_426 : vector<16xi32>
      %and3A_428 = arith.constant 1048575 : i32
      %and3A_429 = vector.broadcast %and3A_428 : i32 to vector<16xi32>
      %and3A_430 = arith.andi %xor3A_421, %and3A_429 : vector<16xi32>
      %add3A_431 = arith.addi %mul3A_427, %and3A_430 : vector<16xi32>
      %shift_right_logical3A_432 = arith.constant 20 : i32
      %shift_right_logical3A_433 = vector.broadcast %shift_right_logical3A_432 : i32 to vector<16xi32>
      %shift_right_logical3A_434 = arith.shrui %add3A_431, %shift_right_logical3A_433 : vector<16xi32>
      %mul3A_435 = arith.constant 48577 : i32
      %mul3A_436 = vector.broadcast %mul3A_435 : i32 to vector<16xi32>
      %mul3A_437 = arith.muli %shift_right_logical3A_434, %mul3A_436 : vector<16xi32>
      %and3A_438 = arith.constant 1048575 : i32
      %and3A_439 = vector.broadcast %and3A_438 : i32 to vector<16xi32>
      %and3A_440 = arith.andi %add3A_431, %and3A_439 : vector<16xi32>
      %add3A_441 = arith.addi %mul3A_437, %and3A_440 : vector<16xi32>
      %shift_right_logical3A_442 = arith.constant 20 : i32
      %shift_right_logical3A_443 = vector.broadcast %shift_right_logical3A_442 : i32 to vector<16xi32>
      %shift_right_logical3A_444 = arith.shrui %add3A_441, %shift_right_logical3A_443 : vector<16xi32>
      %mul3A_445 = arith.constant 48577 : i32
      %mul3A_446 = vector.broadcast %mul3A_445 : i32 to vector<16xi32>
      %mul3A_447 = arith.muli %shift_right_logical3A_444, %mul3A_446 : vector<16xi32>
      %and3A_448 = arith.constant 1048575 : i32
      %and3A_449 = vector.broadcast %and3A_448 : i32 to vector<16xi32>
      %and3A_450 = arith.andi %add3A_441, %and3A_449 : vector<16xi32>
      %add3A_451 = arith.addi %mul3A_447, %and3A_450 : vector<16xi32>
      %and3A_452 = arith.constant 65535 : i32
      %and3A_453 = vector.broadcast %and3A_452 : i32 to vector<16xi32>
      %and3A_454 = arith.andi %add3A_451, %and3A_453 : vector<16xi32>
      %shift_right_logical3A_455 = arith.constant 16 : i32
      %shift_right_logical3A_456 = vector.broadcast %shift_right_logical3A_455 : i32 to vector<16xi32>
      %shift_right_logical3A_457 = arith.shrui %add3A_451, %shift_right_logical3A_456 : vector<16xi32>
      %mul3A_458 = arith.constant 54086 : i32
      %mul3A_459 = vector.broadcast %mul3A_458 : i32 to vector<16xi32>
      %mul3A_460 = arith.muli %and3A_454, %mul3A_459 : vector<16xi32>
      %mul3A_461 = arith.constant 14 : i32
      %mul3A_462 = vector.broadcast %mul3A_461 : i32 to vector<16xi32>
      %mul3A_463 = arith.muli %and3A_454, %mul3A_462 : vector<16xi32>
      %shift_right_logical3A_464 = arith.constant 16 : i32
      %shift_right_logical3A_465 = vector.broadcast %shift_right_logical3A_464 : i32 to vector<16xi32>
      %shift_right_logical3A_466 = arith.shrui %mul3A_460, %shift_right_logical3A_465 : vector<16xi32>
      %add3A_467 = arith.addi %mul3A_463, %shift_right_logical3A_466 : vector<16xi32>
      %mul3A_468 = arith.constant 54086 : i32
      %mul3A_469 = vector.broadcast %mul3A_468 : i32 to vector<16xi32>
      %mul3A_470 = arith.muli %shift_right_logical3A_457, %mul3A_469 : vector<16xi32>
      %and3A_471 = arith.constant 65535 : i32
      %and3A_472 = vector.broadcast %and3A_471 : i32 to vector<16xi32>
      %and3A_473 = arith.andi %add3A_467, %and3A_472 : vector<16xi32>
      %add3A_474 = arith.addi %mul3A_470, %and3A_473 : vector<16xi32>
      %shift_left3A_475 = arith.constant 16 : i32
      %shift_left3A_476 = vector.broadcast %shift_left3A_475 : i32 to vector<16xi32>
      %shift_left3A_477 = arith.shli %add3A_474, %shift_left3A_476 : vector<16xi32>
      %and3A_478 = arith.constant 65535 : i32
      %and3A_479 = vector.broadcast %and3A_478 : i32 to vector<16xi32>
      %and3A_480 = arith.andi %mul3A_460, %and3A_479 : vector<16xi32>
      %or3A_481 = arith.ori %shift_left3A_477, %and3A_480 : vector<16xi32>
      %mul3A_482 = arith.constant 14 : i32
      %mul3A_483 = vector.broadcast %mul3A_482 : i32 to vector<16xi32>
      %mul3A_484 = arith.muli %shift_right_logical3A_457, %mul3A_483 : vector<16xi32>
      %shift_right_logical3A_485 = arith.constant 16 : i32
      %shift_right_logical3A_486 = vector.broadcast %shift_right_logical3A_485 : i32 to vector<16xi32>
      %shift_right_logical3A_487 = arith.shrui %add3A_467, %shift_right_logical3A_486 : vector<16xi32>
      %add3A_488 = arith.addi %mul3A_484, %shift_right_logical3A_487 : vector<16xi32>
      %shift_right_logical3A_489 = arith.constant 16 : i32
      %shift_right_logical3A_490 = vector.broadcast %shift_right_logical3A_489 : i32 to vector<16xi32>
      %shift_right_logical3A_491 = arith.shrui %add3A_474, %shift_right_logical3A_490 : vector<16xi32>
      %add3A_492 = arith.addi %add3A_488, %shift_right_logical3A_491 : vector<16xi32>
      %add3A_493 = arith.addi %or3A_481, %xor3A_417 : vector<16xi32>
      %and3A_494 = arith.andi %or3A_481, %xor3A_417 : vector<16xi32>
      %or3A_495 = arith.ori %or3A_481, %xor3A_417 : vector<16xi32>
      %not3A_496 = arith.constant dense<-1> : vector<16xi32>
      %not3A_497 = arith.xori %add3A_493, %not3A_496 : vector<16xi32>
      %and3A_498 = arith.andi %or3A_495, %not3A_497 : vector<16xi32>
      %or3A_499 = arith.ori %and3A_494, %and3A_498 : vector<16xi32>
      %shift_right_logical3A_500 = arith.constant 31 : i32
      %shift_right_logical3A_501 = vector.broadcast %shift_right_logical3A_500 : i32 to vector<16xi32>
      %shift_right_logical3A_502 = arith.shrui %or3A_499, %shift_right_logical3A_501 : vector<16xi32>
      %add3A_503 = arith.addi %add3A_492, %shift_right_logical3A_502 : vector<16xi32>
      %mul3A_504 = arith.constant 971590 : i32
      %mul3A_505 = vector.broadcast %mul3A_504 : i32 to vector<16xi32>
      %mul3A_506 = arith.muli %add3A_503, %mul3A_505 : vector<16xi32>
      %shift_right_logical3A_507 = arith.constant 20 : i32
      %shift_right_logical3A_508 = vector.broadcast %shift_right_logical3A_507 : i32 to vector<16xi32>
      %shift_right_logical3A_509 = arith.shrui %add3A_493, %shift_right_logical3A_508 : vector<16xi32>
      %mul3A_510 = arith.constant 48577 : i32
      %mul3A_511 = vector.broadcast %mul3A_510 : i32 to vector<16xi32>
      %mul3A_512 = arith.muli %shift_right_logical3A_509, %mul3A_511 : vector<16xi32>
      %and3A_513 = arith.constant 1048575 : i32
      %and3A_514 = vector.broadcast %and3A_513 : i32 to vector<16xi32>
      %and3A_515 = arith.andi %add3A_493, %and3A_514 : vector<16xi32>
      %add3A_516 = arith.addi %mul3A_512, %and3A_515 : vector<16xi32>
      %add3A_517 = arith.addi %mul3A_506, %add3A_516 : vector<16xi32>
      %shift_right_logical3A_518 = arith.constant 20 : i32
      %shift_right_logical3A_519 = vector.broadcast %shift_right_logical3A_518 : i32 to vector<16xi32>
      %shift_right_logical3A_520 = arith.shrui %add3A_517, %shift_right_logical3A_519 : vector<16xi32>
      %mul3A_521 = arith.constant 48577 : i32
      %mul3A_522 = vector.broadcast %mul3A_521 : i32 to vector<16xi32>
      %mul3A_523 = arith.muli %shift_right_logical3A_520, %mul3A_522 : vector<16xi32>
      %and3A_524 = arith.constant 1048575 : i32
      %and3A_525 = vector.broadcast %and3A_524 : i32 to vector<16xi32>
      %and3A_526 = arith.andi %add3A_517, %and3A_525 : vector<16xi32>
      %add3A_527 = arith.addi %mul3A_523, %and3A_526 : vector<16xi32>
      %shift_right_logical3A_528 = arith.constant 20 : i32
      %shift_right_logical3A_529 = vector.broadcast %shift_right_logical3A_528 : i32 to vector<16xi32>
      %shift_right_logical3A_530 = arith.shrui %add3A_527, %shift_right_logical3A_529 : vector<16xi32>
      %mul3A_531 = arith.constant 48577 : i32
      %mul3A_532 = vector.broadcast %mul3A_531 : i32 to vector<16xi32>
      %mul3A_533 = arith.muli %shift_right_logical3A_530, %mul3A_532 : vector<16xi32>
      %and3A_534 = arith.constant 1048575 : i32
      %and3A_535 = vector.broadcast %and3A_534 : i32 to vector<16xi32>
      %and3A_536 = arith.andi %add3A_527, %and3A_535 : vector<16xi32>
      %add3A_537 = arith.addi %mul3A_533, %and3A_536 : vector<16xi32>
      %shift_right_logical3A_538 = arith.constant 20 : i32
      %shift_right_logical3A_539 = vector.broadcast %shift_right_logical3A_538 : i32 to vector<16xi32>
      %shift_right_logical3A_540 = arith.shrui %add3A_537, %shift_right_logical3A_539 : vector<16xi32>
      %mul3A_541 = arith.constant 48577 : i32
      %mul3A_542 = vector.broadcast %mul3A_541 : i32 to vector<16xi32>
      %mul3A_543 = arith.muli %shift_right_logical3A_540, %mul3A_542 : vector<16xi32>
      %and3A_544 = arith.constant 1048575 : i32
      %and3A_545 = vector.broadcast %and3A_544 : i32 to vector<16xi32>
      %and3A_546 = arith.andi %add3A_537, %and3A_545 : vector<16xi32>
      %add3A_547 = arith.addi %mul3A_543, %and3A_546 : vector<16xi32>
      %ge3A_548 = arith.constant 999999 : i32
      %ge3A_549 = vector.broadcast %ge3A_548 : i32 to vector<16xi32>
      %ge3A_550 = arith.cmpi uge, %add3A_547, %ge3A_549 : vector<16xi32>
      %sub3A_551 = arith.constant 999999 : i32
      %sub3A_552 = vector.broadcast %sub3A_551 : i32 to vector<16xi32>
      %sub3A_553 = arith.subi %add3A_547, %sub3A_552 : vector<16xi32>
      %select_n3A_554 = arith.select %ge3A_550, %sub3A_553, %add3A_547 : vector<16xi1>, vector<16xi32>
      %ne3A_555 = arith.constant 0 : i32
      %ne3A_556 = vector.broadcast %ne3A_555 : i32 to vector<16xi32>
      %ne3A_557 = arith.cmpi ne, %get3A_290, %ne3A_556 : vector<16xi32>
      %add3A_558 = arith.constant 1 : i32
      %add3A_559 = vector.broadcast %add3A_558 : i32 to vector<16xi32>
      %add3A_560 = arith.addi %select_n3A_554, %add3A_559 : vector<16xi32>
      %jit3A_561 = arith.constant 0 : i32
      %broadcast_in_dim3A_562 = vector.broadcast %jit3A_561 : i32 to vector<16xi32>
      %select_n3A_563 = arith.select %ne3A_557, %add3A_560, %broadcast_in_dim3A_562 : vector<16xi1>, vector<16xi32>
      %add3A_564 = arith.constant 16 : i32
      %add3A_565 = arith.addi %mul3A_15, %add3A_564 : i32
      %swap3A_566 = arith.index_cast %add3A_565 : i32 to index
      %swap3A_567 = tpu.vector_load %arg5[%swap3A_566] {strides = array<i32>} : memref<13312xi32, #tpu.memory_space<vmem>>, vector<16xi32>,
      %swap3A_568 = vector.shape_cast %swap3A_567 : vector<16xi32> to vector<16xi32>
      %swap3A_569 = vector.shape_cast %select_n3A_563 : vector<16xi32> to vector<16xi32>
      tpu.vector_store %arg5[%swap3A_566], %swap3A_569 {strides = array<i32>} : memref<13312xi32, #tpu.memory_space<vmem>>, vector<16xi32>,
      %add3A_570 = arith.constant 32 : i32
      %add3A_571 = arith.addi %mul3A_15, %add3A_570 : i32
      %get3A_572 = arith.index_cast %add3A_571 : i32 to index
      %get3A_573 = tpu.vector_load %arg4[%get3A_572] {strides = array<i32>} : memref<13312xi32, #tpu.memory_space<vmem>>, vector<16xi32>,
      %get3A_574 = vector.shape_cast %get3A_573 : vector<16xi32> to vector<16xi32>
      %add3A_575 = arith.constant 2135587861 : i32
      %add3A_576 = vector.broadcast %add3A_575 : i32 to vector<16xi32>
      %add3A_577 = arith.addi %get3A_574, %add3A_576 : vector<16xi32>
      %shift_right_logical3A_578 = arith.constant 30 : i32
      %shift_right_logical3A_579 = vector.broadcast %shift_right_logical3A_578 : i32 to vector<16xi32>
      %shift_right_logical3A_580 = arith.shrui %add3A_577, %shift_right_logical3A_579 : vector<16xi32>
      %or3A_581 = arith.constant 2027808484 : i32
      %or3A_582 = vector.broadcast %or3A_581 : i32 to vector<16xi32>
      %or3A_583 = arith.ori %shift_right_logical3A_580, %or3A_582 : vector<16xi32>
      %xor3A_584 = arith.xori %add3A_577, %or3A_583 : vector<16xi32>
      %and3A_585 = arith.constant 65535 : i32
      %and3A_586 = vector.broadcast %and3A_585 : i32 to vector<16xi32>
      %and3A_587 = arith.andi %xor3A_584, %and3A_586 : vector<16xi32>
      %shift_right_logical3A_588 = arith.constant 16 : i32
      %shift_right_logical3A_589 = vector.broadcast %shift_right_logical3A_588 : i32 to vector<16xi32>
      %shift_right_logical3A_590 = arith.shrui %xor3A_584, %shift_right_logical3A_589 : vector<16xi32>
      %mul3A_591 = arith.constant 58809 : i32
      %mul3A_592 = vector.broadcast %mul3A_591 : i32 to vector<16xi32>
      %mul3A_593 = arith.muli %and3A_587, %mul3A_592 : vector<16xi32>
      %mul3A_594 = arith.constant 7396 : i32
      %mul3A_595 = vector.broadcast %mul3A_594 : i32 to vector<16xi32>
      %mul3A_596 = arith.muli %and3A_587, %mul3A_595 : vector<16xi32>
      %shift_right_logical3A_597 = arith.constant 16 : i32
      %shift_right_logical3A_598 = vector.broadcast %shift_right_logical3A_597 : i32 to vector<16xi32>
      %shift_right_logical3A_599 = arith.shrui %mul3A_593, %shift_right_logical3A_598 : vector<16xi32>
      %add3A_600 = arith.addi %mul3A_596, %shift_right_logical3A_599 : vector<16xi32>
      %mul3A_601 = arith.constant 58809 : i32
      %mul3A_602 = vector.broadcast %mul3A_601 : i32 to vector<16xi32>
      %mul3A_603 = arith.muli %shift_right_logical3A_590, %mul3A_602 : vector<16xi32>
      %and3A_604 = arith.constant 65535 : i32
      %and3A_605 = vector.broadcast %and3A_604 : i32 to vector<16xi32>
      %and3A_606 = arith.andi %add3A_600, %and3A_605 : vector<16xi32>
      %add3A_607 = arith.addi %mul3A_603, %and3A_606 : vector<16xi32>
      %shift_left3A_608 = arith.constant 16 : i32
      %shift_left3A_609 = vector.broadcast %shift_left3A_608 : i32 to vector<16xi32>
      %shift_left3A_610 = arith.shli %add3A_607, %shift_left3A_609 : vector<16xi32>
      %and3A_611 = arith.constant 65535 : i32
      %and3A_612 = vector.broadcast %and3A_611 : i32 to vector<16xi32>
      %and3A_613 = arith.andi %mul3A_593, %and3A_612 : vector<16xi32>
      %or3A_614 = arith.ori %shift_left3A_610, %and3A_613 : vector<16xi32>
      %mul3A_615 = arith.constant 7396 : i32
      %mul3A_616 = vector.broadcast %mul3A_615 : i32 to vector<16xi32>
      %mul3A_617 = arith.muli %shift_right_logical3A_590, %mul3A_616 : vector<16xi32>
      %shift_right_logical3A_618 = arith.constant 16 : i32
      %shift_right_logical3A_619 = vector.broadcast %shift_right_logical3A_618 : i32 to vector<16xi32>
      %shift_right_logical3A_620 = arith.shrui %add3A_600, %shift_right_logical3A_619 : vector<16xi32>
      %add3A_621 = arith.addi %mul3A_617, %shift_right_logical3A_620 : vector<16xi32>
      %shift_right_logical3A_622 = arith.constant 16 : i32
      %shift_right_logical3A_623 = vector.broadcast %shift_right_logical3A_622 : i32 to vector<16xi32>
      %shift_right_logical3A_624 = arith.shrui %add3A_607, %shift_right_logical3A_623 : vector<16xi32>
      %add3A_625 = arith.addi %add3A_621, %shift_right_logical3A_624 : vector<16xi32>
      %mul3A_626 = arith.constant -1084733587 : i32
      %mul3A_627 = vector.broadcast %mul3A_626 : i32 to vector<16xi32>
      %mul3A_628 = arith.muli %xor3A_584, %mul3A_627 : vector<16xi32>
      %add3A_629 = arith.addi %add3A_625, %mul3A_628 : vector<16xi32>
      %add3A_630 = arith.constant -729333981 : i32
      %add3A_631 = vector.broadcast %add3A_630 : i32 to vector<16xi32>
      %add3A_632 = arith.addi %add3A_629, %add3A_631 : vector<16xi32>
      %shift_right_logical3A_633 = arith.constant 27 : i32
      %shift_right_logical3A_634 = vector.broadcast %shift_right_logical3A_633 : i32 to vector<16xi32>
      %shift_right_logical3A_635 = arith.shrui %or3A_614, %shift_right_logical3A_634 : vector<16xi32>
      %shift_left3A_636 = arith.constant 5 : i32
      %shift_left3A_637 = vector.broadcast %shift_left3A_636 : i32 to vector<16xi32>
      %shift_left3A_638 = arith.shli %add3A_632, %shift_left3A_637 : vector<16xi32>
      %or3A_639 = arith.ori %shift_right_logical3A_635, %shift_left3A_638 : vector<16xi32>
      %xor3A_640 = arith.xori %or3A_614, %or3A_639 : vector<16xi32>
      %shift_right_logical3A_641 = arith.constant 27 : i32
      %shift_right_logical3A_642 = vector.broadcast %shift_right_logical3A_641 : i32 to vector<16xi32>
      %shift_right_logical3A_643 = arith.shrui %add3A_632, %shift_right_logical3A_642 : vector<16xi32>
      %xor3A_644 = arith.xori %add3A_632, %shift_right_logical3A_643 : vector<16xi32>
      %and3A_645 = arith.constant 65535 : i32
      %and3A_646 = vector.broadcast %and3A_645 : i32 to vector<16xi32>
      %and3A_647 = arith.andi %xor3A_640, %and3A_646 : vector<16xi32>
      %shift_right_logical3A_648 = arith.constant 16 : i32
      %shift_right_logical3A_649 = vector.broadcast %shift_right_logical3A_648 : i32 to vector<16xi32>
      %shift_right_logical3A_650 = arith.shrui %xor3A_640, %shift_right_logical3A_649 : vector<16xi32>
      %mul3A_651 = arith.constant 4587 : i32
      %mul3A_652 = vector.broadcast %mul3A_651 : i32 to vector<16xi32>
      %mul3A_653 = arith.muli %and3A_647, %mul3A_652 : vector<16xi32>
      %mul3A_654 = arith.constant 4913 : i32
      %mul3A_655 = vector.broadcast %mul3A_654 : i32 to vector<16xi32>
      %mul3A_656 = arith.muli %and3A_647, %mul3A_655 : vector<16xi32>
      %shift_right_logical3A_657 = arith.constant 16 : i32
      %shift_right_logical3A_658 = vector.broadcast %shift_right_logical3A_657 : i32 to vector<16xi32>
      %shift_right_logical3A_659 = arith.shrui %mul3A_653, %shift_right_logical3A_658 : vector<16xi32>
      %add3A_660 = arith.addi %mul3A_656, %shift_right_logical3A_659 : vector<16xi32>
      %mul3A_661 = arith.constant 4587 : i32
      %mul3A_662 = vector.broadcast %mul3A_661 : i32 to vector<16xi32>
      %mul3A_663 = arith.muli %shift_right_logical3A_650, %mul3A_662 : vector<16xi32>
      %and3A_664 = arith.constant 65535 : i32
      %and3A_665 = vector.broadcast %and3A_664 : i32 to vector<16xi32>
      %and3A_666 = arith.andi %add3A_660, %and3A_665 : vector<16xi32>
      %add3A_667 = arith.addi %mul3A_663, %and3A_666 : vector<16xi32>
      %shift_left3A_668 = arith.constant 16 : i32
      %shift_left3A_669 = vector.broadcast %shift_left3A_668 : i32 to vector<16xi32>
      %shift_left3A_670 = arith.shli %add3A_667, %shift_left3A_669 : vector<16xi32>
      %and3A_671 = arith.constant 65535 : i32
      %and3A_672 = vector.broadcast %and3A_671 : i32 to vector<16xi32>
      %and3A_673 = arith.andi %mul3A_653, %and3A_672 : vector<16xi32>
      %or3A_674 = arith.ori %shift_left3A_670, %and3A_673 : vector<16xi32>
      %mul3A_675 = arith.constant 4913 : i32
      %mul3A_676 = vector.broadcast %mul3A_675 : i32 to vector<16xi32>
      %mul3A_677 = arith.muli %shift_right_logical3A_650, %mul3A_676 : vector<16xi32>
      %shift_right_logical3A_678 = arith.constant 16 : i32
      %shift_right_logical3A_679 = vector.broadcast %shift_right_logical3A_678 : i32 to vector<16xi32>
      %shift_right_logical3A_680 = arith.shrui %add3A_660, %shift_right_logical3A_679 : vector<16xi32>
      %add3A_681 = arith.addi %mul3A_677, %shift_right_logical3A_680 : vector<16xi32>
      %shift_right_logical3A_682 = arith.constant 16 : i32
      %shift_right_logical3A_683 = vector.broadcast %shift_right_logical3A_682 : i32 to vector<16xi32>
      %shift_right_logical3A_684 = arith.shrui %add3A_667, %shift_right_logical3A_683 : vector<16xi32>
      %add3A_685 = arith.addi %add3A_681, %shift_right_logical3A_684 : vector<16xi32>
      %mul3A_686 = arith.constant -1798288965 : i32
      %mul3A_687 = vector.broadcast %mul3A_686 : i32 to vector<16xi32>
      %mul3A_688 = arith.muli %xor3A_640, %mul3A_687 : vector<16xi32>
      %add3A_689 = arith.addi %add3A_685, %mul3A_688 : vector<16xi32>
      %mul3A_690 = arith.constant 321982955 : i32
      %mul3A_691 = vector.broadcast %mul3A_690 : i32 to vector<16xi32>
      %mul3A_692 = arith.muli %xor3A_644, %mul3A_691 : vector<16xi32>
      %add3A_693 = arith.addi %add3A_689, %mul3A_692 : vector<16xi32>
      %shift_right_logical3A_694 = arith.constant 31 : i32
      %shift_right_logical3A_695 = vector.broadcast %shift_right_logical3A_694 : i32 to vector<16xi32>
      %shift_right_logical3A_696 = arith.shrui %or3A_674, %shift_right_logical3A_695 : vector<16xi32>
      %shift_left3A_697 = arith.constant 1 : i32
      %shift_left3A_698 = vector.broadcast %shift_left3A_697 : i32 to vector<16xi32>
      %shift_left3A_699 = arith.shli %add3A_693, %shift_left3A_698 : vector<16xi32>
      %or3A_700 = arith.ori %shift_right_logical3A_696, %shift_left3A_699 : vector<16xi32>
      %xor3A_701 = arith.xori %or3A_674, %or3A_700 : vector<16xi32>
      %shift_right_logical3A_702 = arith.constant 31 : i32
      %shift_right_logical3A_703 = vector.broadcast %shift_right_logical3A_702 : i32 to vector<16xi32>
      %shift_right_logical3A_704 = arith.shrui %add3A_693, %shift_right_logical3A_703 : vector<16xi32>
      %xor3A_705 = arith.xori %add3A_693, %shift_right_logical3A_704 : vector<16xi32>
      %shift_right_logical3A_706 = arith.constant 20 : i32
      %shift_right_logical3A_707 = vector.broadcast %shift_right_logical3A_706 : i32 to vector<16xi32>
      %shift_right_logical3A_708 = arith.shrui %xor3A_705, %shift_right_logical3A_707 : vector<16xi32>
      %mul3A_709 = arith.constant 48577 : i32
      %mul3A_710 = vector.broadcast %mul3A_709 : i32 to vector<16xi32>
      %mul3A_711 = arith.muli %shift_right_logical3A_708, %mul3A_710 : vector<16xi32>
      %and3A_712 = arith.constant 1048575 : i32
      %and3A_713 = vector.broadcast %and3A_712 : i32 to vector<16xi32>
      %and3A_714 = arith.andi %xor3A_705, %and3A_713 : vector<16xi32>
      %add3A_715 = arith.addi %mul3A_711, %and3A_714 : vector<16xi32>
      %shift_right_logical3A_716 = arith.constant 20 : i32
      %shift_right_logical3A_717 = vector.broadcast %shift_right_logical3A_716 : i32 to vector<16xi32>
      %shift_right_logical3A_718 = arith.shrui %add3A_715, %shift_right_logical3A_717 : vector<16xi32>
      %mul3A_719 = arith.constant 48577 : i32
      %mul3A_720 = vector.broadcast %mul3A_719 : i32 to vector<16xi32>
      %mul3A_721 = arith.muli %shift_right_logical3A_718, %mul3A_720 : vector<16xi32>
      %and3A_722 = arith.constant 1048575 : i32
      %and3A_723 = vector.broadcast %and3A_722 : i32 to vector<16xi32>
      %and3A_724 = arith.andi %add3A_715, %and3A_723 : vector<16xi32>
      %add3A_725 = arith.addi %mul3A_721, %and3A_724 : vector<16xi32>
      %shift_right_logical3A_726 = arith.constant 20 : i32
      %shift_right_logical3A_727 = vector.broadcast %shift_right_logical3A_726 : i32 to vector<16xi32>
      %shift_right_logical3A_728 = arith.shrui %add3A_725, %shift_right_logical3A_727 : vector<16xi32>
      %mul3A_729 = arith.constant 48577 : i32
      %mul3A_730 = vector.broadcast %mul3A_729 : i32 to vector<16xi32>
      %mul3A_731 = arith.muli %shift_right_logical3A_728, %mul3A_730 : vector<16xi32>
      %and3A_732 = arith.constant 1048575 : i32
      %and3A_733 = vector.broadcast %and3A_732 : i32 to vector<16xi32>
      %and3A_734 = arith.andi %add3A_725, %and3A_733 : vector<16xi32>
      %add3A_735 = arith.addi %mul3A_731, %and3A_734 : vector<16xi32>
      %and3A_736 = arith.constant 65535 : i32
      %and3A_737 = vector.broadcast %and3A_736 : i32 to vector<16xi32>
      %and3A_738 = arith.andi %add3A_735, %and3A_737 : vector<16xi32>
      %shift_right_logical3A_739 = arith.constant 16 : i32
      %shift_right_logical3A_740 = vector.broadcast %shift_right_logical3A_739 : i32 to vector<16xi32>
      %shift_right_logical3A_741 = arith.shrui %add3A_735, %shift_right_logical3A_740 : vector<16xi32>
      %mul3A_742 = arith.constant 54086 : i32
      %mul3A_743 = vector.broadcast %mul3A_742 : i32 to vector<16xi32>
      %mul3A_744 = arith.muli %and3A_738, %mul3A_743 : vector<16xi32>
      %mul3A_745 = arith.constant 14 : i32
      %mul3A_746 = vector.broadcast %mul3A_745 : i32 to vector<16xi32>
      %mul3A_747 = arith.muli %and3A_738, %mul3A_746 : vector<16xi32>
      %shift_right_logical3A_748 = arith.constant 16 : i32
      %shift_right_logical3A_749 = vector.broadcast %shift_right_logical3A_748 : i32 to vector<16xi32>
      %shift_right_logical3A_750 = arith.shrui %mul3A_744, %shift_right_logical3A_749 : vector<16xi32>
      %add3A_751 = arith.addi %mul3A_747, %shift_right_logical3A_750 : vector<16xi32>
      %mul3A_752 = arith.constant 54086 : i32
      %mul3A_753 = vector.broadcast %mul3A_752 : i32 to vector<16xi32>
      %mul3A_754 = arith.muli %shift_right_logical3A_741, %mul3A_753 : vector<16xi32>
      %and3A_755 = arith.constant 65535 : i32
      %and3A_756 = vector.broadcast %and3A_755 : i32 to vector<16xi32>
      %and3A_757 = arith.andi %add3A_751, %and3A_756 : vector<16xi32>
      %add3A_758 = arith.addi %mul3A_754, %and3A_757 : vector<16xi32>
      %shift_left3A_759 = arith.constant 16 : i32
      %shift_left3A_760 = vector.broadcast %shift_left3A_759 : i32 to vector<16xi32>
      %shift_left3A_761 = arith.shli %add3A_758, %shift_left3A_760 : vector<16xi32>
      %and3A_762 = arith.constant 65535 : i32
      %and3A_763 = vector.broadcast %and3A_762 : i32 to vector<16xi32>
      %and3A_764 = arith.andi %mul3A_744, %and3A_763 : vector<16xi32>
      %or3A_765 = arith.ori %shift_left3A_761, %and3A_764 : vector<16xi32>
      %mul3A_766 = arith.constant 14 : i32
      %mul3A_767 = vector.broadcast %mul3A_766 : i32 to vector<16xi32>
      %mul3A_768 = arith.muli %shift_right_logical3A_741, %mul3A_767 : vector<16xi32>
      %shift_right_logical3A_769 = arith.constant 16 : i32
      %shift_right_logical3A_770 = vector.broadcast %shift_right_logical3A_769 : i32 to vector<16xi32>
      %shift_right_logical3A_771 = arith.shrui %add3A_751, %shift_right_logical3A_770 : vector<16xi32>
      %add3A_772 = arith.addi %mul3A_768, %shift_right_logical3A_771 : vector<16xi32>
      %shift_right_logical3A_773 = arith.constant 16 : i32
      %shift_right_logical3A_774 = vector.broadcast %shift_right_logical3A_773 : i32 to vector<16xi32>
      %shift_right_logical3A_775 = arith.shrui %add3A_758, %shift_right_logical3A_774 : vector<16xi32>
      %add3A_776 = arith.addi %add3A_772, %shift_right_logical3A_775 : vector<16xi32>
      %add3A_777 = arith.addi %or3A_765, %xor3A_701 : vector<16xi32>
      %and3A_778 = arith.andi %or3A_765, %xor3A_701 : vector<16xi32>
      %or3A_779 = arith.ori %or3A_765, %xor3A_701 : vector<16xi32>
      %not3A_780 = arith.constant dense<-1> : vector<16xi32>
      %not3A_781 = arith.xori %add3A_777, %not3A_780 : vector<16xi32>
      %and3A_782 = arith.andi %or3A_779, %not3A_781 : vector<16xi32>
      %or3A_783 = arith.ori %and3A_778, %and3A_782 : vector<16xi32>
      %shift_right_logical3A_784 = arith.constant 31 : i32
      %shift_right_logical3A_785 = vector.broadcast %shift_right_logical3A_784 : i32 to vector<16xi32>
      %shift_right_logical3A_786 = arith.shrui %or3A_783, %shift_right_logical3A_785 : vector<16xi32>
      %add3A_787 = arith.addi %add3A_776, %shift_right_logical3A_786 : vector<16xi32>
      %mul3A_788 = arith.constant 971590 : i32
      %mul3A_789 = vector.broadcast %mul3A_788 : i32 to vector<16xi32>
      %mul3A_790 = arith.muli %add3A_787, %mul3A_789 : vector<16xi32>
      %shift_right_logical3A_791 = arith.constant 20 : i32
      %shift_right_logical3A_792 = vector.broadcast %shift_right_logical3A_791 : i32 to vector<16xi32>
      %shift_right_logical3A_793 = arith.shrui %add3A_777, %shift_right_logical3A_792 : vector<16xi32>
      %mul3A_794 = arith.constant 48577 : i32
      %mul3A_795 = vector.broadcast %mul3A_794 : i32 to vector<16xi32>
      %mul3A_796 = arith.muli %shift_right_logical3A_793, %mul3A_795 : vector<16xi32>
      %and3A_797 = arith.constant 1048575 : i32
      %and3A_798 = vector.broadcast %and3A_797 : i32 to vector<16xi32>
      %and3A_799 = arith.andi %add3A_777, %and3A_798 : vector<16xi32>
      %add3A_800 = arith.addi %mul3A_796, %and3A_799 : vector<16xi32>
      %add3A_801 = arith.addi %mul3A_790, %add3A_800 : vector<16xi32>
      %shift_right_logical3A_802 = arith.constant 20 : i32
      %shift_right_logical3A_803 = vector.broadcast %shift_right_logical3A_802 : i32 to vector<16xi32>
      %shift_right_logical3A_804 = arith.shrui %add3A_801, %shift_right_logical3A_803 : vector<16xi32>
      %mul3A_805 = arith.constant 48577 : i32
      %mul3A_806 = vector.broadcast %mul3A_805 : i32 to vector<16xi32>
      %mul3A_807 = arith.muli %shift_right_logical3A_804, %mul3A_806 : vector<16xi32>
      %and3A_808 = arith.constant 1048575 : i32
      %and3A_809 = vector.broadcast %and3A_808 : i32 to vector<16xi32>
      %and3A_810 = arith.andi %add3A_801, %and3A_809 : vector<16xi32>
      %add3A_811 = arith.addi %mul3A_807, %and3A_810 : vector<16xi32>
      %shift_right_logical3A_812 = arith.constant 20 : i32
      %shift_right_logical3A_813 = vector.broadcast %shift_right_logical3A_812 : i32 to vector<16xi32>
      %shift_right_logical3A_814 = arith.shrui %add3A_811, %shift_right_logical3A_813 : vector<16xi32>
      %mul3A_815 = arith.constant 48577 : i32
      %mul3A_816 = vector.broadcast %mul3A_815 : i32 to vector<16xi32>
      %mul3A_817 = arith.muli %shift_right_logical3A_814, %mul3A_816 : vector<16xi32>
      %and3A_818 = arith.constant 1048575 : i32
      %and3A_819 = vector.broadcast %and3A_818 : i32 to vector<16xi32>
      %and3A_820 = arith.andi %add3A_811, %and3A_819 : vector<16xi32>
      %add3A_821 = arith.addi %mul3A_817, %and3A_820 : vector<16xi32>
      %shift_right_logical3A_822 = arith.constant 20 : i32
      %shift_right_logical3A_823 = vector.broadcast %shift_right_logical3A_822 : i32 to vector<16xi32>
      %shift_right_logical3A_824 = arith.shrui %add3A_821, %shift_right_logical3A_823 : vector<16xi32>
      %mul3A_825 = arith.constant 48577 : i32
      %mul3A_826 = vector.broadcast %mul3A_825 : i32 to vector<16xi32>
      %mul3A_827 = arith.muli %shift_right_logical3A_824, %mul3A_826 : vector<16xi32>
      %and3A_828 = arith.constant 1048575 : i32
      %and3A_829 = vector.broadcast %and3A_828 : i32 to vector<16xi32>
      %and3A_830 = arith.andi %add3A_821, %and3A_829 : vector<16xi32>
      %add3A_831 = arith.addi %mul3A_827, %and3A_830 : vector<16xi32>
      %ge3A_832 = arith.constant 999999 : i32
      %ge3A_833 = vector.broadcast %ge3A_832 : i32 to vector<16xi32>
      %ge3A_834 = arith.cmpi uge, %add3A_831, %ge3A_833 : vector<16xi32>
      %sub3A_835 = arith.constant 999999 : i32
      %sub3A_836 = vector.broadcast %sub3A_835 : i32 to vector<16xi32>
      %sub3A_837 = arith.subi %add3A_831, %sub3A_836 : vector<16xi32>
      %select_n3A_838 = arith.select %ge3A_834, %sub3A_837, %add3A_831 : vector<16xi1>, vector<16xi32>
      %ne3A_839 = arith.constant 0 : i32
      %ne3A_840 = vector.broadcast %ne3A_839 : i32 to vector<16xi32>
      %ne3A_841 = arith.cmpi ne, %get3A_574, %ne3A_840 : vector<16xi32>
      %add3A_842 = arith.constant 1 : i32
      %add3A_843 = vector.broadcast %add3A_842 : i32 to vector<16xi32>
      %add3A_844 = arith.addi %select_n3A_838, %add3A_843 : vector<16xi32>
      %jit3A_845 = arith.constant 0 : i32
      %broadcast_in_dim3A_846 = vector.broadcast %jit3A_845 : i32 to vector<16xi32>
      %select_n3A_847 = arith.select %ne3A_841, %add3A_844, %broadcast_in_dim3A_846 : vector<16xi1>, vector<16xi32>
      %add3A_848 = arith.constant 32 : i32
      %add3A_849 = arith.addi %mul3A_15, %add3A_848 : i32
      %swap3A_850 = arith.index_cast %add3A_849 : i32 to index
      %swap3A_851 = tpu.vector_load %arg5[%swap3A_850] {strides = array<i32>} : memref<13312xi32, #tpu.memory_space<vmem>>, vector<16xi32>,
      %swap3A_852 = vector.shape_cast %swap3A_851 : vector<16xi32> to vector<16xi32>
      %swap3A_853 = vector.shape_cast %select_n3A_847 : vector<16xi32> to vector<16xi32>
      tpu.vector_store %arg5[%swap3A_850], %swap3A_853 {strides = array<i32>} : memref<13312xi32, #tpu.memory_space<vmem>>, vector<16xi32>,
      %add3A_854 = arith.constant 48 : i32
      %add3A_855 = arith.addi %mul3A_15, %add3A_854 : i32
      %get3A_856 = arith.index_cast %add3A_855 : i32 to index
      %get3A_857 = tpu.vector_load %arg4[%get3A_856] {strides = array<i32>} : memref<13312xi32, #tpu.memory_space<vmem>>, vector<16xi32>,
      %get3A_858 = vector.shape_cast %get3A_857 : vector<16xi32> to vector<16xi32>
      %add3A_859 = arith.constant 2135587861 : i32
      %add3A_860 = vector.broadcast %add3A_859 : i32 to vector<16xi32>
      %add3A_861 = arith.addi %get3A_858, %add3A_860 : vector<16xi32>
      %shift_right_logical3A_862 = arith.constant 30 : i32
      %shift_right_logical3A_863 = vector.broadcast %shift_right_logical3A_862 : i32 to vector<16xi32>
      %shift_right_logical3A_864 = arith.shrui %add3A_861, %shift_right_logical3A_863 : vector<16xi32>
      %or3A_865 = arith.constant 2027808484 : i32
      %or3A_866 = vector.broadcast %or3A_865 : i32 to vector<16xi32>
      %or3A_867 = arith.ori %shift_right_logical3A_864, %or3A_866 : vector<16xi32>
      %xor3A_868 = arith.xori %add3A_861, %or3A_867 : vector<16xi32>
      %and3A_869 = arith.constant 65535 : i32
      %and3A_870 = vector.broadcast %and3A_869 : i32 to vector<16xi32>
      %and3A_871 = arith.andi %xor3A_868, %and3A_870 : vector<16xi32>
      %shift_right_logical3A_872 = arith.constant 16 : i32
      %shift_right_logical3A_873 = vector.broadcast %shift_right_logical3A_872 : i32 to vector<16xi32>
      %shift_right_logical3A_874 = arith.shrui %xor3A_868, %shift_right_logical3A_873 : vector<16xi32>
      %mul3A_875 = arith.constant 58809 : i32
      %mul3A_876 = vector.broadcast %mul3A_875 : i32 to vector<16xi32>
      %mul3A_877 = arith.muli %and3A_871, %mul3A_876 : vector<16xi32>
      %mul3A_878 = arith.constant 7396 : i32
      %mul3A_879 = vector.broadcast %mul3A_878 : i32 to vector<16xi32>
      %mul3A_880 = arith.muli %and3A_871, %mul3A_879 : vector<16xi32>
      %shift_right_logical3A_881 = arith.constant 16 : i32
      %shift_right_logical3A_882 = vector.broadcast %shift_right_logical3A_881 : i32 to vector<16xi32>
      %shift_right_logical3A_883 = arith.shrui %mul3A_877, %shift_right_logical3A_882 : vector<16xi32>
      %add3A_884 = arith.addi %mul3A_880, %shift_right_logical3A_883 : vector<16xi32>
      %mul3A_885 = arith.constant 58809 : i32
      %mul3A_886 = vector.broadcast %mul3A_885 : i32 to vector<16xi32>
      %mul3A_887 = arith.muli %shift_right_logical3A_874, %mul3A_886 : vector<16xi32>
      %and3A_888 = arith.constant 65535 : i32
      %and3A_889 = vector.broadcast %and3A_888 : i32 to vector<16xi32>
      %and3A_890 = arith.andi %add3A_884, %and3A_889 : vector<16xi32>
      %add3A_891 = arith.addi %mul3A_887, %and3A_890 : vector<16xi32>
      %shift_left3A_892 = arith.constant 16 : i32
      %shift_left3A_893 = vector.broadcast %shift_left3A_892 : i32 to vector<16xi32>
      %shift_left3A_894 = arith.shli %add3A_891, %shift_left3A_893 : vector<16xi32>
      %and3A_895 = arith.constant 65535 : i32
      %and3A_896 = vector.broadcast %and3A_895 : i32 to vector<16xi32>
      %and3A_897 = arith.andi %mul3A_877, %and3A_896 : vector<16xi32>
      %or3A_898 = arith.ori %shift_left3A_894, %and3A_897 : vector<16xi32>
      %mul3A_899 = arith.constant 7396 : i32
      %mul3A_900 = vector.broadcast %mul3A_899 : i32 to vector<16xi32>
      %mul3A_901 = arith.muli %shift_right_logical3A_874, %mul3A_900 : vector<16xi32>
      %shift_right_logical3A_902 = arith.constant 16 : i32
      %shift_right_logical3A_903 = vector.broadcast %shift_right_logical3A_902 : i32 to vector<16xi32>
      %shift_right_logical3A_904 = arith.shrui %add3A_884, %shift_right_logical3A_903 : vector<16xi32>
      %add3A_905 = arith.addi %mul3A_901, %shift_right_logical3A_904 : vector<16xi32>
      %shift_right_logical3A_906 = arith.constant 16 : i32
      %shift_right_logical3A_907 = vector.broadcast %shift_right_logical3A_906 : i32 to vector<16xi32>
      %shift_right_logical3A_908 = arith.shrui %add3A_891, %shift_right_logical3A_907 : vector<16xi32>
      %add3A_909 = arith.addi %add3A_905, %shift_right_logical3A_908 : vector<16xi32>
      %mul3A_910 = arith.constant -1084733587 : i32
      %mul3A_911 = vector.broadcast %mul3A_910 : i32 to vector<16xi32>
      %mul3A_912 = arith.muli %xor3A_868, %mul3A_911 : vector<16xi32>
      %add3A_913 = arith.addi %add3A_909, %mul3A_912 : vector<16xi32>
      %add3A_914 = arith.constant -729333981 : i32
      %add3A_915 = vector.broadcast %add3A_914 : i32 to vector<16xi32>
      %add3A_916 = arith.addi %add3A_913, %add3A_915 : vector<16xi32>
      %shift_right_logical3A_917 = arith.constant 27 : i32
      %shift_right_logical3A_918 = vector.broadcast %shift_right_logical3A_917 : i32 to vector<16xi32>
      %shift_right_logical3A_919 = arith.shrui %or3A_898, %shift_right_logical3A_918 : vector<16xi32>
      %shift_left3A_920 = arith.constant 5 : i32
      %shift_left3A_921 = vector.broadcast %shift_left3A_920 : i32 to vector<16xi32>
      %shift_left3A_922 = arith.shli %add3A_916, %shift_left3A_921 : vector<16xi32>
      %or3A_923 = arith.ori %shift_right_logical3A_919, %shift_left3A_922 : vector<16xi32>
      %xor3A_924 = arith.xori %or3A_898, %or3A_923 : vector<16xi32>
      %shift_right_logical3A_925 = arith.constant 27 : i32
      %shift_right_logical3A_926 = vector.broadcast %shift_right_logical3A_925 : i32 to vector<16xi32>
      %shift_right_logical3A_927 = arith.shrui %add3A_916, %shift_right_logical3A_926 : vector<16xi32>
      %xor3A_928 = arith.xori %add3A_916, %shift_right_logical3A_927 : vector<16xi32>
      %and3A_929 = arith.constant 65535 : i32
      %and3A_930 = vector.broadcast %and3A_929 : i32 to vector<16xi32>
      %and3A_931 = arith.andi %xor3A_924, %and3A_930 : vector<16xi32>
      %shift_right_logical3A_932 = arith.constant 16 : i32
      %shift_right_logical3A_933 = vector.broadcast %shift_right_logical3A_932 : i32 to vector<16xi32>
      %shift_right_logical3A_934 = arith.shrui %xor3A_924, %shift_right_logical3A_933 : vector<16xi32>
      %mul3A_935 = arith.constant 4587 : i32
      %mul3A_936 = vector.broadcast %mul3A_935 : i32 to vector<16xi32>
      %mul3A_937 = arith.muli %and3A_931, %mul3A_936 : vector<16xi32>
      %mul3A_938 = arith.constant 4913 : i32
      %mul3A_939 = vector.broadcast %mul3A_938 : i32 to vector<16xi32>
      %mul3A_940 = arith.muli %and3A_931, %mul3A_939 : vector<16xi32>
      %shift_right_logical3A_941 = arith.constant 16 : i32
      %shift_right_logical3A_942 = vector.broadcast %shift_right_logical3A_941 : i32 to vector<16xi32>
      %shift_right_logical3A_943 = arith.shrui %mul3A_937, %shift_right_logical3A_942 : vector<16xi32>
      %add3A_944 = arith.addi %mul3A_940, %shift_right_logical3A_943 : vector<16xi32>
      %mul3A_945 = arith.constant 4587 : i32
      %mul3A_946 = vector.broadcast %mul3A_945 : i32 to vector<16xi32>
      %mul3A_947 = arith.muli %shift_right_logical3A_934, %mul3A_946 : vector<16xi32>
      %and3A_948 = arith.constant 65535 : i32
      %and3A_949 = vector.broadcast %and3A_948 : i32 to vector<16xi32>
      %and3A_950 = arith.andi %add3A_944, %and3A_949 : vector<16xi32>
      %add3A_951 = arith.addi %mul3A_947, %and3A_950 : vector<16xi32>
      %shift_left3A_952 = arith.constant 16 : i32
      %shift_left3A_953 = vector.broadcast %shift_left3A_952 : i32 to vector<16xi32>
      %shift_left3A_954 = arith.shli %add3A_951, %shift_left3A_953 : vector<16xi32>
      %and3A_955 = arith.constant 65535 : i32
      %and3A_956 = vector.broadcast %and3A_955 : i32 to vector<16xi32>
      %and3A_957 = arith.andi %mul3A_937, %and3A_956 : vector<16xi32>
      %or3A_958 = arith.ori %shift_left3A_954, %and3A_957 : vector<16xi32>
      %mul3A_959 = arith.constant 4913 : i32
      %mul3A_960 = vector.broadcast %mul3A_959 : i32 to vector<16xi32>
      %mul3A_961 = arith.muli %shift_right_logical3A_934, %mul3A_960 : vector<16xi32>
      %shift_right_logical3A_962 = arith.constant 16 : i32
      %shift_right_logical3A_963 = vector.broadcast %shift_right_logical3A_962 : i32 to vector<16xi32>
      %shift_right_logical3A_964 = arith.shrui %add3A_944, %shift_right_logical3A_963 : vector<16xi32>
      %add3A_965 = arith.addi %mul3A_961, %shift_right_logical3A_964 : vector<16xi32>
      %shift_right_logical3A_966 = arith.constant 16 : i32
      %shift_right_logical3A_967 = vector.broadcast %shift_right_logical3A_966 : i32 to vector<16xi32>
      %shift_right_logical3A_968 = arith.shrui %add3A_951, %shift_right_logical3A_967 : vector<16xi32>
      %add3A_969 = arith.addi %add3A_965, %shift_right_logical3A_968 : vector<16xi32>
      %mul3A_970 = arith.constant -1798288965 : i32
      %mul3A_971 = vector.broadcast %mul3A_970 : i32 to vector<16xi32>
      %mul3A_972 = arith.muli %xor3A_924, %mul3A_971 : vector<16xi32>
      %add3A_973 = arith.addi %add3A_969, %mul3A_972 : vector<16xi32>
      %mul3A_974 = arith.constant 321982955 : i32
      %mul3A_975 = vector.broadcast %mul3A_974 : i32 to vector<16xi32>
      %mul3A_976 = arith.muli %xor3A_928, %mul3A_975 : vector<16xi32>
      %add3A_977 = arith.addi %add3A_973, %mul3A_976 : vector<16xi32>
      %shift_right_logical3A_978 = arith.constant 31 : i32
      %shift_right_logical3A_979 = vector.broadcast %shift_right_logical3A_978 : i32 to vector<16xi32>
      %shift_right_logical3A_980 = arith.shrui %or3A_958, %shift_right_logical3A_979 : vector<16xi32>
      %shift_left3A_981 = arith.constant 1 : i32
      %shift_left3A_982 = vector.broadcast %shift_left3A_981 : i32 to vector<16xi32>
      %shift_left3A_983 = arith.shli %add3A_977, %shift_left3A_982 : vector<16xi32>
      %or3A_984 = arith.ori %shift_right_logical3A_980, %shift_left3A_983 : vector<16xi32>
      %xor3A_985 = arith.xori %or3A_958, %or3A_984 : vector<16xi32>
      %shift_right_logical3A_986 = arith.constant 31 : i32
      %shift_right_logical3A_987 = vector.broadcast %shift_right_logical3A_986 : i32 to vector<16xi32>
      %shift_right_logical3A_988 = arith.shrui %add3A_977, %shift_right_logical3A_987 : vector<16xi32>
      %xor3A_989 = arith.xori %add3A_977, %shift_right_logical3A_988 : vector<16xi32>
      %shift_right_logical3A_990 = arith.constant 20 : i32
      %shift_right_logical3A_991 = vector.broadcast %shift_right_logical3A_990 : i32 to vector<16xi32>
      %shift_right_logical3A_992 = arith.shrui %xor3A_989, %shift_right_logical3A_991 : vector<16xi32>
      %mul3A_993 = arith.constant 48577 : i32
      %mul3A_994 = vector.broadcast %mul3A_993 : i32 to vector<16xi32>
      %mul3A_995 = arith.muli %shift_right_logical3A_992, %mul3A_994 : vector<16xi32>
      %and3A_996 = arith.constant 1048575 : i32
      %and3A_997 = vector.broadcast %and3A_996 : i32 to vector<16xi32>
      %and3A_998 = arith.andi %xor3A_989, %and3A_997 : vector<16xi32>
      %add3A_999 = arith.addi %mul3A_995, %and3A_998 : vector<16xi32>
      %shift_right_logical3A_1000 = arith.constant 20 : i32
      %shift_right_logical3A_1001 = vector.broadcast %shift_right_logical3A_1000 : i32 to vector<16xi32>
      %shift_right_logical3A_1002 = arith.shrui %add3A_999, %shift_right_logical3A_1001 : vector<16xi32>
      %mul3A_1003 = arith.constant 48577 : i32
      %mul3A_1004 = vector.broadcast %mul3A_1003 : i32 to vector<16xi32>
      %mul3A_1005 = arith.muli %shift_right_logical3A_1002, %mul3A_1004 : vector<16xi32>
      %and3A_1006 = arith.constant 1048575 : i32
      %and3A_1007 = vector.broadcast %and3A_1006 : i32 to vector<16xi32>
      %and3A_1008 = arith.andi %add3A_999, %and3A_1007 : vector<16xi32>
      %add3A_1009 = arith.addi %mul3A_1005, %and3A_1008 : vector<16xi32>
      %shift_right_logical3A_1010 = arith.constant 20 : i32
      %shift_right_logical3A_1011 = vector.broadcast %shift_right_logical3A_1010 : i32 to vector<16xi32>
      %shift_right_logical3A_1012 = arith.shrui %add3A_1009, %shift_right_logical3A_1011 : vector<16xi32>
      %mul3A_1013 = arith.constant 48577 : i32
      %mul3A_1014 = vector.broadcast %mul3A_1013 : i32 to vector<16xi32>
      %mul3A_1015 = arith.muli %shift_right_logical3A_1012, %mul3A_1014 : vector<16xi32>
      %and3A_1016 = arith.constant 1048575 : i32
      %and3A_1017 = vector.broadcast %and3A_1016 : i32 to vector<16xi32>
      %and3A_1018 = arith.andi %add3A_1009, %and3A_1017 : vector<16xi32>
      %add3A_1019 = arith.addi %mul3A_1015, %and3A_1018 : vector<16xi32>
      %and3A_1020 = arith.constant 65535 : i32
      %and3A_1021 = vector.broadcast %and3A_1020 : i32 to vector<16xi32>
      %and3A_1022 = arith.andi %add3A_1019, %and3A_1021 : vector<16xi32>
      %shift_right_logical3A_1023 = arith.constant 16 : i32
      %shift_right_logical3A_1024 = vector.broadcast %shift_right_logical3A_1023 : i32 to vector<16xi32>
      %shift_right_logical3A_1025 = arith.shrui %add3A_1019, %shift_right_logical3A_1024 : vector<16xi32>
      %mul3A_1026 = arith.constant 54086 : i32
      %mul3A_1027 = vector.broadcast %mul3A_1026 : i32 to vector<16xi32>
      %mul3A_1028 = arith.muli %and3A_1022, %mul3A_1027 : vector<16xi32>
      %mul3A_1029 = arith.constant 14 : i32
      %mul3A_1030 = vector.broadcast %mul3A_1029 : i32 to vector<16xi32>
      %mul3A_1031 = arith.muli %and3A_1022, %mul3A_1030 : vector<16xi32>
      %shift_right_logical3A_1032 = arith.constant 16 : i32
      %shift_right_logical3A_1033 = vector.broadcast %shift_right_logical3A_1032 : i32 to vector<16xi32>
      %shift_right_logical3A_1034 = arith.shrui %mul3A_1028, %shift_right_logical3A_1033 : vector<16xi32>
      %add3A_1035 = arith.addi %mul3A_1031, %shift_right_logical3A_1034 : vector<16xi32>
      %mul3A_1036 = arith.constant 54086 : i32
      %mul3A_1037 = vector.broadcast %mul3A_1036 : i32 to vector<16xi32>
      %mul3A_1038 = arith.muli %shift_right_logical3A_1025, %mul3A_1037 : vector<16xi32>
      %and3A_1039 = arith.constant 65535 : i32
      %and3A_1040 = vector.broadcast %and3A_1039 : i32 to vector<16xi32>
      %and3A_1041 = arith.andi %add3A_1035, %and3A_1040 : vector<16xi32>
      %add3A_1042 = arith.addi %mul3A_1038, %and3A_1041 : vector<16xi32>
      %shift_left3A_1043 = arith.constant 16 : i32
      %shift_left3A_1044 = vector.broadcast %shift_left3A_1043 : i32 to vector<16xi32>
      %shift_left3A_1045 = arith.shli %add3A_1042, %shift_left3A_1044 : vector<16xi32>
      %and3A_1046 = arith.constant 65535 : i32
      %and3A_1047 = vector.broadcast %and3A_1046 : i32 to vector<16xi32>
      %and3A_1048 = arith.andi %mul3A_1028, %and3A_1047 : vector<16xi32>
      %or3A_1049 = arith.ori %shift_left3A_1045, %and3A_1048 : vector<16xi32>
      %mul3A_1050 = arith.constant 14 : i32
      %mul3A_1051 = vector.broadcast %mul3A_1050 : i32 to vector<16xi32>
      %mul3A_1052 = arith.muli %shift_right_logical3A_1025, %mul3A_1051 : vector<16xi32>
      %shift_right_logical3A_1053 = arith.constant 16 : i32
      %shift_right_logical3A_1054 = vector.broadcast %shift_right_logical3A_1053 : i32 to vector<16xi32>
      %shift_right_logical3A_1055 = arith.shrui %add3A_1035, %shift_right_logical3A_1054 : vector<16xi32>
      %add3A_1056 = arith.addi %mul3A_1052, %shift_right_logical3A_1055 : vector<16xi32>
      %shift_right_logical3A_1057 = arith.constant 16 : i32
      %shift_right_logical3A_1058 = vector.broadcast %shift_right_logical3A_1057 : i32 to vector<16xi32>
      %shift_right_logical3A_1059 = arith.shrui %add3A_1042, %shift_right_logical3A_1058 : vector<16xi32>
      %add3A_1060 = arith.addi %add3A_1056, %shift_right_logical3A_1059 : vector<16xi32>
      %add3A_1061 = arith.addi %or3A_1049, %xor3A_985 : vector<16xi32>
      %and3A_1062 = arith.andi %or3A_1049, %xor3A_985 : vector<16xi32>
      %or3A_1063 = arith.ori %or3A_1049, %xor3A_985 : vector<16xi32>
      %not3A_1064 = arith.constant dense<-1> : vector<16xi32>
      %not3A_1065 = arith.xori %add3A_1061, %not3A_1064 : vector<16xi32>
      %and3A_1066 = arith.andi %or3A_1063, %not3A_1065 : vector<16xi32>
      %or3A_1067 = arith.ori %and3A_1062, %and3A_1066 : vector<16xi32>
      %shift_right_logical3A_1068 = arith.constant 31 : i32
      %shift_right_logical3A_1069 = vector.broadcast %shift_right_logical3A_1068 : i32 to vector<16xi32>
      %shift_right_logical3A_1070 = arith.shrui %or3A_1067, %shift_right_logical3A_1069 : vector<16xi32>
      %add3A_1071 = arith.addi %add3A_1060, %shift_right_logical3A_1070 : vector<16xi32>
      %mul3A_1072 = arith.constant 971590 : i32
      %mul3A_1073 = vector.broadcast %mul3A_1072 : i32 to vector<16xi32>
      %mul3A_1074 = arith.muli %add3A_1071, %mul3A_1073 : vector<16xi32>
      %shift_right_logical3A_1075 = arith.constant 20 : i32
      %shift_right_logical3A_1076 = vector.broadcast %shift_right_logical3A_1075 : i32 to vector<16xi32>
      %shift_right_logical3A_1077 = arith.shrui %add3A_1061, %shift_right_logical3A_1076 : vector<16xi32>
      %mul3A_1078 = arith.constant 48577 : i32
      %mul3A_1079 = vector.broadcast %mul3A_1078 : i32 to vector<16xi32>
      %mul3A_1080 = arith.muli %shift_right_logical3A_1077, %mul3A_1079 : vector<16xi32>
      %and3A_1081 = arith.constant 1048575 : i32
      %and3A_1082 = vector.broadcast %and3A_1081 : i32 to vector<16xi32>
      %and3A_1083 = arith.andi %add3A_1061, %and3A_1082 : vector<16xi32>
      %add3A_1084 = arith.addi %mul3A_1080, %and3A_1083 : vector<16xi32>
      %add3A_1085 = arith.addi %mul3A_1074, %add3A_1084 : vector<16xi32>
      %shift_right_logical3A_1086 = arith.constant 20 : i32
      %shift_right_logical3A_1087 = vector.broadcast %shift_right_logical3A_1086 : i32 to vector<16xi32>
      %shift_right_logical3A_1088 = arith.shrui %add3A_1085, %shift_right_logical3A_1087 : vector<16xi32>
      %mul3A_1089 = arith.constant 48577 : i32
      %mul3A_1090 = vector.broadcast %mul3A_1089 : i32 to vector<16xi32>
      %mul3A_1091 = arith.muli %shift_right_logical3A_1088, %mul3A_1090 : vector<16xi32>
      %and3A_1092 = arith.constant 1048575 : i32
      %and3A_1093 = vector.broadcast %and3A_1092 : i32 to vector<16xi32>
      %and3A_1094 = arith.andi %add3A_1085, %and3A_1093 : vector<16xi32>
      %add3A_1095 = arith.addi %mul3A_1091, %and3A_1094 : vector<16xi32>
      %shift_right_logical3A_1096 = arith.constant 20 : i32
      %shift_right_logical3A_1097 = vector.broadcast %shift_right_logical3A_1096 : i32 to vector<16xi32>
      %shift_right_logical3A_1098 = arith.shrui %add3A_1095, %shift_right_logical3A_1097 : vector<16xi32>
      %mul3A_1099 = arith.constant 48577 : i32
      %mul3A_1100 = vector.broadcast %mul3A_1099 : i32 to vector<16xi32>
      %mul3A_1101 = arith.muli %shift_right_logical3A_1098, %mul3A_1100 : vector<16xi32>
      %and3A_1102 = arith.constant 1048575 : i32
      %and3A_1103 = vector.broadcast %and3A_1102 : i32 to vector<16xi32>
      %and3A_1104 = arith.andi %add3A_1095, %and3A_1103 : vector<16xi32>
      %add3A_1105 = arith.addi %mul3A_1101, %and3A_1104 : vector<16xi32>
      %shift_right_logical3A_1106 = arith.constant 20 : i32
      %shift_right_logical3A_1107 = vector.broadcast %shift_right_logical3A_1106 : i32 to vector<16xi32>
      %shift_right_logical3A_1108 = arith.shrui %add3A_1105, %shift_right_logical3A_1107 : vector<16xi32>
      %mul3A_1109 = arith.constant 48577 : i32
      %mul3A_1110 = vector.broadcast %mul3A_1109 : i32 to vector<16xi32>
      %mul3A_1111 = arith.muli %shift_right_logical3A_1108, %mul3A_1110 : vector<16xi32>
      %and3A_1112 = arith.constant 1048575 : i32
      %and3A_1113 = vector.broadcast %and3A_1112 : i32 to vector<16xi32>
      %and3A_1114 = arith.andi %add3A_1105, %and3A_1113 : vector<16xi32>
      %add3A_1115 = arith.addi %mul3A_1111, %and3A_1114 : vector<16xi32>
      %ge3A_1116 = arith.constant 999999 : i32
      %ge3A_1117 = vector.broadcast %ge3A_1116 : i32 to vector<16xi32>
      %ge3A_1118 = arith.cmpi uge, %add3A_1115, %ge3A_1117 : vector<16xi32>
      %sub3A_1119 = arith.constant 999999 : i32
      %sub3A_1120 = vector.broadcast %sub3A_1119 : i32 to vector<16xi32>
      %sub3A_1121 = arith.subi %add3A_1115, %sub3A_1120 : vector<16xi32>
      %select_n3A_1122 = arith.select %ge3A_1118, %sub3A_1121, %add3A_1115 : vector<16xi1>, vector<16xi32>
      %ne3A_1123 = arith.constant 0 : i32
      %ne3A_1124 = vector.broadcast %ne3A_1123 : i32 to vector<16xi32>
      %ne3A_1125 = arith.cmpi ne, %get3A_858, %ne3A_1124 : vector<16xi32>
      %add3A_1126 = arith.constant 1 : i32
      %add3A_1127 = vector.broadcast %add3A_1126 : i32 to vector<16xi32>
      %add3A_1128 = arith.addi %select_n3A_1122, %add3A_1127 : vector<16xi32>
      %jit3A_1129 = arith.constant 0 : i32
      %broadcast_in_dim3A_1130 = vector.broadcast %jit3A_1129 : i32 to vector<16xi32>
      %select_n3A_1131 = arith.select %ne3A_1125, %add3A_1128, %broadcast_in_dim3A_1130 : vector<16xi1>, vector<16xi32>
      %add3A_1132 = arith.constant 48 : i32
      %add3A_1133 = arith.addi %mul3A_15, %add3A_1132 : i32
      %swap3A_1134 = arith.index_cast %add3A_1133 : i32 to index
      %swap3A_1135 = tpu.vector_load %arg5[%swap3A_1134] {strides = array<i32>} : memref<13312xi32, #tpu.memory_space<vmem>>, vector<16xi32>,
      %swap3A_1136 = vector.shape_cast %swap3A_1135 : vector<16xi32> to vector<16xi32>
      %swap3A_1137 = vector.shape_cast %select_n3A_1131 : vector<16xi32> to vector<16xi32>
      tpu.vector_store %arg5[%swap3A_1134], %swap3A_1137 {strides = array<i32>} : memref<13312xi32, #tpu.memory_space<vmem>>, vector<16xi32>,
    }
    %while3A_12 = arith.constant 1 : i32
    scf.for %while3A_13 = %while3A_10 to %while3A_6 step %while3A_12  : i32 {
      %mul3A_14 = arith.constant 64 : i32
      %mul3A_15 = arith.muli %while3A_13, %mul3A_14 : i32
      %add3A_16 = arith.constant 0 : i32
      %add3A_17 = arith.addi %mul3A_15, %add3A_16 : i32
      %get3A = arith.index_cast %add3A_17 : i32 to index
      %get3A_18 = tpu.vector_load %arg4[%get3A] {strides = array<i32>} : memref<13312xi32, #tpu.memory_space<vmem>>, vector<16xi32>,
      %get3A_19 = vector.shape_cast %get3A_18 : vector<16xi32> to vector<16xi32>
      %add3A_20 = arith.constant 2135587861 : i32
      %add3A_21 = vector.broadcast %add3A_20 : i32 to vector<16xi32>
      %add3A_22 = arith.addi %get3A_19, %add3A_21 : vector<16xi32>
      %shift_right_logical3A = arith.constant 30 : i32
      %shift_right_logical3A_23 = vector.broadcast %shift_right_logical3A : i32 to vector<16xi32>
      %shift_right_logical3A_24 = arith.shrui %add3A_22, %shift_right_logical3A_23 : vector<16xi32>
      %or3A = arith.constant 2027808484 : i32
      %or3A_25 = vector.broadcast %or3A : i32 to vector<16xi32>
      %or3A_26 = arith.ori %shift_right_logical3A_24, %or3A_25 : vector<16xi32>
      %xor3A = arith.xori %add3A_22, %or3A_26 : vector<16xi32>
      %and3A = arith.constant 65535 : i32
      %and3A_27 = vector.broadcast %and3A : i32 to vector<16xi32>
      %and3A_28 = arith.andi %xor3A, %and3A_27 : vector<16xi32>
      %shift_right_logical3A_29 = arith.constant 16 : i32
      %shift_right_logical3A_30 = vector.broadcast %shift_right_logical3A_29 : i32 to vector<16xi32>
      %shift_right_logical3A_31 = arith.shrui %xor3A, %shift_right_logical3A_30 : vector<16xi32>
      %mul3A_32 = arith.constant 58809 : i32
      %mul3A_33 = vector.broadcast %mul3A_32 : i32 to vector<16xi32>
      %mul3A_34 = arith.muli %and3A_28, %mul3A_33 : vector<16xi32>
      %mul3A_35 = arith.constant 7396 : i32
      %mul3A_36 = vector.broadcast %mul3A_35 : i32 to vector<16xi32>
      %mul3A_37 = arith.muli %and3A_28, %mul3A_36 : vector<16xi32>
      %shift_right_logical3A_38 = arith.constant 16 : i32
      %shift_right_logical3A_39 = vector.broadcast %shift_right_logical3A_38 : i32 to vector<16xi32>
      %shift_right_logical3A_40 = arith.shrui %mul3A_34, %shift_right_logical3A_39 : vector<16xi32>
      %add3A_41 = arith.addi %mul3A_37, %shift_right_logical3A_40 : vector<16xi32>
      %mul3A_42 = arith.constant 58809 : i32
      %mul3A_43 = vector.broadcast %mul3A_42 : i32 to vector<16xi32>
      %mul3A_44 = arith.muli %shift_right_logical3A_31, %mul3A_43 : vector<16xi32>
      %and3A_45 = arith.constant 65535 : i32
      %and3A_46 = vector.broadcast %and3A_45 : i32 to vector<16xi32>
      %and3A_47 = arith.andi %add3A_41, %and3A_46 : vector<16xi32>
      %add3A_48 = arith.addi %mul3A_44, %and3A_47 : vector<16xi32>
      %shift_left3A = arith.constant 16 : i32
      %shift_left3A_49 = vector.broadcast %shift_left3A : i32 to vector<16xi32>
      %shift_left3A_50 = arith.shli %add3A_48, %shift_left3A_49 : vector<16xi32>
      %and3A_51 = arith.constant 65535 : i32
      %and3A_52 = vector.broadcast %and3A_51 : i32 to vector<16xi32>
      %and3A_53 = arith.andi %mul3A_34, %and3A_52 : vector<16xi32>
      %or3A_54 = arith.ori %shift_left3A_50, %and3A_53 : vector<16xi32>
      %mul3A_55 = arith.constant 7396 : i32
      %mul3A_56 = vector.broadcast %mul3A_55 : i32 to vector<16xi32>
      %mul3A_57 = arith.muli %shift_right_logical3A_31, %mul3A_56 : vector<16xi32>
      %shift_right_logical3A_58 = arith.constant 16 : i32
      %shift_right_logical3A_59 = vector.broadcast %shift_right_logical3A_58 : i32 to vector<16xi32>
      %shift_right_logical3A_60 = arith.shrui %add3A_41, %shift_right_logical3A_59 : vector<16xi32>
      %add3A_61 = arith.addi %mul3A_57, %shift_right_logical3A_60 : vector<16xi32>
      %shift_right_logical3A_62 = arith.constant 16 : i32
      %shift_right_logical3A_63 = vector.broadcast %shift_right_logical3A_62 : i32 to vector<16xi32>
      %shift_right_logical3A_64 = arith.shrui %add3A_48, %shift_right_logical3A_63 : vector<16xi32>
      %add3A_65 = arith.addi %add3A_61, %shift_right_logical3A_64 : vector<16xi32>
      %mul3A_66 = arith.constant -1084733587 : i32
      %mul3A_67 = vector.broadcast %mul3A_66 : i32 to vector<16xi32>
      %mul3A_68 = arith.muli %xor3A, %mul3A_67 : vector<16xi32>
      %add3A_69 = arith.addi %add3A_65, %mul3A_68 : vector<16xi32>
      %add3A_70 = arith.constant -729333981 : i32
      %add3A_71 = vector.broadcast %add3A_70 : i32 to vector<16xi32>
      %add3A_72 = arith.addi %add3A_69, %add3A_71 : vector<16xi32>
      %shift_right_logical3A_73 = arith.constant 27 : i32
      %shift_right_logical3A_74 = vector.broadcast %shift_right_logical3A_73 : i32 to vector<16xi32>
      %shift_right_logical3A_75 = arith.shrui %or3A_54, %shift_right_logical3A_74 : vector<16xi32>
      %shift_left3A_76 = arith.constant 5 : i32
      %shift_left3A_77 = vector.broadcast %shift_left3A_76 : i32 to vector<16xi32>
      %shift_left3A_78 = arith.shli %add3A_72, %shift_left3A_77 : vector<16xi32>
      %or3A_79 = arith.ori %shift_right_logical3A_75, %shift_left3A_78 : vector<16xi32>
      %xor3A_80 = arith.xori %or3A_54, %or3A_79 : vector<16xi32>
      %shift_right_logical3A_81 = arith.constant 27 : i32
      %shift_right_logical3A_82 = vector.broadcast %shift_right_logical3A_81 : i32 to vector<16xi32>
      %shift_right_logical3A_83 = arith.shrui %add3A_72, %shift_right_logical3A_82 : vector<16xi32>
      %xor3A_84 = arith.xori %add3A_72, %shift_right_logical3A_83 : vector<16xi32>
      %and3A_85 = arith.constant 65535 : i32
      %and3A_86 = vector.broadcast %and3A_85 : i32 to vector<16xi32>
      %and3A_87 = arith.andi %xor3A_80, %and3A_86 : vector<16xi32>
      %shift_right_logical3A_88 = arith.constant 16 : i32
      %shift_right_logical3A_89 = vector.broadcast %shift_right_logical3A_88 : i32 to vector<16xi32>
      %shift_right_logical3A_90 = arith.shrui %xor3A_80, %shift_right_logical3A_89 : vector<16xi32>
      %mul3A_91 = arith.constant 4587 : i32
      %mul3A_92 = vector.broadcast %mul3A_91 : i32 to vector<16xi32>
      %mul3A_93 = arith.muli %and3A_87, %mul3A_92 : vector<16xi32>
      %mul3A_94 = arith.constant 4913 : i32
      %mul3A_95 = vector.broadcast %mul3A_94 : i32 to vector<16xi32>
      %mul3A_96 = arith.muli %and3A_87, %mul3A_95 : vector<16xi32>
      %shift_right_logical3A_97 = arith.constant 16 : i32
      %shift_right_logical3A_98 = vector.broadcast %shift_right_logical3A_97 : i32 to vector<16xi32>
      %shift_right_logical3A_99 = arith.shrui %mul3A_93, %shift_right_logical3A_98 : vector<16xi32>
      %add3A_100 = arith.addi %mul3A_96, %shift_right_logical3A_99 : vector<16xi32>
      %mul3A_101 = arith.constant 4587 : i32
      %mul3A_102 = vector.broadcast %mul3A_101 : i32 to vector<16xi32>
      %mul3A_103 = arith.muli %shift_right_logical3A_90, %mul3A_102 : vector<16xi32>
      %and3A_104 = arith.constant 65535 : i32
      %and3A_105 = vector.broadcast %and3A_104 : i32 to vector<16xi32>
      %and3A_106 = arith.andi %add3A_100, %and3A_105 : vector<16xi32>
      %add3A_107 = arith.addi %mul3A_103, %and3A_106 : vector<16xi32>
      %shift_left3A_108 = arith.constant 16 : i32
      %shift_left3A_109 = vector.broadcast %shift_left3A_108 : i32 to vector<16xi32>
      %shift_left3A_110 = arith.shli %add3A_107, %shift_left3A_109 : vector<16xi32>
      %and3A_111 = arith.constant 65535 : i32
      %and3A_112 = vector.broadcast %and3A_111 : i32 to vector<16xi32>
      %and3A_113 = arith.andi %mul3A_93, %and3A_112 : vector<16xi32>
      %or3A_114 = arith.ori %shift_left3A_110, %and3A_113 : vector<16xi32>
      %mul3A_115 = arith.constant 4913 : i32
      %mul3A_116 = vector.broadcast %mul3A_115 : i32 to vector<16xi32>
      %mul3A_117 = arith.muli %shift_right_logical3A_90, %mul3A_116 : vector<16xi32>
      %shift_right_logical3A_118 = arith.constant 16 : i32
      %shift_right_logical3A_119 = vector.broadcast %shift_right_logical3A_118 : i32 to vector<16xi32>
      %shift_right_logical3A_120 = arith.shrui %add3A_100, %shift_right_logical3A_119 : vector<16xi32>
      %add3A_121 = arith.addi %mul3A_117, %shift_right_logical3A_120 : vector<16xi32>
      %shift_right_logical3A_122 = arith.constant 16 : i32
      %shift_right_logical3A_123 = vector.broadcast %shift_right_logical3A_122 : i32 to vector<16xi32>
      %shift_right_logical3A_124 = arith.shrui %add3A_107, %shift_right_logical3A_123 : vector<16xi32>
      %add3A_125 = arith.addi %add3A_121, %shift_right_logical3A_124 : vector<16xi32>
      %mul3A_126 = arith.constant -1798288965 : i32
      %mul3A_127 = vector.broadcast %mul3A_126 : i32 to vector<16xi32>
      %mul3A_128 = arith.muli %xor3A_80, %mul3A_127 : vector<16xi32>
      %add3A_129 = arith.addi %add3A_125, %mul3A_128 : vector<16xi32>
      %mul3A_130 = arith.constant 321982955 : i32
      %mul3A_131 = vector.broadcast %mul3A_130 : i32 to vector<16xi32>
      %mul3A_132 = arith.muli %xor3A_84, %mul3A_131 : vector<16xi32>
      %add3A_133 = arith.addi %add3A_129, %mul3A_132 : vector<16xi32>
      %shift_right_logical3A_134 = arith.constant 31 : i32
      %shift_right_logical3A_135 = vector.broadcast %shift_right_logical3A_134 : i32 to vector<16xi32>
      %shift_right_logical3A_136 = arith.shrui %or3A_114, %shift_right_logical3A_135 : vector<16xi32>
      %shift_left3A_137 = arith.constant 1 : i32
      %shift_left3A_138 = vector.broadcast %shift_left3A_137 : i32 to vector<16xi32>
      %shift_left3A_139 = arith.shli %add3A_133, %shift_left3A_138 : vector<16xi32>
      %or3A_140 = arith.ori %shift_right_logical3A_136, %shift_left3A_139 : vector<16xi32>
      %xor3A_141 = arith.xori %or3A_114, %or3A_140 : vector<16xi32>
      %shift_right_logical3A_142 = arith.constant 31 : i32
      %shift_right_logical3A_143 = vector.broadcast %shift_right_logical3A_142 : i32 to vector<16xi32>
      %shift_right_logical3A_144 = arith.shrui %add3A_133, %shift_right_logical3A_143 : vector<16xi32>
      %xor3A_145 = arith.xori %add3A_133, %shift_right_logical3A_144 : vector<16xi32>
      %shift_right_logical3A_146 = arith.constant 20 : i32
      %shift_right_logical3A_147 = vector.broadcast %shift_right_logical3A_146 : i32 to vector<16xi32>
      %shift_right_logical3A_148 = arith.shrui %xor3A_145, %shift_right_logical3A_147 : vector<16xi32>
      %mul3A_149 = arith.constant 48577 : i32
      %mul3A_150 = vector.broadcast %mul3A_149 : i32 to vector<16xi32>
      %mul3A_151 = arith.muli %shift_right_logical3A_148, %mul3A_150 : vector<16xi32>
      %and3A_152 = arith.constant 1048575 : i32
      %and3A_153 = vector.broadcast %and3A_152 : i32 to vector<16xi32>
      %and3A_154 = arith.andi %xor3A_145, %and3A_153 : vector<16xi32>
      %add3A_155 = arith.addi %mul3A_151, %and3A_154 : vector<16xi32>
      %shift_right_logical3A_156 = arith.constant 20 : i32
      %shift_right_logical3A_157 = vector.broadcast %shift_right_logical3A_156 : i32 to vector<16xi32>
      %shift_right_logical3A_158 = arith.shrui %add3A_155, %shift_right_logical3A_157 : vector<16xi32>
      %mul3A_159 = arith.constant 48577 : i32
      %mul3A_160 = vector.broadcast %mul3A_159 : i32 to vector<16xi32>
      %mul3A_161 = arith.muli %shift_right_logical3A_158, %mul3A_160 : vector<16xi32>
      %and3A_162 = arith.constant 1048575 : i32
      %and3A_163 = vector.broadcast %and3A_162 : i32 to vector<16xi32>
      %and3A_164 = arith.andi %add3A_155, %and3A_163 : vector<16xi32>
      %add3A_165 = arith.addi %mul3A_161, %and3A_164 : vector<16xi32>
      %shift_right_logical3A_166 = arith.constant 20 : i32
      %shift_right_logical3A_167 = vector.broadcast %shift_right_logical3A_166 : i32 to vector<16xi32>
      %shift_right_logical3A_168 = arith.shrui %add3A_165, %shift_right_logical3A_167 : vector<16xi32>
      %mul3A_169 = arith.constant 48577 : i32
      %mul3A_170 = vector.broadcast %mul3A_169 : i32 to vector<16xi32>
      %mul3A_171 = arith.muli %shift_right_logical3A_168, %mul3A_170 : vector<16xi32>
      %and3A_172 = arith.constant 1048575 : i32
      %and3A_173 = vector.broadcast %and3A_172 : i32 to vector<16xi32>
      %and3A_174 = arith.andi %add3A_165, %and3A_173 : vector<16xi32>
      %add3A_175 = arith.addi %mul3A_171, %and3A_174 : vector<16xi32>
      %and3A_176 = arith.constant 65535 : i32
      %and3A_177 = vector.broadcast %and3A_176 : i32 to vector<16xi32>
      %and3A_178 = arith.andi %add3A_175, %and3A_177 : vector<16xi32>
      %shift_right_logical3A_179 = arith.constant 16 : i32
      %shift_right_logical3A_180 = vector.broadcast %shift_right_logical3A_179 : i32 to vector<16xi32>
      %shift_right_logical3A_181 = arith.shrui %add3A_175, %shift_right_logical3A_180 : vector<16xi32>
      %mul3A_182 = arith.constant 54086 : i32
      %mul3A_183 = vector.broadcast %mul3A_182 : i32 to vector<16xi32>
      %mul3A_184 = arith.muli %and3A_178, %mul3A_183 : vector<16xi32>
      %mul3A_185 = arith.constant 14 : i32
      %mul3A_186 = vector.broadcast %mul3A_185 : i32 to vector<16xi32>
      %mul3A_187 = arith.muli %and3A_178, %mul3A_186 : vector<16xi32>
      %shift_right_logical3A_188 = arith.constant 16 : i32
      %shift_right_logical3A_189 = vector.broadcast %shift_right_logical3A_188 : i32 to vector<16xi32>
      %shift_right_logical3A_190 = arith.shrui %mul3A_184, %shift_right_logical3A_189 : vector<16xi32>
      %add3A_191 = arith.addi %mul3A_187, %shift_right_logical3A_190 : vector<16xi32>
      %mul3A_192 = arith.constant 54086 : i32
      %mul3A_193 = vector.broadcast %mul3A_192 : i32 to vector<16xi32>
      %mul3A_194 = arith.muli %shift_right_logical3A_181, %mul3A_193 : vector<16xi32>
      %and3A_195 = arith.constant 65535 : i32
      %and3A_196 = vector.broadcast %and3A_195 : i32 to vector<16xi32>
      %and3A_197 = arith.andi %add3A_191, %and3A_196 : vector<16xi32>
      %add3A_198 = arith.addi %mul3A_194, %and3A_197 : vector<16xi32>
      %shift_left3A_199 = arith.constant 16 : i32
      %shift_left3A_200 = vector.broadcast %shift_left3A_199 : i32 to vector<16xi32>
      %shift_left3A_201 = arith.shli %add3A_198, %shift_left3A_200 : vector<16xi32>
      %and3A_202 = arith.constant 65535 : i32
      %and3A_203 = vector.broadcast %and3A_202 : i32 to vector<16xi32>
      %and3A_204 = arith.andi %mul3A_184, %and3A_203 : vector<16xi32>
      %or3A_205 = arith.ori %shift_left3A_201, %and3A_204 : vector<16xi32>
      %mul3A_206 = arith.constant 14 : i32
      %mul3A_207 = vector.broadcast %mul3A_206 : i32 to vector<16xi32>
      %mul3A_208 = arith.muli %shift_right_logical3A_181, %mul3A_207 : vector<16xi32>
      %shift_right_logical3A_209 = arith.constant 16 : i32
      %shift_right_logical3A_210 = vector.broadcast %shift_right_logical3A_209 : i32 to vector<16xi32>
      %shift_right_logical3A_211 = arith.shrui %add3A_191, %shift_right_logical3A_210 : vector<16xi32>
      %add3A_212 = arith.addi %mul3A_208, %shift_right_logical3A_211 : vector<16xi32>
      %shift_right_logical3A_213 = arith.constant 16 : i32
      %shift_right_logical3A_214 = vector.broadcast %shift_right_logical3A_213 : i32 to vector<16xi32>
      %shift_right_logical3A_215 = arith.shrui %add3A_198, %shift_right_logical3A_214 : vector<16xi32>
      %add3A_216 = arith.addi %add3A_212, %shift_right_logical3A_215 : vector<16xi32>
      %add3A_217 = arith.addi %or3A_205, %xor3A_141 : vector<16xi32>
      %and3A_218 = arith.andi %or3A_205, %xor3A_141 : vector<16xi32>
      %or3A_219 = arith.ori %or3A_205, %xor3A_141 : vector<16xi32>
      %not3A = arith.constant dense<-1> : vector<16xi32>
      %not3A_220 = arith.xori %add3A_217, %not3A : vector<16xi32>
      %and3A_221 = arith.andi %or3A_219, %not3A_220 : vector<16xi32>
      %or3A_222 = arith.ori %and3A_218, %and3A_221 : vector<16xi32>
      %shift_right_logical3A_223 = arith.constant 31 : i32
      %shift_right_logical3A_224 = vector.broadcast %shift_right_logical3A_223 : i32 to vector<16xi32>
      %shift_right_logical3A_225 = arith.shrui %or3A_222, %shift_right_logical3A_224 : vector<16xi32>
      %add3A_226 = arith.addi %add3A_216, %shift_right_logical3A_225 : vector<16xi32>
      %mul3A_227 = arith.constant 971590 : i32
      %mul3A_228 = vector.broadcast %mul3A_227 : i32 to vector<16xi32>
      %mul3A_229 = arith.muli %add3A_226, %mul3A_228 : vector<16xi32>
      %shift_right_logical3A_230 = arith.constant 20 : i32
      %shift_right_logical3A_231 = vector.broadcast %shift_right_logical3A_230 : i32 to vector<16xi32>
      %shift_right_logical3A_232 = arith.shrui %add3A_217, %shift_right_logical3A_231 : vector<16xi32>
      %mul3A_233 = arith.constant 48577 : i32
      %mul3A_234 = vector.broadcast %mul3A_233 : i32 to vector<16xi32>
      %mul3A_235 = arith.muli %shift_right_logical3A_232, %mul3A_234 : vector<16xi32>
      %and3A_236 = arith.constant 1048575 : i32
      %and3A_237 = vector.broadcast %and3A_236 : i32 to vector<16xi32>
      %and3A_238 = arith.andi %add3A_217, %and3A_237 : vector<16xi32>
      %add3A_239 = arith.addi %mul3A_235, %and3A_238 : vector<16xi32>
      %add3A_240 = arith.addi %mul3A_229, %add3A_239 : vector<16xi32>
      %shift_right_logical3A_241 = arith.constant 20 : i32
      %shift_right_logical3A_242 = vector.broadcast %shift_right_logical3A_241 : i32 to vector<16xi32>
      %shift_right_logical3A_243 = arith.shrui %add3A_240, %shift_right_logical3A_242 : vector<16xi32>
      %mul3A_244 = arith.constant 48577 : i32
      %mul3A_245 = vector.broadcast %mul3A_244 : i32 to vector<16xi32>
      %mul3A_246 = arith.muli %shift_right_logical3A_243, %mul3A_245 : vector<16xi32>
      %and3A_247 = arith.constant 1048575 : i32
      %and3A_248 = vector.broadcast %and3A_247 : i32 to vector<16xi32>
      %and3A_249 = arith.andi %add3A_240, %and3A_248 : vector<16xi32>
      %add3A_250 = arith.addi %mul3A_246, %and3A_249 : vector<16xi32>
      %shift_right_logical3A_251 = arith.constant 20 : i32
      %shift_right_logical3A_252 = vector.broadcast %shift_right_logical3A_251 : i32 to vector<16xi32>
      %shift_right_logical3A_253 = arith.shrui %add3A_250, %shift_right_logical3A_252 : vector<16xi32>
      %mul3A_254 = arith.constant 48577 : i32
      %mul3A_255 = vector.broadcast %mul3A_254 : i32 to vector<16xi32>
      %mul3A_256 = arith.muli %shift_right_logical3A_253, %mul3A_255 : vector<16xi32>
      %and3A_257 = arith.constant 1048575 : i32
      %and3A_258 = vector.broadcast %and3A_257 : i32 to vector<16xi32>
      %and3A_259 = arith.andi %add3A_250, %and3A_258 : vector<16xi32>
      %add3A_260 = arith.addi %mul3A_256, %and3A_259 : vector<16xi32>
      %shift_right_logical3A_261 = arith.constant 20 : i32
      %shift_right_logical3A_262 = vector.broadcast %shift_right_logical3A_261 : i32 to vector<16xi32>
      %shift_right_logical3A_263 = arith.shrui %add3A_260, %shift_right_logical3A_262 : vector<16xi32>
      %mul3A_264 = arith.constant 48577 : i32
      %mul3A_265 = vector.broadcast %mul3A_264 : i32 to vector<16xi32>
      %mul3A_266 = arith.muli %shift_right_logical3A_263, %mul3A_265 : vector<16xi32>
      %and3A_267 = arith.constant 1048575 : i32
      %and3A_268 = vector.broadcast %and3A_267 : i32 to vector<16xi32>
      %and3A_269 = arith.andi %add3A_260, %and3A_268 : vector<16xi32>
      %add3A_270 = arith.addi %mul3A_266, %and3A_269 : vector<16xi32>
      %ge3A = arith.constant 999999 : i32
      %ge3A_271 = vector.broadcast %ge3A : i32 to vector<16xi32>
      %ge3A_272 = arith.cmpi uge, %add3A_270, %ge3A_271 : vector<16xi32>
      %sub3A = arith.constant 999999 : i32
      %sub3A_273 = vector.broadcast %sub3A : i32 to vector<16xi32>
      %sub3A_274 = arith.subi %add3A_270, %sub3A_273 : vector<16xi32>
      %select_n3A = arith.select %ge3A_272, %sub3A_274, %add3A_270 : vector<16xi1>, vector<16xi32>
      %ne3A = arith.constant 0 : i32
      %ne3A_275 = vector.broadcast %ne3A : i32 to vector<16xi32>
      %ne3A_276 = arith.cmpi ne, %get3A_19, %ne3A_275 : vector<16xi32>
      %add3A_277 = arith.constant 1 : i32
      %add3A_278 = vector.broadcast %add3A_277 : i32 to vector<16xi32>
      %add3A_279 = arith.addi %select_n3A, %add3A_278 : vector<16xi32>
      %jit3A = arith.constant 0 : i32
      %broadcast_in_dim3A = vector.broadcast %jit3A : i32 to vector<16xi32>
      %select_n3A_280 = arith.select %ne3A_276, %add3A_279, %broadcast_in_dim3A : vector<16xi1>, vector<16xi32>
      %add3A_281 = arith.constant 0 : i32
      %add3A_282 = arith.addi %mul3A_15, %add3A_281 : i32
      %swap3A = arith.index_cast %add3A_282 : i32 to index
      %swap3A_283 = tpu.vector_load %arg5[%swap3A] {strides = array<i32>} : memref<13312xi32, #tpu.memory_space<vmem>>, vector<16xi32>,
      %swap3A_284 = vector.shape_cast %swap3A_283 : vector<16xi32> to vector<16xi32>
      %swap3A_285 = vector.shape_cast %select_n3A_280 : vector<16xi32> to vector<16xi32>
      tpu.vector_store %arg5[%swap3A], %swap3A_285 {strides = array<i32>} : memref<13312xi32, #tpu.memory_space<vmem>>, vector<16xi32>,
      %add3A_286 = arith.constant 16 : i32
      %add3A_287 = arith.addi %mul3A_15, %add3A_286 : i32
      %get3A_288 = arith.index_cast %add3A_287 : i32 to index
      %get3A_289 = tpu.vector_load %arg4[%get3A_288] {strides = array<i32>} : memref<13312xi32, #tpu.memory_space<vmem>>, vector<16xi32>,
      %get3A_290 = vector.shape_cast %get3A_289 : vector<16xi32> to vector<16xi32>
      %add3A_291 = arith.constant 2135587861 : i32
      %add3A_292 = vector.broadcast %add3A_291 : i32 to vector<16xi32>
      %add3A_293 = arith.addi %get3A_290, %add3A_292 : vector<16xi32>
      %shift_right_logical3A_294 = arith.constant 30 : i32
      %shift_right_logical3A_295 = vector.broadcast %shift_right_logical3A_294 : i32 to vector<16xi32>
      %shift_right_logical3A_296 = arith.shrui %add3A_293, %shift_right_logical3A_295 : vector<16xi32>
      %or3A_297 = arith.constant 2027808484 : i32
      %or3A_298 = vector.broadcast %or3A_297 : i32 to vector<16xi32>
      %or3A_299 = arith.ori %shift_right_logical3A_296, %or3A_298 : vector<16xi32>
      %xor3A_300 = arith.xori %add3A_293, %or3A_299 : vector<16xi32>
      %and3A_301 = arith.constant 65535 : i32
      %and3A_302 = vector.broadcast %and3A_301 : i32 to vector<16xi32>
      %and3A_303 = arith.andi %xor3A_300, %and3A_302 : vector<16xi32>
      %shift_right_logical3A_304 = arith.constant 16 : i32
      %shift_right_logical3A_305 = vector.broadcast %shift_right_logical3A_304 : i32 to vector<16xi32>
      %shift_right_logical3A_306 = arith.shrui %xor3A_300, %shift_right_logical3A_305 : vector<16xi32>
      %mul3A_307 = arith.constant 58809 : i32
      %mul3A_308 = vector.broadcast %mul3A_307 : i32 to vector<16xi32>
      %mul3A_309 = arith.muli %and3A_303, %mul3A_308 : vector<16xi32>
      %mul3A_310 = arith.constant 7396 : i32
      %mul3A_311 = vector.broadcast %mul3A_310 : i32 to vector<16xi32>
      %mul3A_312 = arith.muli %and3A_303, %mul3A_311 : vector<16xi32>
      %shift_right_logical3A_313 = arith.constant 16 : i32
      %shift_right_logical3A_314 = vector.broadcast %shift_right_logical3A_313 : i32 to vector<16xi32>
      %shift_right_logical3A_315 = arith.shrui %mul3A_309, %shift_right_logical3A_314 : vector<16xi32>
      %add3A_316 = arith.addi %mul3A_312, %shift_right_logical3A_315 : vector<16xi32>
      %mul3A_317 = arith.constant 58809 : i32
      %mul3A_318 = vector.broadcast %mul3A_317 : i32 to vector<16xi32>
      %mul3A_319 = arith.muli %shift_right_logical3A_306, %mul3A_318 : vector<16xi32>
      %and3A_320 = arith.constant 65535 : i32
      %and3A_321 = vector.broadcast %and3A_320 : i32 to vector<16xi32>
      %and3A_322 = arith.andi %add3A_316, %and3A_321 : vector<16xi32>
      %add3A_323 = arith.addi %mul3A_319, %and3A_322 : vector<16xi32>
      %shift_left3A_324 = arith.constant 16 : i32
      %shift_left3A_325 = vector.broadcast %shift_left3A_324 : i32 to vector<16xi32>
      %shift_left3A_326 = arith.shli %add3A_323, %shift_left3A_325 : vector<16xi32>
      %and3A_327 = arith.constant 65535 : i32
      %and3A_328 = vector.broadcast %and3A_327 : i32 to vector<16xi32>
      %and3A_329 = arith.andi %mul3A_309, %and3A_328 : vector<16xi32>
      %or3A_330 = arith.ori %shift_left3A_326, %and3A_329 : vector<16xi32>
      %mul3A_331 = arith.constant 7396 : i32
      %mul3A_332 = vector.broadcast %mul3A_331 : i32 to vector<16xi32>
      %mul3A_333 = arith.muli %shift_right_logical3A_306, %mul3A_332 : vector<16xi32>
      %shift_right_logical3A_334 = arith.constant 16 : i32
      %shift_right_logical3A_335 = vector.broadcast %shift_right_logical3A_334 : i32 to vector<16xi32>
      %shift_right_logical3A_336 = arith.shrui %add3A_316, %shift_right_logical3A_335 : vector<16xi32>
      %add3A_337 = arith.addi %mul3A_333, %shift_right_logical3A_336 : vector<16xi32>
      %shift_right_logical3A_338 = arith.constant 16 : i32
      %shift_right_logical3A_339 = vector.broadcast %shift_right_logical3A_338 : i32 to vector<16xi32>
      %shift_right_logical3A_340 = arith.shrui %add3A_323, %shift_right_logical3A_339 : vector<16xi32>
      %add3A_341 = arith.addi %add3A_337, %shift_right_logical3A_340 : vector<16xi32>
      %mul3A_342 = arith.constant -1084733587 : i32
      %mul3A_343 = vector.broadcast %mul3A_342 : i32 to vector<16xi32>
      %mul3A_344 = arith.muli %xor3A_300, %mul3A_343 : vector<16xi32>
      %add3A_345 = arith.addi %add3A_341, %mul3A_344 : vector<16xi32>
      %add3A_346 = arith.constant -729333981 : i32
      %add3A_347 = vector.broadcast %add3A_346 : i32 to vector<16xi32>
      %add3A_348 = arith.addi %add3A_345, %add3A_347 : vector<16xi32>
      %shift_right_logical3A_349 = arith.constant 27 : i32
      %shift_right_logical3A_350 = vector.broadcast %shift_right_logical3A_349 : i32 to vector<16xi32>
      %shift_right_logical3A_351 = arith.shrui %or3A_330, %shift_right_logical3A_350 : vector<16xi32>
      %shift_left3A_352 = arith.constant 5 : i32
      %shift_left3A_353 = vector.broadcast %shift_left3A_352 : i32 to vector<16xi32>
      %shift_left3A_354 = arith.shli %add3A_348, %shift_left3A_353 : vector<16xi32>
      %or3A_355 = arith.ori %shift_right_logical3A_351, %shift_left3A_354 : vector<16xi32>
      %xor3A_356 = arith.xori %or3A_330, %or3A_355 : vector<16xi32>
      %shift_right_logical3A_357 = arith.constant 27 : i32
      %shift_right_logical3A_358 = vector.broadcast %shift_right_logical3A_357 : i32 to vector<16xi32>
      %shift_right_logical3A_359 = arith.shrui %add3A_348, %shift_right_logical3A_358 : vector<16xi32>
      %xor3A_360 = arith.xori %add3A_348, %shift_right_logical3A_359 : vector<16xi32>
      %and3A_361 = arith.constant 65535 : i32
      %and3A_362 = vector.broadcast %and3A_361 : i32 to vector<16xi32>
      %and3A_363 = arith.andi %xor3A_356, %and3A_362 : vector<16xi32>
      %shift_right_logical3A_364 = arith.constant 16 : i32
      %shift_right_logical3A_365 = vector.broadcast %shift_right_logical3A_364 : i32 to vector<16xi32>
      %shift_right_logical3A_366 = arith.shrui %xor3A_356, %shift_right_logical3A_365 : vector<16xi32>
      %mul3A_367 = arith.constant 4587 : i32
      %mul3A_368 = vector.broadcast %mul3A_367 : i32 to vector<16xi32>
      %mul3A_369 = arith.muli %and3A_363, %mul3A_368 : vector<16xi32>
      %mul3A_370 = arith.constant 4913 : i32
      %mul3A_371 = vector.broadcast %mul3A_370 : i32 to vector<16xi32>
      %mul3A_372 = arith.muli %and3A_363, %mul3A_371 : vector<16xi32>
      %shift_right_logical3A_373 = arith.constant 16 : i32
      %shift_right_logical3A_374 = vector.broadcast %shift_right_logical3A_373 : i32 to vector<16xi32>
      %shift_right_logical3A_375 = arith.shrui %mul3A_369, %shift_right_logical3A_374 : vector<16xi32>
      %add3A_376 = arith.addi %mul3A_372, %shift_right_logical3A_375 : vector<16xi32>
      %mul3A_377 = arith.constant 4587 : i32
      %mul3A_378 = vector.broadcast %mul3A_377 : i32 to vector<16xi32>
      %mul3A_379 = arith.muli %shift_right_logical3A_366, %mul3A_378 : vector<16xi32>
      %and3A_380 = arith.constant 65535 : i32
      %and3A_381 = vector.broadcast %and3A_380 : i32 to vector<16xi32>
      %and3A_382 = arith.andi %add3A_376, %and3A_381 : vector<16xi32>
      %add3A_383 = arith.addi %mul3A_379, %and3A_382 : vector<16xi32>
      %shift_left3A_384 = arith.constant 16 : i32
      %shift_left3A_385 = vector.broadcast %shift_left3A_384 : i32 to vector<16xi32>
      %shift_left3A_386 = arith.shli %add3A_383, %shift_left3A_385 : vector<16xi32>
      %and3A_387 = arith.constant 65535 : i32
      %and3A_388 = vector.broadcast %and3A_387 : i32 to vector<16xi32>
      %and3A_389 = arith.andi %mul3A_369, %and3A_388 : vector<16xi32>
      %or3A_390 = arith.ori %shift_left3A_386, %and3A_389 : vector<16xi32>
      %mul3A_391 = arith.constant 4913 : i32
      %mul3A_392 = vector.broadcast %mul3A_391 : i32 to vector<16xi32>
      %mul3A_393 = arith.muli %shift_right_logical3A_366, %mul3A_392 : vector<16xi32>
      %shift_right_logical3A_394 = arith.constant 16 : i32
      %shift_right_logical3A_395 = vector.broadcast %shift_right_logical3A_394 : i32 to vector<16xi32>
      %shift_right_logical3A_396 = arith.shrui %add3A_376, %shift_right_logical3A_395 : vector<16xi32>
      %add3A_397 = arith.addi %mul3A_393, %shift_right_logical3A_396 : vector<16xi32>
      %shift_right_logical3A_398 = arith.constant 16 : i32
      %shift_right_logical3A_399 = vector.broadcast %shift_right_logical3A_398 : i32 to vector<16xi32>
      %shift_right_logical3A_400 = arith.shrui %add3A_383, %shift_right_logical3A_399 : vector<16xi32>
      %add3A_401 = arith.addi %add3A_397, %shift_right_logical3A_400 : vector<16xi32>
      %mul3A_402 = arith.constant -1798288965 : i32
      %mul3A_403 = vector.broadcast %mul3A_402 : i32 to vector<16xi32>
      %mul3A_404 = arith.muli %xor3A_356, %mul3A_403 : vector<16xi32>
      %add3A_405 = arith.addi %add3A_401, %mul3A_404 : vector<16xi32>
      %mul3A_406 = arith.constant 321982955 : i32
      %mul3A_407 = vector.broadcast %mul3A_406 : i32 to vector<16xi32>
      %mul3A_408 = arith.muli %xor3A_360, %mul3A_407 : vector<16xi32>
      %add3A_409 = arith.addi %add3A_405, %mul3A_408 : vector<16xi32>
      %shift_right_logical3A_410 = arith.constant 31 : i32
      %shift_right_logical3A_411 = vector.broadcast %shift_right_logical3A_410 : i32 to vector<16xi32>
      %shift_right_logical3A_412 = arith.shrui %or3A_390, %shift_right_logical3A_411 : vector<16xi32>
      %shift_left3A_413 = arith.constant 1 : i32
      %shift_left3A_414 = vector.broadcast %shift_left3A_413 : i32 to vector<16xi32>
      %shift_left3A_415 = arith.shli %add3A_409, %shift_left3A_414 : vector<16xi32>
      %or3A_416 = arith.ori %shift_right_logical3A_412, %shift_left3A_415 : vector<16xi32>
      %xor3A_417 = arith.xori %or3A_390, %or3A_416 : vector<16xi32>
      %shift_right_logical3A_418 = arith.constant 31 : i32
      %shift_right_logical3A_419 = vector.broadcast %shift_right_logical3A_418 : i32 to vector<16xi32>
      %shift_right_logical3A_420 = arith.shrui %add3A_409, %shift_right_logical3A_419 : vector<16xi32>
      %xor3A_421 = arith.xori %add3A_409, %shift_right_logical3A_420 : vector<16xi32>
      %shift_right_logical3A_422 = arith.constant 20 : i32
      %shift_right_logical3A_423 = vector.broadcast %shift_right_logical3A_422 : i32 to vector<16xi32>
      %shift_right_logical3A_424 = arith.shrui %xor3A_421, %shift_right_logical3A_423 : vector<16xi32>
      %mul3A_425 = arith.constant 48577 : i32
      %mul3A_426 = vector.broadcast %mul3A_425 : i32 to vector<16xi32>
      %mul3A_427 = arith.muli %shift_right_logical3A_424, %mul3A_426 : vector<16xi32>
      %and3A_428 = arith.constant 1048575 : i32
      %and3A_429 = vector.broadcast %and3A_428 : i32 to vector<16xi32>
      %and3A_430 = arith.andi %xor3A_421, %and3A_429 : vector<16xi32>
      %add3A_431 = arith.addi %mul3A_427, %and3A_430 : vector<16xi32>
      %shift_right_logical3A_432 = arith.constant 20 : i32
      %shift_right_logical3A_433 = vector.broadcast %shift_right_logical3A_432 : i32 to vector<16xi32>
      %shift_right_logical3A_434 = arith.shrui %add3A_431, %shift_right_logical3A_433 : vector<16xi32>
      %mul3A_435 = arith.constant 48577 : i32
      %mul3A_436 = vector.broadcast %mul3A_435 : i32 to vector<16xi32>
      %mul3A_437 = arith.muli %shift_right_logical3A_434, %mul3A_436 : vector<16xi32>
      %and3A_438 = arith.constant 1048575 : i32
      %and3A_439 = vector.broadcast %and3A_438 : i32 to vector<16xi32>
      %and3A_440 = arith.andi %add3A_431, %and3A_439 : vector<16xi32>
      %add3A_441 = arith.addi %mul3A_437, %and3A_440 : vector<16xi32>
      %shift_right_logical3A_442 = arith.constant 20 : i32
      %shift_right_logical3A_443 = vector.broadcast %shift_right_logical3A_442 : i32 to vector<16xi32>
      %shift_right_logical3A_444 = arith.shrui %add3A_441, %shift_right_logical3A_443 : vector<16xi32>
      %mul3A_445 = arith.constant 48577 : i32
      %mul3A_446 = vector.broadcast %mul3A_445 : i32 to vector<16xi32>
      %mul3A_447 = arith.muli %shift_right_logical3A_444, %mul3A_446 : vector<16xi32>
      %and3A_448 = arith.constant 1048575 : i32
      %and3A_449 = vector.broadcast %and3A_448 : i32 to vector<16xi32>
      %and3A_450 = arith.andi %add3A_441, %and3A_449 : vector<16xi32>
      %add3A_451 = arith.addi %mul3A_447, %and3A_450 : vector<16xi32>
      %and3A_452 = arith.constant 65535 : i32
      %and3A_453 = vector.broadcast %and3A_452 : i32 to vector<16xi32>
      %and3A_454 = arith.andi %add3A_451, %and3A_453 : vector<16xi32>
      %shift_right_logical3A_455 = arith.constant 16 : i32
      %shift_right_logical3A_456 = vector.broadcast %shift_right_logical3A_455 : i32 to vector<16xi32>
      %shift_right_logical3A_457 = arith.shrui %add3A_451, %shift_right_logical3A_456 : vector<16xi32>
      %mul3A_458 = arith.constant 54086 : i32
      %mul3A_459 = vector.broadcast %mul3A_458 : i32 to vector<16xi32>
      %mul3A_460 = arith.muli %and3A_454, %mul3A_459 : vector<16xi32>
      %mul3A_461 = arith.constant 14 : i32
      %mul3A_462 = vector.broadcast %mul3A_461 : i32 to vector<16xi32>
      %mul3A_463 = arith.muli %and3A_454, %mul3A_462 : vector<16xi32>
      %shift_right_logical3A_464 = arith.constant 16 : i32
      %shift_right_logical3A_465 = vector.broadcast %shift_right_logical3A_464 : i32 to vector<16xi32>
      %shift_right_logical3A_466 = arith.shrui %mul3A_460, %shift_right_logical3A_465 : vector<16xi32>
      %add3A_467 = arith.addi %mul3A_463, %shift_right_logical3A_466 : vector<16xi32>
      %mul3A_468 = arith.constant 54086 : i32
      %mul3A_469 = vector.broadcast %mul3A_468 : i32 to vector<16xi32>
      %mul3A_470 = arith.muli %shift_right_logical3A_457, %mul3A_469 : vector<16xi32>
      %and3A_471 = arith.constant 65535 : i32
      %and3A_472 = vector.broadcast %and3A_471 : i32 to vector<16xi32>
      %and3A_473 = arith.andi %add3A_467, %and3A_472 : vector<16xi32>
      %add3A_474 = arith.addi %mul3A_470, %and3A_473 : vector<16xi32>
      %shift_left3A_475 = arith.constant 16 : i32
      %shift_left3A_476 = vector.broadcast %shift_left3A_475 : i32 to vector<16xi32>
      %shift_left3A_477 = arith.shli %add3A_474, %shift_left3A_476 : vector<16xi32>
      %and3A_478 = arith.constant 65535 : i32
      %and3A_479 = vector.broadcast %and3A_478 : i32 to vector<16xi32>
      %and3A_480 = arith.andi %mul3A_460, %and3A_479 : vector<16xi32>
      %or3A_481 = arith.ori %shift_left3A_477, %and3A_480 : vector<16xi32>
      %mul3A_482 = arith.constant 14 : i32
      %mul3A_483 = vector.broadcast %mul3A_482 : i32 to vector<16xi32>
      %mul3A_484 = arith.muli %shift_right_logical3A_457, %mul3A_483 : vector<16xi32>
      %shift_right_logical3A_485 = arith.constant 16 : i32
      %shift_right_logical3A_486 = vector.broadcast %shift_right_logical3A_485 : i32 to vector<16xi32>
      %shift_right_logical3A_487 = arith.shrui %add3A_467, %shift_right_logical3A_486 : vector<16xi32>
      %add3A_488 = arith.addi %mul3A_484, %shift_right_logical3A_487 : vector<16xi32>
      %shift_right_logical3A_489 = arith.constant 16 : i32
      %shift_right_logical3A_490 = vector.broadcast %shift_right_logical3A_489 : i32 to vector<16xi32>
      %shift_right_logical3A_491 = arith.shrui %add3A_474, %shift_right_logical3A_490 : vector<16xi32>
      %add3A_492 = arith.addi %add3A_488, %shift_right_logical3A_491 : vector<16xi32>
      %add3A_493 = arith.addi %or3A_481, %xor3A_417 : vector<16xi32>
      %and3A_494 = arith.andi %or3A_481, %xor3A_417 : vector<16xi32>
      %or3A_495 = arith.ori %or3A_481, %xor3A_417 : vector<16xi32>
      %not3A_496 = arith.constant dense<-1> : vector<16xi32>
      %not3A_497 = arith.xori %add3A_493, %not3A_496 : vector<16xi32>
      %and3A_498 = arith.andi %or3A_495, %not3A_497 : vector<16xi32>
      %or3A_499 = arith.ori %and3A_494, %and3A_498 : vector<16xi32>
      %shift_right_logical3A_500 = arith.constant 31 : i32
      %shift_right_logical3A_501 = vector.broadcast %shift_right_logical3A_500 : i32 to vector<16xi32>
      %shift_right_logical3A_502 = arith.shrui %or3A_499, %shift_right_logical3A_501 : vector<16xi32>
      %add3A_503 = arith.addi %add3A_492, %shift_right_logical3A_502 : vector<16xi32>
      %mul3A_504 = arith.constant 971590 : i32
      %mul3A_505 = vector.broadcast %mul3A_504 : i32 to vector<16xi32>
      %mul3A_506 = arith.muli %add3A_503, %mul3A_505 : vector<16xi32>
      %shift_right_logical3A_507 = arith.constant 20 : i32
      %shift_right_logical3A_508 = vector.broadcast %shift_right_logical3A_507 : i32 to vector<16xi32>
      %shift_right_logical3A_509 = arith.shrui %add3A_493, %shift_right_logical3A_508 : vector<16xi32>
      %mul3A_510 = arith.constant 48577 : i32
      %mul3A_511 = vector.broadcast %mul3A_510 : i32 to vector<16xi32>
      %mul3A_512 = arith.muli %shift_right_logical3A_509, %mul3A_511 : vector<16xi32>
      %and3A_513 = arith.constant 1048575 : i32
      %and3A_514 = vector.broadcast %and3A_513 : i32 to vector<16xi32>
      %and3A_515 = arith.andi %add3A_493, %and3A_514 : vector<16xi32>
      %add3A_516 = arith.addi %mul3A_512, %and3A_515 : vector<16xi32>
      %add3A_517 = arith.addi %mul3A_506, %add3A_516 : vector<16xi32>
      %shift_right_logical3A_518 = arith.constant 20 : i32
      %shift_right_logical3A_519 = vector.broadcast %shift_right_logical3A_518 : i32 to vector<16xi32>
      %shift_right_logical3A_520 = arith.shrui %add3A_517, %shift_right_logical3A_519 : vector<16xi32>
      %mul3A_521 = arith.constant 48577 : i32
      %mul3A_522 = vector.broadcast %mul3A_521 : i32 to vector<16xi32>
      %mul3A_523 = arith.muli %shift_right_logical3A_520, %mul3A_522 : vector<16xi32>
      %and3A_524 = arith.constant 1048575 : i32
      %and3A_525 = vector.broadcast %and3A_524 : i32 to vector<16xi32>
      %and3A_526 = arith.andi %add3A_517, %and3A_525 : vector<16xi32>
      %add3A_527 = arith.addi %mul3A_523, %and3A_526 : vector<16xi32>
      %shift_right_logical3A_528 = arith.constant 20 : i32
      %shift_right_logical3A_529 = vector.broadcast %shift_right_logical3A_528 : i32 to vector<16xi32>
      %shift_right_logical3A_530 = arith.shrui %add3A_527, %shift_right_logical3A_529 : vector<16xi32>
      %mul3A_531 = arith.constant 48577 : i32
      %mul3A_532 = vector.broadcast %mul3A_531 : i32 to vector<16xi32>
      %mul3A_533 = arith.muli %shift_right_logical3A_530, %mul3A_532 : vector<16xi32>
      %and3A_534 = arith.constant 1048575 : i32
      %and3A_535 = vector.broadcast %and3A_534 : i32 to vector<16xi32>
      %and3A_536 = arith.andi %add3A_527, %and3A_535 : vector<16xi32>
      %add3A_537 = arith.addi %mul3A_533, %and3A_536 : vector<16xi32>
      %shift_right_logical3A_538 = arith.constant 20 : i32
      %shift_right_logical3A_539 = vector.broadcast %shift_right_logical3A_538 : i32 to vector<16xi32>
      %shift_right_logical3A_540 = arith.shrui %add3A_537, %shift_right_logical3A_539 : vector<16xi32>
      %mul3A_541 = arith.constant 48577 : i32
      %mul3A_542 = vector.broadcast %mul3A_541 : i32 to vector<16xi32>
      %mul3A_543 = arith.muli %shift_right_logical3A_540, %mul3A_542 : vector<16xi32>
      %and3A_544 = arith.constant 1048575 : i32
      %and3A_545 = vector.broadcast %and3A_544 : i32 to vector<16xi32>
      %and3A_546 = arith.andi %add3A_537, %and3A_545 : vector<16xi32>
      %add3A_547 = arith.addi %mul3A_543, %and3A_546 : vector<16xi32>
      %ge3A_548 = arith.constant 999999 : i32
      %ge3A_549 = vector.broadcast %ge3A_548 : i32 to vector<16xi32>
      %ge3A_550 = arith.cmpi uge, %add3A_547, %ge3A_549 : vector<16xi32>
      %sub3A_551 = arith.constant 999999 : i32
      %sub3A_552 = vector.broadcast %sub3A_551 : i32 to vector<16xi32>
      %sub3A_553 = arith.subi %add3A_547, %sub3A_552 : vector<16xi32>
      %select_n3A_554 = arith.select %ge3A_550, %sub3A_553, %add3A_547 : vector<16xi1>, vector<16xi32>
      %ne3A_555 = arith.constant 0 : i32
      %ne3A_556 = vector.broadcast %ne3A_555 : i32 to vector<16xi32>
      %ne3A_557 = arith.cmpi ne, %get3A_290, %ne3A_556 : vector<16xi32>
      %add3A_558 = arith.constant 1 : i32
      %add3A_559 = vector.broadcast %add3A_558 : i32 to vector<16xi32>
      %add3A_560 = arith.addi %select_n3A_554, %add3A_559 : vector<16xi32>
      %jit3A_561 = arith.constant 0 : i32
      %broadcast_in_dim3A_562 = vector.broadcast %jit3A_561 : i32 to vector<16xi32>
      %select_n3A_563 = arith.select %ne3A_557, %add3A_560, %broadcast_in_dim3A_562 : vector<16xi1>, vector<16xi32>
      %add3A_564 = arith.constant 16 : i32
      %add3A_565 = arith.addi %mul3A_15, %add3A_564 : i32
      %swap3A_566 = arith.index_cast %add3A_565 : i32 to index
      %swap3A_567 = tpu.vector_load %arg5[%swap3A_566] {strides = array<i32>} : memref<13312xi32, #tpu.memory_space<vmem>>, vector<16xi32>,
      %swap3A_568 = vector.shape_cast %swap3A_567 : vector<16xi32> to vector<16xi32>
      %swap3A_569 = vector.shape_cast %select_n3A_563 : vector<16xi32> to vector<16xi32>
      tpu.vector_store %arg5[%swap3A_566], %swap3A_569 {strides = array<i32>} : memref<13312xi32, #tpu.memory_space<vmem>>, vector<16xi32>,
      %add3A_570 = arith.constant 32 : i32
      %add3A_571 = arith.addi %mul3A_15, %add3A_570 : i32
      %get3A_572 = arith.index_cast %add3A_571 : i32 to index
      %get3A_573 = tpu.vector_load %arg4[%get3A_572] {strides = array<i32>} : memref<13312xi32, #tpu.memory_space<vmem>>, vector<16xi32>,
      %get3A_574 = vector.shape_cast %get3A_573 : vector<16xi32> to vector<16xi32>
      %add3A_575 = arith.constant 2135587861 : i32
      %add3A_576 = vector.broadcast %add3A_575 : i32 to vector<16xi32>
      %add3A_577 = arith.addi %get3A_574, %add3A_576 : vector<16xi32>
      %shift_right_logical3A_578 = arith.constant 30 : i32
      %shift_right_logical3A_579 = vector.broadcast %shift_right_logical3A_578 : i32 to vector<16xi32>
      %shift_right_logical3A_580 = arith.shrui %add3A_577, %shift_right_logical3A_579 : vector<16xi32>
      %or3A_581 = arith.constant 2027808484 : i32
      %or3A_582 = vector.broadcast %or3A_581 : i32 to vector<16xi32>
      %or3A_583 = arith.ori %shift_right_logical3A_580, %or3A_582 : vector<16xi32>
      %xor3A_584 = arith.xori %add3A_577, %or3A_583 : vector<16xi32>
      %and3A_585 = arith.constant 65535 : i32
      %and3A_586 = vector.broadcast %and3A_585 : i32 to vector<16xi32>
      %and3A_587 = arith.andi %xor3A_584, %and3A_586 : vector<16xi32>
      %shift_right_logical3A_588 = arith.constant 16 : i32
      %shift_right_logical3A_589 = vector.broadcast %shift_right_logical3A_588 : i32 to vector<16xi32>
      %shift_right_logical3A_590 = arith.shrui %xor3A_584, %shift_right_logical3A_589 : vector<16xi32>
      %mul3A_591 = arith.constant 58809 : i32
      %mul3A_592 = vector.broadcast %mul3A_591 : i32 to vector<16xi32>
      %mul3A_593 = arith.muli %and3A_587, %mul3A_592 : vector<16xi32>
      %mul3A_594 = arith.constant 7396 : i32
      %mul3A_595 = vector.broadcast %mul3A_594 : i32 to vector<16xi32>
      %mul3A_596 = arith.muli %and3A_587, %mul3A_595 : vector<16xi32>
      %shift_right_logical3A_597 = arith.constant 16 : i32
      %shift_right_logical3A_598 = vector.broadcast %shift_right_logical3A_597 : i32 to vector<16xi32>
      %shift_right_logical3A_599 = arith.shrui %mul3A_593, %shift_right_logical3A_598 : vector<16xi32>
      %add3A_600 = arith.addi %mul3A_596, %shift_right_logical3A_599 : vector<16xi32>
      %mul3A_601 = arith.constant 58809 : i32
      %mul3A_602 = vector.broadcast %mul3A_601 : i32 to vector<16xi32>
      %mul3A_603 = arith.muli %shift_right_logical3A_590, %mul3A_602 : vector<16xi32>
      %and3A_604 = arith.constant 65535 : i32
      %and3A_605 = vector.broadcast %and3A_604 : i32 to vector<16xi32>
      %and3A_606 = arith.andi %add3A_600, %and3A_605 : vector<16xi32>
      %add3A_607 = arith.addi %mul3A_603, %and3A_606 : vector<16xi32>
      %shift_left3A_608 = arith.constant 16 : i32
      %shift_left3A_609 = vector.broadcast %shift_left3A_608 : i32 to vector<16xi32>
      %shift_left3A_610 = arith.shli %add3A_607, %shift_left3A_609 : vector<16xi32>
      %and3A_611 = arith.constant 65535 : i32
      %and3A_612 = vector.broadcast %and3A_611 : i32 to vector<16xi32>
      %and3A_613 = arith.andi %mul3A_593, %and3A_612 : vector<16xi32>
      %or3A_614 = arith.ori %shift_left3A_610, %and3A_613 : vector<16xi32>
      %mul3A_615 = arith.constant 7396 : i32
      %mul3A_616 = vector.broadcast %mul3A_615 : i32 to vector<16xi32>
      %mul3A_617 = arith.muli %shift_right_logical3A_590, %mul3A_616 : vector<16xi32>
      %shift_right_logical3A_618 = arith.constant 16 : i32
      %shift_right_logical3A_619 = vector.broadcast %shift_right_logical3A_618 : i32 to vector<16xi32>
      %shift_right_logical3A_620 = arith.shrui %add3A_600, %shift_right_logical3A_619 : vector<16xi32>
      %add3A_621 = arith.addi %mul3A_617, %shift_right_logical3A_620 : vector<16xi32>
      %shift_right_logical3A_622 = arith.constant 16 : i32
      %shift_right_logical3A_623 = vector.broadcast %shift_right_logical3A_622 : i32 to vector<16xi32>
      %shift_right_logical3A_624 = arith.shrui %add3A_607, %shift_right_logical3A_623 : vector<16xi32>
      %add3A_625 = arith.addi %add3A_621, %shift_right_logical3A_624 : vector<16xi32>
      %mul3A_626 = arith.constant -1084733587 : i32
      %mul3A_627 = vector.broadcast %mul3A_626 : i32 to vector<16xi32>
      %mul3A_628 = arith.muli %xor3A_584, %mul3A_627 : vector<16xi32>
      %add3A_629 = arith.addi %add3A_625, %mul3A_628 : vector<16xi32>
      %add3A_630 = arith.constant -729333981 : i32
      %add3A_631 = vector.broadcast %add3A_630 : i32 to vector<16xi32>
      %add3A_632 = arith.addi %add3A_629, %add3A_631 : vector<16xi32>
      %shift_right_logical3A_633 = arith.constant 27 : i32
      %shift_right_logical3A_634 = vector.broadcast %shift_right_logical3A_633 : i32 to vector<16xi32>
      %shift_right_logical3A_635 = arith.shrui %or3A_614, %shift_right_logical3A_634 : vector<16xi32>
      %shift_left3A_636 = arith.constant 5 : i32
      %shift_left3A_637 = vector.broadcast %shift_left3A_636 : i32 to vector<16xi32>
      %shift_left3A_638 = arith.shli %add3A_632, %shift_left3A_637 : vector<16xi32>
      %or3A_639 = arith.ori %shift_right_logical3A_635, %shift_left3A_638 : vector<16xi32>
      %xor3A_640 = arith.xori %or3A_614, %or3A_639 : vector<16xi32>
      %shift_right_logical3A_641 = arith.constant 27 : i32
      %shift_right_logical3A_642 = vector.broadcast %shift_right_logical3A_641 : i32 to vector<16xi32>
      %shift_right_logical3A_643 = arith.shrui %add3A_632, %shift_right_logical3A_642 : vector<16xi32>
      %xor3A_644 = arith.xori %add3A_632, %shift_right_logical3A_643 : vector<16xi32>
      %and3A_645 = arith.constant 65535 : i32
      %and3A_646 = vector.broadcast %and3A_645 : i32 to vector<16xi32>
      %and3A_647 = arith.andi %xor3A_640, %and3A_646 : vector<16xi32>
      %shift_right_logical3A_648 = arith.constant 16 : i32
      %shift_right_logical3A_649 = vector.broadcast %shift_right_logical3A_648 : i32 to vector<16xi32>
      %shift_right_logical3A_650 = arith.shrui %xor3A_640, %shift_right_logical3A_649 : vector<16xi32>
      %mul3A_651 = arith.constant 4587 : i32
      %mul3A_652 = vector.broadcast %mul3A_651 : i32 to vector<16xi32>
      %mul3A_653 = arith.muli %and3A_647, %mul3A_652 : vector<16xi32>
      %mul3A_654 = arith.constant 4913 : i32
      %mul3A_655 = vector.broadcast %mul3A_654 : i32 to vector<16xi32>
      %mul3A_656 = arith.muli %and3A_647, %mul3A_655 : vector<16xi32>
      %shift_right_logical3A_657 = arith.constant 16 : i32
      %shift_right_logical3A_658 = vector.broadcast %shift_right_logical3A_657 : i32 to vector<16xi32>
      %shift_right_logical3A_659 = arith.shrui %mul3A_653, %shift_right_logical3A_658 : vector<16xi32>
      %add3A_660 = arith.addi %mul3A_656, %shift_right_logical3A_659 : vector<16xi32>
      %mul3A_661 = arith.constant 4587 : i32
      %mul3A_662 = vector.broadcast %mul3A_661 : i32 to vector<16xi32>
      %mul3A_663 = arith.muli %shift_right_logical3A_650, %mul3A_662 : vector<16xi32>
      %and3A_664 = arith.constant 65535 : i32
      %and3A_665 = vector.broadcast %and3A_664 : i32 to vector<16xi32>
      %and3A_666 = arith.andi %add3A_660, %and3A_665 : vector<16xi32>
      %add3A_667 = arith.addi %mul3A_663, %and3A_666 : vector<16xi32>
      %shift_left3A_668 = arith.constant 16 : i32
      %shift_left3A_669 = vector.broadcast %shift_left3A_668 : i32 to vector<16xi32>
      %shift_left3A_670 = arith.shli %add3A_667, %shift_left3A_669 : vector<16xi32>
      %and3A_671 = arith.constant 65535 : i32
      %and3A_672 = vector.broadcast %and3A_671 : i32 to vector<16xi32>
      %and3A_673 = arith.andi %mul3A_653, %and3A_672 : vector<16xi32>
      %or3A_674 = arith.ori %shift_left3A_670, %and3A_673 : vector<16xi32>
      %mul3A_675 = arith.constant 4913 : i32
      %mul3A_676 = vector.broadcast %mul3A_675 : i32 to vector<16xi32>
      %mul3A_677 = arith.muli %shift_right_logical3A_650, %mul3A_676 : vector<16xi32>
      %shift_right_logical3A_678 = arith.constant 16 : i32
      %shift_right_logical3A_679 = vector.broadcast %shift_right_logical3A_678 : i32 to vector<16xi32>
      %shift_right_logical3A_680 = arith.shrui %add3A_660, %shift_right_logical3A_679 : vector<16xi32>
      %add3A_681 = arith.addi %mul3A_677, %shift_right_logical3A_680 : vector<16xi32>
      %shift_right_logical3A_682 = arith.constant 16 : i32
      %shift_right_logical3A_683 = vector.broadcast %shift_right_logical3A_682 : i32 to vector<16xi32>
      %shift_right_logical3A_684 = arith.shrui %add3A_667, %shift_right_logical3A_683 : vector<16xi32>
      %add3A_685 = arith.addi %add3A_681, %shift_right_logical3A_684 : vector<16xi32>
      %mul3A_686 = arith.constant -1798288965 : i32
      %mul3A_687 = vector.broadcast %mul3A_686 : i32 to vector<16xi32>
      %mul3A_688 = arith.muli %xor3A_640, %mul3A_687 : vector<16xi32>
      %add3A_689 = arith.addi %add3A_685, %mul3A_688 : vector<16xi32>
      %mul3A_690 = arith.constant 321982955 : i32
      %mul3A_691 = vector.broadcast %mul3A_690 : i32 to vector<16xi32>
      %mul3A_692 = arith.muli %xor3A_644, %mul3A_691 : vector<16xi32>
      %add3A_693 = arith.addi %add3A_689, %mul3A_692 : vector<16xi32>
      %shift_right_logical3A_694 = arith.constant 31 : i32
      %shift_right_logical3A_695 = vector.broadcast %shift_right_logical3A_694 : i32 to vector<16xi32>
      %shift_right_logical3A_696 = arith.shrui %or3A_674, %shift_right_logical3A_695 : vector<16xi32>
      %shift_left3A_697 = arith.constant 1 : i32
      %shift_left3A_698 = vector.broadcast %shift_left3A_697 : i32 to vector<16xi32>
      %shift_left3A_699 = arith.shli %add3A_693, %shift_left3A_698 : vector<16xi32>
      %or3A_700 = arith.ori %shift_right_logical3A_696, %shift_left3A_699 : vector<16xi32>
      %xor3A_701 = arith.xori %or3A_674, %or3A_700 : vector<16xi32>
      %shift_right_logical3A_702 = arith.constant 31 : i32
      %shift_right_logical3A_703 = vector.broadcast %shift_right_logical3A_702 : i32 to vector<16xi32>
      %shift_right_logical3A_704 = arith.shrui %add3A_693, %shift_right_logical3A_703 : vector<16xi32>
      %xor3A_705 = arith.xori %add3A_693, %shift_right_logical3A_704 : vector<16xi32>
      %shift_right_logical3A_706 = arith.constant 20 : i32
      %shift_right_logical3A_707 = vector.broadcast %shift_right_logical3A_706 : i32 to vector<16xi32>
      %shift_right_logical3A_708 = arith.shrui %xor3A_705, %shift_right_logical3A_707 : vector<16xi32>
      %mul3A_709 = arith.constant 48577 : i32
      %mul3A_710 = vector.broadcast %mul3A_709 : i32 to vector<16xi32>
      %mul3A_711 = arith.muli %shift_right_logical3A_708, %mul3A_710 : vector<16xi32>
      %and3A_712 = arith.constant 1048575 : i32
      %and3A_713 = vector.broadcast %and3A_712 : i32 to vector<16xi32>
      %and3A_714 = arith.andi %xor3A_705, %and3A_713 : vector<16xi32>
      %add3A_715 = arith.addi %mul3A_711, %and3A_714 : vector<16xi32>
      %shift_right_logical3A_716 = arith.constant 20 : i32
      %shift_right_logical3A_717 = vector.broadcast %shift_right_logical3A_716 : i32 to vector<16xi32>
      %shift_right_logical3A_718 = arith.shrui %add3A_715, %shift_right_logical3A_717 : vector<16xi32>
      %mul3A_719 = arith.constant 48577 : i32
      %mul3A_720 = vector.broadcast %mul3A_719 : i32 to vector<16xi32>
      %mul3A_721 = arith.muli %shift_right_logical3A_718, %mul3A_720 : vector<16xi32>
      %and3A_722 = arith.constant 1048575 : i32
      %and3A_723 = vector.broadcast %and3A_722 : i32 to vector<16xi32>
      %and3A_724 = arith.andi %add3A_715, %and3A_723 : vector<16xi32>
      %add3A_725 = arith.addi %mul3A_721, %and3A_724 : vector<16xi32>
      %shift_right_logical3A_726 = arith.constant 20 : i32
      %shift_right_logical3A_727 = vector.broadcast %shift_right_logical3A_726 : i32 to vector<16xi32>
      %shift_right_logical3A_728 = arith.shrui %add3A_725, %shift_right_logical3A_727 : vector<16xi32>
      %mul3A_729 = arith.constant 48577 : i32
      %mul3A_730 = vector.broadcast %mul3A_729 : i32 to vector<16xi32>
      %mul3A_731 = arith.muli %shift_right_logical3A_728, %mul3A_730 : vector<16xi32>
      %and3A_732 = arith.constant 1048575 : i32
      %and3A_733 = vector.broadcast %and3A_732 : i32 to vector<16xi32>
      %and3A_734 = arith.andi %add3A_725, %and3A_733 : vector<16xi32>
      %add3A_735 = arith.addi %mul3A_731, %and3A_734 : vector<16xi32>
      %and3A_736 = arith.constant 65535 : i32
      %and3A_737 = vector.broadcast %and3A_736 : i32 to vector<16xi32>
      %and3A_738 = arith.andi %add3A_735, %and3A_737 : vector<16xi32>
      %shift_right_logical3A_739 = arith.constant 16 : i32
      %shift_right_logical3A_740 = vector.broadcast %shift_right_logical3A_739 : i32 to vector<16xi32>
      %shift_right_logical3A_741 = arith.shrui %add3A_735, %shift_right_logical3A_740 : vector<16xi32>
      %mul3A_742 = arith.constant 54086 : i32
      %mul3A_743 = vector.broadcast %mul3A_742 : i32 to vector<16xi32>
      %mul3A_744 = arith.muli %and3A_738, %mul3A_743 : vector<16xi32>
      %mul3A_745 = arith.constant 14 : i32
      %mul3A_746 = vector.broadcast %mul3A_745 : i32 to vector<16xi32>
      %mul3A_747 = arith.muli %and3A_738, %mul3A_746 : vector<16xi32>
      %shift_right_logical3A_748 = arith.constant 16 : i32
      %shift_right_logical3A_749 = vector.broadcast %shift_right_logical3A_748 : i32 to vector<16xi32>
      %shift_right_logical3A_750 = arith.shrui %mul3A_744, %shift_right_logical3A_749 : vector<16xi32>
      %add3A_751 = arith.addi %mul3A_747, %shift_right_logical3A_750 : vector<16xi32>
      %mul3A_752 = arith.constant 54086 : i32
      %mul3A_753 = vector.broadcast %mul3A_752 : i32 to vector<16xi32>
      %mul3A_754 = arith.muli %shift_right_logical3A_741, %mul3A_753 : vector<16xi32>
      %and3A_755 = arith.constant 65535 : i32
      %and3A_756 = vector.broadcast %and3A_755 : i32 to vector<16xi32>
      %and3A_757 = arith.andi %add3A_751, %and3A_756 : vector<16xi32>
      %add3A_758 = arith.addi %mul3A_754, %and3A_757 : vector<16xi32>
      %shift_left3A_759 = arith.constant 16 : i32
      %shift_left3A_760 = vector.broadcast %shift_left3A_759 : i32 to vector<16xi32>
      %shift_left3A_761 = arith.shli %add3A_758, %shift_left3A_760 : vector<16xi32>
      %and3A_762 = arith.constant 65535 : i32
      %and3A_763 = vector.broadcast %and3A_762 : i32 to vector<16xi32>
      %and3A_764 = arith.andi %mul3A_744, %and3A_763 : vector<16xi32>
      %or3A_765 = arith.ori %shift_left3A_761, %and3A_764 : vector<16xi32>
      %mul3A_766 = arith.constant 14 : i32
      %mul3A_767 = vector.broadcast %mul3A_766 : i32 to vector<16xi32>
      %mul3A_768 = arith.muli %shift_right_logical3A_741, %mul3A_767 : vector<16xi32>
      %shift_right_logical3A_769 = arith.constant 16 : i32
      %shift_right_logical3A_770 = vector.broadcast %shift_right_logical3A_769 : i32 to vector<16xi32>
      %shift_right_logical3A_771 = arith.shrui %add3A_751, %shift_right_logical3A_770 : vector<16xi32>
      %add3A_772 = arith.addi %mul3A_768, %shift_right_logical3A_771 : vector<16xi32>
      %shift_right_logical3A_773 = arith.constant 16 : i32
      %shift_right_logical3A_774 = vector.broadcast %shift_right_logical3A_773 : i32 to vector<16xi32>
      %shift_right_logical3A_775 = arith.shrui %add3A_758, %shift_right_logical3A_774 : vector<16xi32>
      %add3A_776 = arith.addi %add3A_772, %shift_right_logical3A_775 : vector<16xi32>
      %add3A_777 = arith.addi %or3A_765, %xor3A_701 : vector<16xi32>
      %and3A_778 = arith.andi %or3A_765, %xor3A_701 : vector<16xi32>
      %or3A_779 = arith.ori %or3A_765, %xor3A_701 : vector<16xi32>
      %not3A_780 = arith.constant dense<-1> : vector<16xi32>
      %not3A_781 = arith.xori %add3A_777, %not3A_780 : vector<16xi32>
      %and3A_782 = arith.andi %or3A_779, %not3A_781 : vector<16xi32>
      %or3A_783 = arith.ori %and3A_778, %and3A_782 : vector<16xi32>
      %shift_right_logical3A_784 = arith.constant 31 : i32
      %shift_right_logical3A_785 = vector.broadcast %shift_right_logical3A_784 : i32 to vector<16xi32>
      %shift_right_logical3A_786 = arith.shrui %or3A_783, %shift_right_logical3A_785 : vector<16xi32>
      %add3A_787 = arith.addi %add3A_776, %shift_right_logical3A_786 : vector<16xi32>
      %mul3A_788 = arith.constant 971590 : i32
      %mul3A_789 = vector.broadcast %mul3A_788 : i32 to vector<16xi32>
      %mul3A_790 = arith.muli %add3A_787, %mul3A_789 : vector<16xi32>
      %shift_right_logical3A_791 = arith.constant 20 : i32
      %shift_right_logical3A_792 = vector.broadcast %shift_right_logical3A_791 : i32 to vector<16xi32>
      %shift_right_logical3A_793 = arith.shrui %add3A_777, %shift_right_logical3A_792 : vector<16xi32>
      %mul3A_794 = arith.constant 48577 : i32
      %mul3A_795 = vector.broadcast %mul3A_794 : i32 to vector<16xi32>
      %mul3A_796 = arith.muli %shift_right_logical3A_793, %mul3A_795 : vector<16xi32>
      %and3A_797 = arith.constant 1048575 : i32
      %and3A_798 = vector.broadcast %and3A_797 : i32 to vector<16xi32>
      %and3A_799 = arith.andi %add3A_777, %and3A_798 : vector<16xi32>
      %add3A_800 = arith.addi %mul3A_796, %and3A_799 : vector<16xi32>
      %add3A_801 = arith.addi %mul3A_790, %add3A_800 : vector<16xi32>
      %shift_right_logical3A_802 = arith.constant 20 : i32
      %shift_right_logical3A_803 = vector.broadcast %shift_right_logical3A_802 : i32 to vector<16xi32>
      %shift_right_logical3A_804 = arith.shrui %add3A_801, %shift_right_logical3A_803 : vector<16xi32>
      %mul3A_805 = arith.constant 48577 : i32
      %mul3A_806 = vector.broadcast %mul3A_805 : i32 to vector<16xi32>
      %mul3A_807 = arith.muli %shift_right_logical3A_804, %mul3A_806 : vector<16xi32>
      %and3A_808 = arith.constant 1048575 : i32
      %and3A_809 = vector.broadcast %and3A_808 : i32 to vector<16xi32>
      %and3A_810 = arith.andi %add3A_801, %and3A_809 : vector<16xi32>
      %add3A_811 = arith.addi %mul3A_807, %and3A_810 : vector<16xi32>
      %shift_right_logical3A_812 = arith.constant 20 : i32
      %shift_right_logical3A_813 = vector.broadcast %shift_right_logical3A_812 : i32 to vector<16xi32>
      %shift_right_logical3A_814 = arith.shrui %add3A_811, %shift_right_logical3A_813 : vector<16xi32>
      %mul3A_815 = arith.constant 48577 : i32
      %mul3A_816 = vector.broadcast %mul3A_815 : i32 to vector<16xi32>
      %mul3A_817 = arith.muli %shift_right_logical3A_814, %mul3A_816 : vector<16xi32>
      %and3A_818 = arith.constant 1048575 : i32
      %and3A_819 = vector.broadcast %and3A_818 : i32 to vector<16xi32>
      %and3A_820 = arith.andi %add3A_811, %and3A_819 : vector<16xi32>
      %add3A_821 = arith.addi %mul3A_817, %and3A_820 : vector<16xi32>
      %shift_right_logical3A_822 = arith.constant 20 : i32
      %shift_right_logical3A_823 = vector.broadcast %shift_right_logical3A_822 : i32 to vector<16xi32>
      %shift_right_logical3A_824 = arith.shrui %add3A_821, %shift_right_logical3A_823 : vector<16xi32>
      %mul3A_825 = arith.constant 48577 : i32
      %mul3A_826 = vector.broadcast %mul3A_825 : i32 to vector<16xi32>
      %mul3A_827 = arith.muli %shift_right_logical3A_824, %mul3A_826 : vector<16xi32>
      %and3A_828 = arith.constant 1048575 : i32
      %and3A_829 = vector.broadcast %and3A_828 : i32 to vector<16xi32>
      %and3A_830 = arith.andi %add3A_821, %and3A_829 : vector<16xi32>
      %add3A_831 = arith.addi %mul3A_827, %and3A_830 : vector<16xi32>
      %ge3A_832 = arith.constant 999999 : i32
      %ge3A_833 = vector.broadcast %ge3A_832 : i32 to vector<16xi32>
      %ge3A_834 = arith.cmpi uge, %add3A_831, %ge3A_833 : vector<16xi32>
      %sub3A_835 = arith.constant 999999 : i32
      %sub3A_836 = vector.broadcast %sub3A_835 : i32 to vector<16xi32>
      %sub3A_837 = arith.subi %add3A_831, %sub3A_836 : vector<16xi32>
      %select_n3A_838 = arith.select %ge3A_834, %sub3A_837, %add3A_831 : vector<16xi1>, vector<16xi32>
      %ne3A_839 = arith.constant 0 : i32
      %ne3A_840 = vector.broadcast %ne3A_839 : i32 to vector<16xi32>
      %ne3A_841 = arith.cmpi ne, %get3A_574, %ne3A_840 : vector<16xi32>
      %add3A_842 = arith.constant 1 : i32
      %add3A_843 = vector.broadcast %add3A_842 : i32 to vector<16xi32>
      %add3A_844 = arith.addi %select_n3A_838, %add3A_843 : vector<16xi32>
      %jit3A_845 = arith.constant 0 : i32
      %broadcast_in_dim3A_846 = vector.broadcast %jit3A_845 : i32 to vector<16xi32>
      %select_n3A_847 = arith.select %ne3A_841, %add3A_844, %broadcast_in_dim3A_846 : vector<16xi1>, vector<16xi32>
      %add3A_848 = arith.constant 32 : i32
      %add3A_849 = arith.addi %mul3A_15, %add3A_848 : i32
      %swap3A_850 = arith.index_cast %add3A_849 : i32 to index
      %swap3A_851 = tpu.vector_load %arg5[%swap3A_850] {strides = array<i32>} : memref<13312xi32, #tpu.memory_space<vmem>>, vector<16xi32>,
      %swap3A_852 = vector.shape_cast %swap3A_851 : vector<16xi32> to vector<16xi32>
      %swap3A_853 = vector.shape_cast %select_n3A_847 : vector<16xi32> to vector<16xi32>
      tpu.vector_store %arg5[%swap3A_850], %swap3A_853 {strides = array<i32>} : memref<13312xi32, #tpu.memory_space<vmem>>, vector<16xi32>,
      %add3A_854 = arith.constant 48 : i32
      %add3A_855 = arith.addi %mul3A_15, %add3A_854 : i32
      %get3A_856 = arith.index_cast %add3A_855 : i32 to index
      %get3A_857 = tpu.vector_load %arg4[%get3A_856] {strides = array<i32>} : memref<13312xi32, #tpu.memory_space<vmem>>, vector<16xi32>,
      %get3A_858 = vector.shape_cast %get3A_857 : vector<16xi32> to vector<16xi32>
      %add3A_859 = arith.constant 2135587861 : i32
      %add3A_860 = vector.broadcast %add3A_859 : i32 to vector<16xi32>
      %add3A_861 = arith.addi %get3A_858, %add3A_860 : vector<16xi32>
      %shift_right_logical3A_862 = arith.constant 30 : i32
      %shift_right_logical3A_863 = vector.broadcast %shift_right_logical3A_862 : i32 to vector<16xi32>
      %shift_right_logical3A_864 = arith.shrui %add3A_861, %shift_right_logical3A_863 : vector<16xi32>
      %or3A_865 = arith.constant 2027808484 : i32
      %or3A_866 = vector.broadcast %or3A_865 : i32 to vector<16xi32>
      %or3A_867 = arith.ori %shift_right_logical3A_864, %or3A_866 : vector<16xi32>
      %xor3A_868 = arith.xori %add3A_861, %or3A_867 : vector<16xi32>
      %and3A_869 = arith.constant 65535 : i32
      %and3A_870 = vector.broadcast %and3A_869 : i32 to vector<16xi32>
      %and3A_871 = arith.andi %xor3A_868, %and3A_870 : vector<16xi32>
      %shift_right_logical3A_872 = arith.constant 16 : i32
      %shift_right_logical3A_873 = vector.broadcast %shift_right_logical3A_872 : i32 to vector<16xi32>
      %shift_right_logical3A_874 = arith.shrui %xor3A_868, %shift_right_logical3A_873 : vector<16xi32>
      %mul3A_875 = arith.constant 58809 : i32
      %mul3A_876 = vector.broadcast %mul3A_875 : i32 to vector<16xi32>
      %mul3A_877 = arith.muli %and3A_871, %mul3A_876 : vector<16xi32>
      %mul3A_878 = arith.constant 7396 : i32
      %mul3A_879 = vector.broadcast %mul3A_878 : i32 to vector<16xi32>
      %mul3A_880 = arith.muli %and3A_871, %mul3A_879 : vector<16xi32>
      %shift_right_logical3A_881 = arith.constant 16 : i32
      %shift_right_logical3A_882 = vector.broadcast %shift_right_logical3A_881 : i32 to vector<16xi32>
      %shift_right_logical3A_883 = arith.shrui %mul3A_877, %shift_right_logical3A_882 : vector<16xi32>
      %add3A_884 = arith.addi %mul3A_880, %shift_right_logical3A_883 : vector<16xi32>
      %mul3A_885 = arith.constant 58809 : i32
      %mul3A_886 = vector.broadcast %mul3A_885 : i32 to vector<16xi32>
      %mul3A_887 = arith.muli %shift_right_logical3A_874, %mul3A_886 : vector<16xi32>
      %and3A_888 = arith.constant 65535 : i32
      %and3A_889 = vector.broadcast %and3A_888 : i32 to vector<16xi32>
      %and3A_890 = arith.andi %add3A_884, %and3A_889 : vector<16xi32>
      %add3A_891 = arith.addi %mul3A_887, %and3A_890 : vector<16xi32>
      %shift_left3A_892 = arith.constant 16 : i32
      %shift_left3A_893 = vector.broadcast %shift_left3A_892 : i32 to vector<16xi32>
      %shift_left3A_894 = arith.shli %add3A_891, %shift_left3A_893 : vector<16xi32>
      %and3A_895 = arith.constant 65535 : i32
      %and3A_896 = vector.broadcast %and3A_895 : i32 to vector<16xi32>
      %and3A_897 = arith.andi %mul3A_877, %and3A_896 : vector<16xi32>
      %or3A_898 = arith.ori %shift_left3A_894, %and3A_897 : vector<16xi32>
      %mul3A_899 = arith.constant 7396 : i32
      %mul3A_900 = vector.broadcast %mul3A_899 : i32 to vector<16xi32>
      %mul3A_901 = arith.muli %shift_right_logical3A_874, %mul3A_900 : vector<16xi32>
      %shift_right_logical3A_902 = arith.constant 16 : i32
      %shift_right_logical3A_903 = vector.broadcast %shift_right_logical3A_902 : i32 to vector<16xi32>
      %shift_right_logical3A_904 = arith.shrui %add3A_884, %shift_right_logical3A_903 : vector<16xi32>
      %add3A_905 = arith.addi %mul3A_901, %shift_right_logical3A_904 : vector<16xi32>
      %shift_right_logical3A_906 = arith.constant 16 : i32
      %shift_right_logical3A_907 = vector.broadcast %shift_right_logical3A_906 : i32 to vector<16xi32>
      %shift_right_logical3A_908 = arith.shrui %add3A_891, %shift_right_logical3A_907 : vector<16xi32>
      %add3A_909 = arith.addi %add3A_905, %shift_right_logical3A_908 : vector<16xi32>
      %mul3A_910 = arith.constant -1084733587 : i32
      %mul3A_911 = vector.broadcast %mul3A_910 : i32 to vector<16xi32>
      %mul3A_912 = arith.muli %xor3A_868, %mul3A_911 : vector<16xi32>
      %add3A_913 = arith.addi %add3A_909, %mul3A_912 : vector<16xi32>
      %add3A_914 = arith.constant -729333981 : i32
      %add3A_915 = vector.broadcast %add3A_914 : i32 to vector<16xi32>
      %add3A_916 = arith.addi %add3A_913, %add3A_915 : vector<16xi32>
      %shift_right_logical3A_917 = arith.constant 27 : i32
      %shift_right_logical3A_918 = vector.broadcast %shift_right_logical3A_917 : i32 to vector<16xi32>
      %shift_right_logical3A_919 = arith.shrui %or3A_898, %shift_right_logical3A_918 : vector<16xi32>
      %shift_left3A_920 = arith.constant 5 : i32
      %shift_left3A_921 = vector.broadcast %shift_left3A_920 : i32 to vector<16xi32>
      %shift_left3A_922 = arith.shli %add3A_916, %shift_left3A_921 : vector<16xi32>
      %or3A_923 = arith.ori %shift_right_logical3A_919, %shift_left3A_922 : vector<16xi32>
      %xor3A_924 = arith.xori %or3A_898, %or3A_923 : vector<16xi32>
      %shift_right_logical3A_925 = arith.constant 27 : i32
      %shift_right_logical3A_926 = vector.broadcast %shift_right_logical3A_925 : i32 to vector<16xi32>
      %shift_right_logical3A_927 = arith.shrui %add3A_916, %shift_right_logical3A_926 : vector<16xi32>
      %xor3A_928 = arith.xori %add3A_916, %shift_right_logical3A_927 : vector<16xi32>
      %and3A_929 = arith.constant 65535 : i32
      %and3A_930 = vector.broadcast %and3A_929 : i32 to vector<16xi32>
      %and3A_931 = arith.andi %xor3A_924, %and3A_930 : vector<16xi32>
      %shift_right_logical3A_932 = arith.constant 16 : i32
      %shift_right_logical3A_933 = vector.broadcast %shift_right_logical3A_932 : i32 to vector<16xi32>
      %shift_right_logical3A_934 = arith.shrui %xor3A_924, %shift_right_logical3A_933 : vector<16xi32>
      %mul3A_935 = arith.constant 4587 : i32
      %mul3A_936 = vector.broadcast %mul3A_935 : i32 to vector<16xi32>
      %mul3A_937 = arith.muli %and3A_931, %mul3A_936 : vector<16xi32>
      %mul3A_938 = arith.constant 4913 : i32
      %mul3A_939 = vector.broadcast %mul3A_938 : i32 to vector<16xi32>
      %mul3A_940 = arith.muli %and3A_931, %mul3A_939 : vector<16xi32>
      %shift_right_logical3A_941 = arith.constant 16 : i32
      %shift_right_logical3A_942 = vector.broadcast %shift_right_logical3A_941 : i32 to vector<16xi32>
      %shift_right_logical3A_943 = arith.shrui %mul3A_937, %shift_right_logical3A_942 : vector<16xi32>
      %add3A_944 = arith.addi %mul3A_940, %shift_right_logical3A_943 : vector<16xi32>
      %mul3A_945 = arith.constant 4587 : i32
      %mul3A_946 = vector.broadcast %mul3A_945 : i32 to vector<16xi32>
      %mul3A_947 = arith.muli %shift_right_logical3A_934, %mul3A_946 : vector<16xi32>
      %and3A_948 = arith.constant 65535 : i32
      %and3A_949 = vector.broadcast %and3A_948 : i32 to vector<16xi32>
      %and3A_950 = arith.andi %add3A_944, %and3A_949 : vector<16xi32>
      %add3A_951 = arith.addi %mul3A_947, %and3A_950 : vector<16xi32>
      %shift_left3A_952 = arith.constant 16 : i32
      %shift_left3A_953 = vector.broadcast %shift_left3A_952 : i32 to vector<16xi32>
      %shift_left3A_954 = arith.shli %add3A_951, %shift_left3A_953 : vector<16xi32>
      %and3A_955 = arith.constant 65535 : i32
      %and3A_956 = vector.broadcast %and3A_955 : i32 to vector<16xi32>
      %and3A_957 = arith.andi %mul3A_937, %and3A_956 : vector<16xi32>
      %or3A_958 = arith.ori %shift_left3A_954, %and3A_957 : vector<16xi32>
      %mul3A_959 = arith.constant 4913 : i32
      %mul3A_960 = vector.broadcast %mul3A_959 : i32 to vector<16xi32>
      %mul3A_961 = arith.muli %shift_right_logical3A_934, %mul3A_960 : vector<16xi32>
      %shift_right_logical3A_962 = arith.constant 16 : i32
      %shift_right_logical3A_963 = vector.broadcast %shift_right_logical3A_962 : i32 to vector<16xi32>
      %shift_right_logical3A_964 = arith.shrui %add3A_944, %shift_right_logical3A_963 : vector<16xi32>
      %add3A_965 = arith.addi %mul3A_961, %shift_right_logical3A_964 : vector<16xi32>
      %shift_right_logical3A_966 = arith.constant 16 : i32
      %shift_right_logical3A_967 = vector.broadcast %shift_right_logical3A_966 : i32 to vector<16xi32>
      %shift_right_logical3A_968 = arith.shrui %add3A_951, %shift_right_logical3A_967 : vector<16xi32>
      %add3A_969 = arith.addi %add3A_965, %shift_right_logical3A_968 : vector<16xi32>
      %mul3A_970 = arith.constant -1798288965 : i32
      %mul3A_971 = vector.broadcast %mul3A_970 : i32 to vector<16xi32>
      %mul3A_972 = arith.muli %xor3A_924, %mul3A_971 : vector<16xi32>
      %add3A_973 = arith.addi %add3A_969, %mul3A_972 : vector<16xi32>
      %mul3A_974 = arith.constant 321982955 : i32
      %mul3A_975 = vector.broadcast %mul3A_974 : i32 to vector<16xi32>
      %mul3A_976 = arith.muli %xor3A_928, %mul3A_975 : vector<16xi32>
      %add3A_977 = arith.addi %add3A_973, %mul3A_976 : vector<16xi32>
      %shift_right_logical3A_978 = arith.constant 31 : i32
      %shift_right_logical3A_979 = vector.broadcast %shift_right_logical3A_978 : i32 to vector<16xi32>
      %shift_right_logical3A_980 = arith.shrui %or3A_958, %shift_right_logical3A_979 : vector<16xi32>
      %shift_left3A_981 = arith.constant 1 : i32
      %shift_left3A_982 = vector.broadcast %shift_left3A_981 : i32 to vector<16xi32>
      %shift_left3A_983 = arith.shli %add3A_977, %shift_left3A_982 : vector<16xi32>
      %or3A_984 = arith.ori %shift_right_logical3A_980, %shift_left3A_983 : vector<16xi32>
      %xor3A_985 = arith.xori %or3A_958, %or3A_984 : vector<16xi32>
      %shift_right_logical3A_986 = arith.constant 31 : i32
      %shift_right_logical3A_987 = vector.broadcast %shift_right_logical3A_986 : i32 to vector<16xi32>
      %shift_right_logical3A_988 = arith.shrui %add3A_977, %shift_right_logical3A_987 : vector<16xi32>
      %xor3A_989 = arith.xori %add3A_977, %shift_right_logical3A_988 : vector<16xi32>
      %shift_right_logical3A_990 = arith.constant 20 : i32
      %shift_right_logical3A_991 = vector.broadcast %shift_right_logical3A_990 : i32 to vector<16xi32>
      %shift_right_logical3A_992 = arith.shrui %xor3A_989, %shift_right_logical3A_991 : vector<16xi32>
      %mul3A_993 = arith.constant 48577 : i32
      %mul3A_994 = vector.broadcast %mul3A_993 : i32 to vector<16xi32>
      %mul3A_995 = arith.muli %shift_right_logical3A_992, %mul3A_994 : vector<16xi32>
      %and3A_996 = arith.constant 1048575 : i32
      %and3A_997 = vector.broadcast %and3A_996 : i32 to vector<16xi32>
      %and3A_998 = arith.andi %xor3A_989, %and3A_997 : vector<16xi32>
      %add3A_999 = arith.addi %mul3A_995, %and3A_998 : vector<16xi32>
      %shift_right_logical3A_1000 = arith.constant 20 : i32
      %shift_right_logical3A_1001 = vector.broadcast %shift_right_logical3A_1000 : i32 to vector<16xi32>
      %shift_right_logical3A_1002 = arith.shrui %add3A_999, %shift_right_logical3A_1001 : vector<16xi32>
      %mul3A_1003 = arith.constant 48577 : i32
      %mul3A_1004 = vector.broadcast %mul3A_1003 : i32 to vector<16xi32>
      %mul3A_1005 = arith.muli %shift_right_logical3A_1002, %mul3A_1004 : vector<16xi32>
      %and3A_1006 = arith.constant 1048575 : i32
      %and3A_1007 = vector.broadcast %and3A_1006 : i32 to vector<16xi32>
      %and3A_1008 = arith.andi %add3A_999, %and3A_1007 : vector<16xi32>
      %add3A_1009 = arith.addi %mul3A_1005, %and3A_1008 : vector<16xi32>
      %shift_right_logical3A_1010 = arith.constant 20 : i32
      %shift_right_logical3A_1011 = vector.broadcast %shift_right_logical3A_1010 : i32 to vector<16xi32>
      %shift_right_logical3A_1012 = arith.shrui %add3A_1009, %shift_right_logical3A_1011 : vector<16xi32>
      %mul3A_1013 = arith.constant 48577 : i32
      %mul3A_1014 = vector.broadcast %mul3A_1013 : i32 to vector<16xi32>
      %mul3A_1015 = arith.muli %shift_right_logical3A_1012, %mul3A_1014 : vector<16xi32>
      %and3A_1016 = arith.constant 1048575 : i32
      %and3A_1017 = vector.broadcast %and3A_1016 : i32 to vector<16xi32>
      %and3A_1018 = arith.andi %add3A_1009, %and3A_1017 : vector<16xi32>
      %add3A_1019 = arith.addi %mul3A_1015, %and3A_1018 : vector<16xi32>
      %and3A_1020 = arith.constant 65535 : i32
      %and3A_1021 = vector.broadcast %and3A_1020 : i32 to vector<16xi32>
      %and3A_1022 = arith.andi %add3A_1019, %and3A_1021 : vector<16xi32>
      %shift_right_logical3A_1023 = arith.constant 16 : i32
      %shift_right_logical3A_1024 = vector.broadcast %shift_right_logical3A_1023 : i32 to vector<16xi32>
      %shift_right_logical3A_1025 = arith.shrui %add3A_1019, %shift_right_logical3A_1024 : vector<16xi32>
      %mul3A_1026 = arith.constant 54086 : i32
      %mul3A_1027 = vector.broadcast %mul3A_1026 : i32 to vector<16xi32>
      %mul3A_1028 = arith.muli %and3A_1022, %mul3A_1027 : vector<16xi32>
      %mul3A_1029 = arith.constant 14 : i32
      %mul3A_1030 = vector.broadcast %mul3A_1029 : i32 to vector<16xi32>
      %mul3A_1031 = arith.muli %and3A_1022, %mul3A_1030 : vector<16xi32>
      %shift_right_logical3A_1032 = arith.constant 16 : i32
      %shift_right_logical3A_1033 = vector.broadcast %shift_right_logical3A_1032 : i32 to vector<16xi32>
      %shift_right_logical3A_1034 = arith.shrui %mul3A_1028, %shift_right_logical3A_1033 : vector<16xi32>
      %add3A_1035 = arith.addi %mul3A_1031, %shift_right_logical3A_1034 : vector<16xi32>
      %mul3A_1036 = arith.constant 54086 : i32
      %mul3A_1037 = vector.broadcast %mul3A_1036 : i32 to vector<16xi32>
      %mul3A_1038 = arith.muli %shift_right_logical3A_1025, %mul3A_1037 : vector<16xi32>
      %and3A_1039 = arith.constant 65535 : i32
      %and3A_1040 = vector.broadcast %and3A_1039 : i32 to vector<16xi32>
      %and3A_1041 = arith.andi %add3A_1035, %and3A_1040 : vector<16xi32>
      %add3A_1042 = arith.addi %mul3A_1038, %and3A_1041 : vector<16xi32>
      %shift_left3A_1043 = arith.constant 16 : i32
      %shift_left3A_1044 = vector.broadcast %shift_left3A_1043 : i32 to vector<16xi32>
      %shift_left3A_1045 = arith.shli %add3A_1042, %shift_left3A_1044 : vector<16xi32>
      %and3A_1046 = arith.constant 65535 : i32
      %and3A_1047 = vector.broadcast %and3A_1046 : i32 to vector<16xi32>
      %and3A_1048 = arith.andi %mul3A_1028, %and3A_1047 : vector<16xi32>
      %or3A_1049 = arith.ori %shift_left3A_1045, %and3A_1048 : vector<16xi32>
      %mul3A_1050 = arith.constant 14 : i32
      %mul3A_1051 = vector.broadcast %mul3A_1050 : i32 to vector<16xi32>
      %mul3A_1052 = arith.muli %shift_right_logical3A_1025, %mul3A_1051 : vector<16xi32>
      %shift_right_logical3A_1053 = arith.constant 16 : i32
      %shift_right_logical3A_1054 = vector.broadcast %shift_right_logical3A_1053 : i32 to vector<16xi32>
      %shift_right_logical3A_1055 = arith.shrui %add3A_1035, %shift_right_logical3A_1054 : vector<16xi32>
      %add3A_1056 = arith.addi %mul3A_1052, %shift_right_logical3A_1055 : vector<16xi32>
      %shift_right_logical3A_1057 = arith.constant 16 : i32
      %shift_right_logical3A_1058 = vector.broadcast %shift_right_logical3A_1057 : i32 to vector<16xi32>
      %shift_right_logical3A_1059 = arith.shrui %add3A_1042, %shift_right_logical3A_1058 : vector<16xi32>
      %add3A_1060 = arith.addi %add3A_1056, %shift_right_logical3A_1059 : vector<16xi32>
      %add3A_1061 = arith.addi %or3A_1049, %xor3A_985 : vector<16xi32>
      %and3A_1062 = arith.andi %or3A_1049, %xor3A_985 : vector<16xi32>
      %or3A_1063 = arith.ori %or3A_1049, %xor3A_985 : vector<16xi32>
      %not3A_1064 = arith.constant dense<-1> : vector<16xi32>
      %not3A_1065 = arith.xori %add3A_1061, %not3A_1064 : vector<16xi32>
      %and3A_1066 = arith.andi %or3A_1063, %not3A_1065 : vector<16xi32>
      %or3A_1067 = arith.ori %and3A_1062, %and3A_1066 : vector<16xi32>
      %shift_right_logical3A_1068 = arith.constant 31 : i32
      %shift_right_logical3A_1069 = vector.broadcast %shift_right_logical3A_1068 : i32 to vector<16xi32>
      %shift_right_logical3A_1070 = arith.shrui %or3A_1067, %shift_right_logical3A_1069 : vector<16xi32>
      %add3A_1071 = arith.addi %add3A_1060, %shift_right_logical3A_1070 : vector<16xi32>
      %mul3A_1072 = arith.constant 971590 : i32
      %mul3A_1073 = vector.broadcast %mul3A_1072 : i32 to vector<16xi32>
      %mul3A_1074 = arith.muli %add3A_1071, %mul3A_1073 : vector<16xi32>
      %shift_right_logical3A_1075 = arith.constant 20 : i32
      %shift_right_logical3A_1076 = vector.broadcast %shift_right_logical3A_1075 : i32 to vector<16xi32>
      %shift_right_logical3A_1077 = arith.shrui %add3A_1061, %shift_right_logical3A_1076 : vector<16xi32>
      %mul3A_1078 = arith.constant 48577 : i32
      %mul3A_1079 = vector.broadcast %mul3A_1078 : i32 to vector<16xi32>
      %mul3A_1080 = arith.muli %shift_right_logical3A_1077, %mul3A_1079 : vector<16xi32>
      %and3A_1081 = arith.constant 1048575 : i32
      %and3A_1082 = vector.broadcast %and3A_1081 : i32 to vector<16xi32>
      %and3A_1083 = arith.andi %add3A_1061, %and3A_1082 : vector<16xi32>
      %add3A_1084 = arith.addi %mul3A_1080, %and3A_1083 : vector<16xi32>
      %add3A_1085 = arith.addi %mul3A_1074, %add3A_1084 : vector<16xi32>
      %shift_right_logical3A_1086 = arith.constant 20 : i32
      %shift_right_logical3A_1087 = vector.broadcast %shift_right_logical3A_1086 : i32 to vector<16xi32>
      %shift_right_logical3A_1088 = arith.shrui %add3A_1085, %shift_right_logical3A_1087 : vector<16xi32>
      %mul3A_1089 = arith.constant 48577 : i32
      %mul3A_1090 = vector.broadcast %mul3A_1089 : i32 to vector<16xi32>
      %mul3A_1091 = arith.muli %shift_right_logical3A_1088, %mul3A_1090 : vector<16xi32>
      %and3A_1092 = arith.constant 1048575 : i32
      %and3A_1093 = vector.broadcast %and3A_1092 : i32 to vector<16xi32>
      %and3A_1094 = arith.andi %add3A_1085, %and3A_1093 : vector<16xi32>
      %add3A_1095 = arith.addi %mul3A_1091, %and3A_1094 : vector<16xi32>
      %shift_right_logical3A_1096 = arith.constant 20 : i32
      %shift_right_logical3A_1097 = vector.broadcast %shift_right_logical3A_1096 : i32 to vector<16xi32>
      %shift_right_logical3A_1098 = arith.shrui %add3A_1095, %shift_right_logical3A_1097 : vector<16xi32>
      %mul3A_1099 = arith.constant 48577 : i32
      %mul3A_1100 = vector.broadcast %mul3A_1099 : i32 to vector<16xi32>
      %mul3A_1101 = arith.muli %shift_right_logical3A_1098, %mul3A_1100 : vector<16xi32>
      %and3A_1102 = arith.constant 1048575 : i32
      %and3A_1103 = vector.broadcast %and3A_1102 : i32 to vector<16xi32>
      %and3A_1104 = arith.andi %add3A_1095, %and3A_1103 : vector<16xi32>
      %add3A_1105 = arith.addi %mul3A_1101, %and3A_1104 : vector<16xi32>
      %shift_right_logical3A_1106 = arith.constant 20 : i32
      %shift_right_logical3A_1107 = vector.broadcast %shift_right_logical3A_1106 : i32 to vector<16xi32>
      %shift_right_logical3A_1108 = arith.shrui %add3A_1105, %shift_right_logical3A_1107 : vector<16xi32>
      %mul3A_1109 = arith.constant 48577 : i32
      %mul3A_1110 = vector.broadcast %mul3A_1109 : i32 to vector<16xi32>
      %mul3A_1111 = arith.muli %shift_right_logical3A_1108, %mul3A_1110 : vector<16xi32>
      %and3A_1112 = arith.constant 1048575 : i32
      %and3A_1113 = vector.broadcast %and3A_1112 : i32 to vector<16xi32>
      %and3A_1114 = arith.andi %add3A_1105, %and3A_1113 : vector<16xi32>
      %add3A_1115 = arith.addi %mul3A_1111, %and3A_1114 : vector<16xi32>
      %ge3A_1116 = arith.constant 999999 : i32
      %ge3A_1117 = vector.broadcast %ge3A_1116 : i32 to vector<16xi32>
      %ge3A_1118 = arith.cmpi uge, %add3A_1115, %ge3A_1117 : vector<16xi32>
      %sub3A_1119 = arith.constant 999999 : i32
      %sub3A_1120 = vector.broadcast %sub3A_1119 : i32 to vector<16xi32>
      %sub3A_1121 = arith.subi %add3A_1115, %sub3A_1120 : vector<16xi32>
      %select_n3A_1122 = arith.select %ge3A_1118, %sub3A_1121, %add3A_1115 : vector<16xi1>, vector<16xi32>
      %ne3A_1123 = arith.constant 0 : i32
      %ne3A_1124 = vector.broadcast %ne3A_1123 : i32 to vector<16xi32>
      %ne3A_1125 = arith.cmpi ne, %get3A_858, %ne3A_1124 : vector<16xi32>
      %add3A_1126 = arith.constant 1 : i32
      %add3A_1127 = vector.broadcast %add3A_1126 : i32 to vector<16xi32>
      %add3A_1128 = arith.addi %select_n3A_1122, %add3A_1127 : vector<16xi32>
      %jit3A_1129 = arith.constant 0 : i32
      %broadcast_in_dim3A_1130 = vector.broadcast %jit3A_1129 : i32 to vector<16xi32>
      %select_n3A_1131 = arith.select %ne3A_1125, %add3A_1128, %broadcast_in_dim3A_1130 : vector<16xi1>, vector<16xi32>
      %add3A_1132 = arith.constant 48 : i32
      %add3A_1133 = arith.addi %mul3A_15, %add3A_1132 : i32
      %swap3A_1134 = arith.index_cast %add3A_1133 : i32 to index
      %swap3A_1135 = tpu.vector_load %arg5[%swap3A_1134] {strides = array<i32>} : memref<13312xi32, #tpu.memory_space<vmem>>, vector<16xi32>,
      %swap3A_1136 = vector.shape_cast %swap3A_1135 : vector<16xi32> to vector<16xi32>
      %swap3A_1137 = vector.shape_cast %select_n3A_1131 : vector<16xi32> to vector<16xi32>
      tpu.vector_store %arg5[%swap3A_1134], %swap3A_1137 {strides = array<i32>} : memref<13312xi32, #tpu.memory_space<vmem>>, vector<16xi32>,
    }
    "tpu.region"() ({
      %run_scoped3A = tpu.sem_alloc : memref<!tpu.dma_semaphore, #tpu.memory_space<semaphore_mem>>
      %dma_start3A = tpu.memref_slice %arg3[%mul3A_2] : memref<425984xi32, #tpu.memory_space<hbm>> -> memref<13312xi32, #tpu.memory_space<hbm>>
      %dma_start3A_13 = tpu.memref_slice %arg3[%mul3A_2] : memref<425984xi32, #tpu.memory_space<hbm>> -> memref<13312xi32, #tpu.memory_space<hbm>>
      tpu.enqueue_dma source(%arg5 : memref<13312xi32, #tpu.memory_space<vmem>>) target(%dma_start3A_13 : memref<13312xi32, #tpu.memory_space<hbm>>) target_semaphore(%run_scoped3A : memref<!tpu.dma_semaphore, #tpu.memory_space<semaphore_mem>>)
      %dma_wait3A = tpu.memref_slice %arg3[%mul3A_2] : memref<425984xi32, #tpu.memory_space<hbm>> -> memref<13312xi32, #tpu.memory_space<hbm>>
      %dma_wait3A_14 = tpu.memref_slice %arg3[%mul3A_2] : memref<425984xi32, #tpu.memory_space<hbm>> -> memref<13312xi32, #tpu.memory_space<hbm>>
      tpu.wait_dma2 semaphore(%run_scoped3A : memref<!tpu.dma_semaphore, #tpu.memory_space<semaphore_mem>>) src(%arg5 : memref<13312xi32, #tpu.memory_space<vmem>>) dst(%dma_wait3A_14 : memref<13312xi32, #tpu.memory_space<hbm>>)
      tpu.yield
    }) : () -> ()
    return
  }
}

</mosaic_0001>

<sc_bundles>
// kernel: kernel.3.cloned.1.call-start
scs
__scs_entry_jumppad:
0x0: {  	(pc) =	sbr.rel $0x88, $3  }
0x1: {  	(tag) =	ssettag $0x0;
	lr =	simm.s32 $0x1  }
0x2: {  	[smem:$0x3FA0] =	sst lr;
	_ =	strace $0xD0000000  }
0x3: {  	_ = 	snop  }
0x4: {  	_ = 	snop  }
0x5: {  	_ = 	snop  }
0x6: {  	_ = 	snop  }
0x7: {  	_ = 	snop  }
__scs_overlays_trampoline_lowered:
0x8: {  	[smem:$0x3FAF] =	sst s0  }
0x9: {  	[smem:$0x3FB0] =	sst s1  }
0xa: {  	[smem:$0x3FB1] =	sst s2  }
0xb: {  	[smem:$0x3FB2] =	sst s3  }
0xc: {  	[smem:$0x3FB3] =	sst s4  }
0xd: {  	[smem:$0x3FB4] =	sst s5  }
0xe: {  	[smem:$0x3FB5] =	sst s6  }
0xf: {  	[smem:$0x3FB6] =	sst s7  }
0x10: {  	[smem:$0x3FB7] =	sst s8  }
0x11: {  	[smem:$0x3FB8] =	sst s9;
	s0 =	simm.s32 @!p0 $0x0  }
0x12: {  	s1 =	sld [smem:$0x3F9E];
	s0 =	simm.s32 @p0 $0x1  }
0x13: {  	[smem:$0x3FB9] =	sst s0;
	s0 =	simm.s32 @!p1 $0x0  }
0x14: {  	s2 =	sld [smem:$0x3F9D];
	s0 =	simm.s32 @p1 $0x1  }
0x15: {  	[smem:$0x3FBA] =	sst s0;
	s0 =	simm.s32 @!p2 $0x0  }
0x16: {  	s3 =	sld [smem:$0x3FDB];
	s0 =	simm.s32 @p2 $0x1  }
0x17: {  	s4 =	simm.s32 $0x1BF5;
	[smem:$0x3FBC] =	sst s0  }
0x18: {  	s0 =	sld [smem:$0x3F9F];
	_ =	swait.ge [sflag:s4], $0x0  }
0x19: {  	s7 =	sld [smem:$0x3FA0]  }
0x1a: {  	s8 =	sadd.s32 $0xFFFFE003, lr  }
0x1b: {  	s9 =	sadd.s32 $0xFFFFFEF7, lr;
	s5 =	simm.s32 $0xFFFFFFFF;
	p2 =	slt.u32 s8, $0xFFFFF086  }
0x1c: {  	p1 =	slt.u32 s9, $0xF7A;
	s5 =	simm.s32 @!p2 $0x0  }
0x1d: {  	s5 =	simm.s32 @p1 $0x1;
	p0 =	seq.s32 s7, s2  }
0x1e: {  	s7 =	smul.u32 @!p0 $0xF7A, s2;
	p2 =	seq.s32 @!p0 s5, $0x0  }
0x1f: {  	s9 =	smul.u32 $0xF7A, s1;
	s8 =	simm.s32 @!p0 $0x1BF5;
	p2 =	por !p2, p0  }
0x20: {  	[sflag:s8] =	ssyncset.s32 @!p0 $0xFFFFF086;
	s6 =	sadd.s32 @!p0 s3, s7;
	s7 =	simm.s32 @!p0 $0x108  }
0x21: {  	s3 =	sadd.s32 s3, s9;
	s6 =	sadd.s32 @!p0 $0x88, s6;
	s7 =	simm.s32 @p2 $0x1082  }
0x22: {  	[simem:s7], [sflag:s8] =	dma.local @!p0 [hbm:s6], $0xF7A  }
0x23: {  	s9 =	sor.u32 $0xD0000000, s2;
	s6 =	simm.s32 $0x108;
	_ =	swait.ge @!p0 [sflag:s8], $0x0  }
0x24: {  	s3 =	sadd.s32 $0x88, s3;
	s6 =	simm.s32 @!p1 $0x1082;
	[sflag:s4] =	ssyncset.s32 $0xFFFFF086  }
0x25: {  	[simem:s6], [sflag:s4] =	dma.local [hbm:s3], $0xF7A  }
0x26: {  	[smem:$0x3FA0] =	sst s1;
	(tag) =	ssettag s2;
	_ =	strace s9  }
0x27: {  	s1 =	sld [smem:$0x3FB0]  }
0x28: {  	s2 =	sld [smem:$0x3FB1]  }
0x29: {  	s4 =	sld [smem:$0x3FB3]  }
0x2a: {  	p0 =	seq.s32 s5, $0x0;
	s5 =	sld [smem:$0x3FB4]  }
0x2b: {  	s6 =	sld [smem:$0x3FB5]  }
0x2c: {  	s7 =	sld [smem:$0x3FB6]  }
0x2d: {  	s3 =	simm.s32 $0x108;
	s8 =	sld [smem:$0x3FB7]  }
0x2e: {  	s3 =	simm.s32 @!p0 $0x1082;
	s9 =	sld [smem:$0x3FB8]  }
0x2f: {  	lr =	sadd.s32 s0, s3;
	s0 =	sld [smem:$0x3FAF]  }
0x30: {  	s3 =	sld [smem:$0x3FB2]  }
0x31: {  	[smem:$0x3FBB] =	sst s10  }
0x32: {  	s10 =	sld [smem:$0x3FB9];
	_ =	sdelay $0x3  }
0x33: {  	p0 =	seq.s32 s10, $0x1;
	s10 =	sld [smem:$0x3FBB];
	_ =	sdelay $0x3  }
0x34: {  	[smem:$0x3FBB] =	sst s10  }
0x35: {  	s10 =	sld [smem:$0x3FBA];
	_ =	sdelay $0x3  }
0x36: {  	p1 =	seq.s32 s10, $0x1;
	s10 =	sld [smem:$0x3FBB];
	_ =	sdelay $0x3  }
0x37: {  	[smem:$0x3FBB] =	sst s10  }
0x38: {  	s10 =	sld [smem:$0x3FBC]  }
0x39: {  	_ = 	snop;
	(pc) =	sbr.ind lr, $3  }
0x3a: {  	_ = 	snop  }
0x3b: {  	_ = 	snop  }
0x3c: {  	p2 =	seq.s32 s10, $0x1;
	s10 =	sld [smem:$0x3FBB]  }
0x3d: {  	_ =	shalt  }
0x3e: {  	_ =	shalt  }
0x3f: {  	_ =	shalt  }
0x40: {  	_ =	shalt  }
0x41: {  	_ =	shalt  }
0x42: {  	_ =	shalt  }
0x43: {  	_ =	shalt  }
0x44: {  	_ =	shalt  }
0x45: {  	_ =	shalt  }
0x46: {  	_ =	shalt  }
0x47: {  	_ =	shalt  }
0x48: {  	_ =	shalt  }
0x49: {  	_ =	shalt  }
0x4a: {  	_ =	shalt  }
0x4b: {  	_ =	shalt  }
0x4c: {  	_ =	shalt  }
0x4d: {  	_ =	shalt  }
0x4e: {  	_ =	shalt  }
0x4f: {  	_ =	shalt  }
0x50: {  	_ =	shalt  }
0x51: {  	_ =	shalt  }
0x52: {  	_ =	shalt  }
0x53: {  	_ =	shalt  }
0x54: {  	_ =	shalt  }
0x55: {  	_ =	shalt  }
0x56: {  	_ =	shalt  }
0x57: {  	_ =	shalt  }
0x58: {  	_ =	shalt  }
0x59: {  	_ =	shalt  }
0x5a: {  	_ =	shalt  }
0x5b: {  	_ =	shalt  }
0x5c: {  	_ =	shalt  }
0x5d: {  	_ =	shalt  }
0x5e: {  	_ =	shalt  }
0x5f: {  	_ =	shalt  }
0x60: {  	_ =	shalt  }
0x61: {  	_ =	shalt  }
0x62: {  	_ =	shalt  }
0x63: {  	_ =	shalt  }
0x64: {  	_ =	shalt  }
0x65: {  	_ =	shalt  }
0x66: {  	_ =	shalt  }
0x67: {  	_ =	shalt  }
0x68: {  	_ =	shalt  }
0x69: {  	_ =	shalt  }
0x6a: {  	_ =	shalt  }
0x6b: {  	_ =	shalt  }
0x6c: {  	_ =	shalt  }
0x6d: {  	_ =	shalt  }
0x6e: {  	_ =	shalt  }
0x6f: {  	_ =	shalt  }
0x70: {  	_ =	shalt  }
0x71: {  	_ =	shalt  }
0x72: {  	_ =	shalt  }
0x73: {  	_ =	shalt  }
0x74: {  	_ =	shalt  }
0x75: {  	_ =	shalt  }
0x76: {  	_ =	shalt  }
0x77: {  	_ =	shalt  }
0x78: {  	_ =	shalt  }
0x79: {  	_ =	shalt  }
0x7a: {  	_ =	shalt  }
0x7b: {  	_ =	shalt  }
0x7c: {  	_ =	shalt  }
0x7d: {  	_ =	shalt  }
0x7e: {  	_ =	shalt  }
0x7f: {  	_ =	shalt  }
0x80: {  	_ =	shalt  }
0x81: {  	_ =	shalt  }
0x82: {  	_ =	shalt  }
0x83: {  	_ =	shalt  }
0x84: {  	_ =	shalt  }
0x85: {  	_ =	shalt  }
0x86: {  	_ =	shalt  }
0x87: {  	_ =	shalt  }
.Lfunc_end0:
.L_simem_size_0:
called_computation_lowered:
.L_overlay_start_0:
0x88: {  	s2 =	sld [smem:$0x3FD9]  }
0x89: {  	s3 =	sld [smem:$0x3FFE];
	_ =	sdelay $0x1  }
0x8a: {  	s1 =	srdreg.scid  }
0x8b: {  	s0 =	sand.u32 $0x1, s1  }
0x8c: {  	s17 =	sshll.u32 s0, $0xA;
	s2 =	sadd.s32 s3, s2  }
0x8d: {  	s2 =	sadd.s32 s2, s17  }
0x8e: {  	[smem:$0x3FC7] =	sst s2  }
0x8f: {  	_ = 	snop  }
0x90: {  	s2 =	sld [smem:$0x3FD0];
	(tm) =	ssettm $0x1  }
0x91: {  	s18 =	sld [smem:$0x3FFB];
	_ =	sdelay $0x3  }
0x92: {  	_ =	strace s18  }
0x93: {  	s3 =	sld [smem:$0x3FFC];
	_ =	sdelay $0x3  }
0x94: {  	_ =	strace s3  }
0x95: {  	s3 =	sld [smem:$0x3FFD];
	_ =	sdelay $0x3  }
0x96: {  	_ =	strace s3  }
0x97: {  	_ =	strace $0x8FFFFFFF  }
0x98: {  	s19 =	sld [smem:$0x3FDB];
	_ =	sdelay $0x1  }
0x99: {  	s4 =	simm.s32 $_scs_section_size  }
0x9a: {  	s5 =	simm.s32 $_size__tile_overlayer_lowered;
	s6 =	simm.s32 $_tile_overlayer_lowered  }
0x9b: {  	s22 =	simm.s32 $0x1BFF;
	s21 =	sshll.u32 s6, $0x1;
	s3 =	sadd.s32 s4, s19  }
0x9c: {  	s7 =	simm.s32 $0x0;
	s20 =	sshll.u32 s5, $0x1;
	s5 =	sadd.s32 s21, s3  }
0x9d: {  	[timem:s7], [sflag:s22] =	dma.local [hbm:s5], s20  }
0x9e: {  	_ =	swait.ge [sflag:s22], s20  }
0x9f: {  	s4 =	ssub.s32 $0x0, s20;
	[sflag:s22] =	ssyncset.done $0x0  }
0xa0: {  	[sflag:s22] =	ssyncadd.s32 s4;
	_ =	sdelay $0x1  }
0xa1: {  	s23 =	simm.s32 $0x1B8B  }
0xa2: {  	_ =	swait.ge [sflag:s23], $0x1  }
0xa3: {  	[sflag:s23] =	ssyncset.done $0x0  }
0xa4: {  	s25 =	simm.s32 $0x1B8E;
	s24 =	sld [smem:$0x3FFE];
	[sflag:s23] =	ssyncadd.s32 $0xFFFFFFFF  }
0xa5: {  	s26 =	simm.s32 $execute0_lowered;
	[smem:$0x3FD2] =	sst s25  }
0xa6: {  	s5 =	sshll.u32 s26, $0x1;
	_ =	strace $0x80000046;
	[dreg:$0x1] =	wrdreg $0xFFFFFFFF  }
0xa7: {  	s28 =	simm.s32 $_size_execute0_lowered;
	s3 =	sadd.s32 s3, s5;
	[dreg:$0x0] =	wrdreg $0x0  }
0xa8: {  	s5 =	sshll.u32 s28, $0x1;
	[dreg:$0x2] =	wrdreg s3  }
0xa9: {  	[dreg:$0x3] =	wrdreg s5  }
0xaa: {  	[dreg:$0x4] =	wrdreg $0xC0  }
0xab: {  	_ =	task [dreg:s7], $0x5FFFF  }
0xac: {  	[dreg:$0x1] =	wrdreg $0xFFFFFFFF  }
0xad: {  	[dreg:$0x0] =	wrdreg $0x60  }
0xae: {  	[dreg:$0x2] =	wrdreg s2  }
0xaf: {  	[dreg:$0x3] =	wrdreg s24  }
0xb0: {  	[dreg:$0x4] =	wrdreg $0x9  }
0xb1: {  	_ =	task.clear_ibuf [dreg:s7], $0x5FFFF;
	_ =	strace $0x90000046  }
0xb2: {  	s29 =	simm.s32 $0x9;
	_ =	strace $0x80000048  }
0xb3: {  	_ =	swait.ge [sflag:s29], $0x1  }
0xb4: {  	[sflag:s29] =	ssyncadd.s32 $0xFFFFFFFF  }
0xb5: {  	_ =	strace $0x90000048  }
0xb6: {  	_ =	sfence  }
0xb7: {  	s30 =	sld [smem:$0x0];
	_ =	sdelay $0x2  }
0xb8: {  	s31 =	sshll.u32 s1, $0xD;
	s1 =	sshrl.u32 s1, $0x2  }
0xb9: {  	s3 =	sand.u32 $0x4000, s31;
	s1 =	sadd.s32 s1, s30  }
0xba: {  	s0 =	sor.u32 s3, s0;
	s1 =	sshll.u32 s1, $0x11  }
0xbb: {  	s0 =	sor.u32 s1, s0  }
0xbc: {  	s0 =	sadd.s32 $0x8F2B, s0  }
0xbd: {  	[sflag:s0] =	ssyncadd.remote.s32 $0x1  }
0xbe: {  	_ =	sfence.sel $0xFFFF  }
0xbf: {  	[dreg:$0x0] =	wrdreg $0xFFFFFFFF;
	(pc) =	sbr.abs _section_cstart, $3  }
0xc0: {  	[dreg:$0x1] =	wrdreg $0xFFFFFFFF  }
0xc1: {  	_ =	task.clear_ibuf [dreg:s7], $0x2FFFF;
	_ =	strace $0x9FFFFFFF  }
0xc2: {  	(tm) =	ssettm $0x7FFFFFFF  }
0xc3: {  	_ =	shalt  }
tec
execute0_lowered:
.L_overlay_start_1:
0x0: {  	(tag) =	ssettag $0x1  }
0x1: {  	s3 =	rddreg [dreg:$0x0];
	s1 =	srdreg.scid  }
0x2: {  	s0 =	stileid.u32;
	s4 =	rddreg [dreg:$0x1]  }
0x3: {  	s8 =	simm.s32 $0x0;
	s5 =	sand.u32 $0x1, s1;
	s2 =	sshll.u32 s0, $0x1  }
0x4: {  	s6 =	sor.u32 s5, s2;
	s2 =	simm.s32 $0x0;
	s5 =	ssub.s32 $0x2, s5  }
0x5: {  	s6 =	smul.u32 $0x680, s6;
	[smem:$0x7FF] =	sst s2;
	s7 =	sshrl.u32 s5, $0x1  }
0x6: {  	s1 =	rddreg [dreg:$0x2];
	_ =	strace $0x80000047;
	s5 =	ssub.s32 s5, s7  }
0x7: {  	s7 =	simm.s32 $0x3400;
	s4 =	sadd.s32 s6, s4;
	s3 =	sadd.s32 s3, s6  }
0x8: {  	v0 =	vimm.s32 $0x1;
	s5 =	smax.u32 s5, $0x1;
	s6 =	simm.s32 $0x1;
	s4 =	sadd.s32 $0x400, s4  }
.LBB2_1:
0x9: {  	[tilespmem:s2], [sflag:$0x1] =	stream.linear.gather [hbm4b:s3+s2], $0x3400, $0x38;
	[tilespmem:$0x6800] =	vst v63  }
0xa: {  	_ =	swait.ge [sflag:s6], $0x3400  }
0xb: {  	[sflag:s6] =	ssyncset.done $0x0  }
0xc: {  	s9 =	simm.s32 $0x0;
	[sflag:s6] =	ssyncadd.s32 $0xFFFFCC00  }
0xd: {  	v3 =	vld [tilespmem:s9+$0x30]  }
0xe: {  	v4 =	vld [tilespmem:s9+$0x0]  }
0xf: {  	v2 =	vld [tilespmem:s9+$0x10]  }
0x10: {  	v1 =	vld [tilespmem:s9+$0x20];
	_ =	sdelay $0x2  }
0x11: {  	v5 =	vadd.s32 $0x7F4A7C15, v3  }
0x12: {  	v6 =	vadd.s32 $0x7F4A7C15, v4;
	vm0 =	veq.s32 v4, $0x0;
	v8 =	vadd.s32 $0x7F4A7C15, v2  }
0x13: {  	v10 =	vadd.s32 $0x7F4A7C15, v1;
	v4 =	vshrl.u32 v5, $0x1E;
	v9 =	vshrl.u32 v8, $0x1E  }
0x14: {  	v7 =	vshrl.u32 v6, $0x1E;
	v4 =	vor.u32 $0x78DDE6E4, v4;
	v9 =	vor.u32 $0x78DDE6E4, v9  }
0x15: {  	v4 =	vxor.u32 v5, v4;
	v5 =	vor.u32 $0x78DDE6E4, v7;
	v7 =	vshrl.u32 v10, $0x1E  }
0x16: {  	v8 =	vxor.u32 v8, v9;
	v11 =	vand.u32 $0xFFFF, v4;
	v7 =	vor.u32 $0x78DDE6E4, v7  }
0x17: {  	v13 =	vxor.u32 v6, v5;
	v6 =	vshrl.u32 v4, $0x10;
	v4 =	vmul.u32 $0xBF58476D, v4  }
0x18: {  	v36 =	vshrl.u32 v8, $0x10;
	v12 =	vmul.u32 $0xE5B9, v11;
	v5 =	vmul.u32 $0x1CE4, v11  }
0x19: {  	v11 =	vand.u32 $0xFFFF, v13;
	v7 =	vxor.u32 v10, v7;
	v35 =	vshrl.u32 v13, $0x10  }
0x1a: {  	v40 =	vmul.u32 $0xE5B9, v36;
	v13 =	vmul.u32 $0xBF58476D, v13;
	v14 =	vand.u32 $0xFFFF, v7  }
0x1b: {  	v37 =	vshrl.u32 v7, $0x10;
	v39 =	vmul.u32 $0xE5B9, v35;
	v9 =	vshrl.u32 v12, $0x10  }
0x1c: {  	v5 =	vadd.s32 v5, v9;
	v9 =	vmul.u32 $0xE5B9, v6;
	v6 =	vmul.u32 $0x1CE4, v6  }
0x1d: {  	v7 =	vmul.u32 $0xBF58476D, v7;
	v42 =	vmul.u32 $0xE5B9, v37;
	v10 =	vand.u32 $0xFFFF, v5  }
0x1e: {  	v5 =	vshrl.u32 v5, $0x10;
	v9 =	vadd.s32 v9, v10;
	v4 =	vadd.s32 v6, v4  }
0x1f: {  	v10 =	vand.u32 $0xFFFF, v8;
	v6 =	vshrl.u32 v9, $0x10;
	v4 =	vadd.s32 v5, v4  }
0x20: {  	v8 =	vmul.u32 $0xBF58476D, v8;
	v9 =	vshll.u32 v9, $0x10;
	v5 =	vadd.s32 v6, v4  }
0x21: {  	v4 =	vmul.u32 $0xE5B9, v11;
	v6 =	vand.u32 $0xFFFF, v12;
	v11 =	vmul.u32 $0x1CE4, v11  }
0x22: {  	v15 =	vadd.s32 $0xD4873F23, v5;
	v5 =	vshrl.u32 v9, $0x1;
	v9 =	vor.u32 v6, v9  }
0x23: {  	v6 =	vmul.u32 $0xE5B9, v14;
	v14 =	vmul.u32 $0x1CE4, v14;
	v28 =	vshll.u32 v15, $0x5  }
0x24: {  	v16 =	vshrl.u32 v5, $0x1A;
	v5 =	vmul.u32 $0xE5B9, v10;
	v10 =	vmul.u32 $0x1CE4, v10  }
0x25: {  	v29 =	vshrl.u32 v15, $0x1B;
	v17 =	vshrl.u32 v4, $0x10;
	v4 =	vand.u32 $0xFFFF, v4  }
0x26: {  	v12 =	vor.u32 v16, v28;
	v34 =	vshrl.u32 v6, $0x10;
	v11 =	vadd.s32 v11, v17  }
0x27: {  	v17 =	vmul.u32 $0x1CE4, v37;
	v6 =	vand.u32 $0xFFFF, v6;
	v9 =	vxor.u32 v9, v12  }
0x28: {  	v12 =	vxor.u32 v15, v29;
	v20 =	vshrl.u32 v5, $0x10;
	v14 =	vadd.s32 v14, v34  }
0x29: {  	v24 =	vand.u32 $0xFFFF, v11;
	v11 =	vshrl.u32 v11, $0x10;
	v30 =	vand.u32 $0xFFFF, v9  }
0x2a: {  	v5 =	vand.u32 $0xFFFF, v5;
	v12 =	vmul.u32 $0x133111EB, v12;
	v31 =	vmul.u32 $0x11EB, v30  }
0x2b: {  	v18 =	vshrl.u32 v9, $0x10;
	v9 =	vmul.u32 $0x94D049BB, v9;
	v16 =	vmul.u32 $0x1331, v30  }
0x2c: {  	v10 =	vadd.s32 v10, v20;
	v25 =	vand.u32 $0xFFFF, v14;
	v19 =	vshrl.u32 v31, $0x10  }
0x2d: {  	v32 =	vmul.u32 $0x11EB, v18;
	v18 =	vmul.u32 $0x1331, v18;
	v16 =	vadd.s32 v16, v19  }
0x2e: {  	v20 =	vadd.s32 v39, v24;
	v9 =	vadd.s32 v9, v12;
	v21 =	vand.u32 $0xFFFF, v16  }
0x2f: {  	v9 =	vadd.s32 v18, v9;
	v16 =	vshrl.u32 v16, $0x10;
	v33 =	vadd.s32 v32, v21  }
0x30: {  	v14 =	vshrl.u32 v14, $0x10;
	v9 =	vadd.s32 v16, v9;
	v19 =	vshrl.u32 v33, $0x10  }
0x31: {  	v7 =	vadd.s32 v17, v7;
	v43 =	vand.u32 $0xFFFF, v10;
	v9 =	vadd.s32 v19, v9  }
0x32: {  	v10 =	vshrl.u32 v10, $0x10;
	v46 =	vshrl.u32 v20, $0x10;
	v19 =	vshrl.u32 v9, $0x14  }
0x33: {  	v22 =	vshrl.u32 v9, $0x1F;
	v23 =	vand.u32 $0xFFFFF, v9;
	v19 =	vmul.u32 $0xBDC1, v19  }
0x34: {  	v7 =	vadd.s32 v14, v7;
	v62 =	vshll.u32 v20, $0x10;
	v38 =	vxor.u32 v22, v23  }
0x35: {  	v4 =	vor.u32 v4, v62;
	v16 =	vmul.u32 $0x1CE4, v35;
	v18 =	vadd.s32 v38, v19  }
0x36: {  	v15 =	vand.u32 $0xFFFF, v31;
	v21 =	vmul.u32 $0x1CE4, v36;
	v41 =	vshrl.u32 v18, $0x14  }
0x37: {  	v12 =	vshll.u32 v33, $0x10;
	v13 =	vadd.s32 v16, v13;
	v22 =	vmul.u32 $0xBDC1, v41  }
0x38: {  	v8 =	vadd.s32 v21, v8;
	v15 =	vor.u32 v15, v12;
	v18 =	vand.u32 $0xFFFFF, v18  }
0x39: {  	v12 =	vshrl.u32 v12, $0x1;
	v9 =	vshll.u32 v9, $0x1;
	v18 =	vadd.s32 v18, v22  }
0x3a: {  	v12 =	vshrl.u32 v12, $0x1E;
	v11 =	vadd.s32 v11, v13;
	v26 =	vshrl.u32 v18, $0x14  }
0x3b: {  	v8 =	vadd.s32 v10, v8;
	v23 =	vadd.s32 v42, v25;
	v44 =	vmul.u32 $0xBDC1, v26  }
0x3c: {  	v9 =	vor.u32 v12, v9;
	v11 =	vadd.s32 v46, v11;
	v18 =	vand.u32 $0xFFFFF, v18  }
0x3d: {  	v49 =	vshrl.u32 v23, $0x10;
	v9 =	vxor.u32 v15, v9;
	v18 =	vadd.s32 v18, v44  }
0x3e: {  	v63 =	vshll.u32 v23, $0x10;
	v11 =	vadd.s32 $0xD4873F23, v11;
	v45 =	vand.u32 $0xFFFF, v18  }
0x3f: {  	v19 =	vadd.s32 v40, v43;
	v7 =	vadd.s32 v49, v7;
	v47 =	vmul.u32 $0xD346, v45  }
0x40: {  	v27 =	vshrl.u32 v63, $0x1;
	v28 =	vshll.u32 v11, $0x5;
	v16 =	vmul.u32 $0xE, v45  }
0x41: {  	v37 =	vshrl.u32 v11, $0x1B;
	v18 =	vshrl.u32 v18, $0x10;
	v50 =	vshrl.u32 v47, $0x10  }
0x42: {  	v48 =	vshrl.u32 v19, $0x10;
	v51 =	vmul.u32 $0xD346, v18;
	v16 =	vadd.s32 v16, v50  }
0x43: {  	v7 =	vadd.s32 $0xD4873F23, v7;
	v11 =	vxor.u32 v11, v37;
	v52 =	vand.u32 $0xFFFF, v16  }
0x44: {  	v8 =	vadd.s32 v48, v8;
	v31 =	vshll.u32 v7, $0x5;
	v25 =	vadd.s32 v51, v52  }
0x45: {  	v39 =	vshrl.u32 v7, $0x1B;
	v17 =	vand.u32 $0xFFFE, v47;
	v53 =	vshll.u32 v25, $0x10  }
0x46: {  	v11 =	vmul.u32 $0x133111EB, v11;
	v8 =	vadd.s32 $0xD4873F23, v8;
	v54 =	vor.u32 v17, v53  }
0x47: {  	v55 =	vmul.u32 $0xE, v18;
	v56 =	vor.u32 v9, v53;
	v13 =	vadd.s32 v9, v54  }
0x48: {  	v16 =	vshrl.u32 v16, $0x10;
	v9 =	vand.u32 v9, v53;
	v57 =	vandn.u32 v56, v13  }
0x49: {  	v15 =	vadd.s32 v55, v16;
	v58 =	vshrl.u32 v25, $0x10;
	v9 =	vor.u32 v9, v57  }
0x4a: {  	v59 =	vadd.s32 v58, v15;
	v60 =	vshrl.u32 v13, $0x14;
	v9 =	vshrl.u32 v9, $0x1F  }
0x4b: {  	v7 =	vxor.u32 v7, v39;
	v10 =	vmul.u32 $0xBDC1, v60;
	v9 =	vadd.s32 v9, v59  }
0x4c: {  	v29 =	vshll.u32 v8, $0x5;
	v61 =	vand.u32 $0xFFFFF, v13;
	v9 =	vmul.u32 $0xED346, v9  }
0x4d: {  	v38 =	vshrl.u32 v8, $0x1B;
	v7 =	vmul.u32 $0x133111EB, v7;
	v10 =	vadd.s32 v61, v10  }
0x4e: {  	v8 =	vxor.u32 v8, v38;
	v25 =	vshrl.u32 v62, $0x1;
	v9 =	vadd.s32 v9, v10  }
0x4f: {  	v8 =	vmul.u32 $0x133111EB, v8;
	v15 =	vshrl.u32 v25, $0x1A;
	v24 =	vshrl.u32 v9, $0x14  }
0x50: {  	v17 =	vshrl.u32 v27, $0x1A;
	v10 =	vshll.u32 v19, $0x10;
	v14 =	vmul.u32 $0xBDC1, v24  }
0x51: {  	v17 =	vor.u32 v17, v31;
	v9 =	vand.u32 $0xFFFFF, v9;
	v26 =	vshrl.u32 v10, $0x1  }
0x52: {  	v5 =	vor.u32 v5, v10;
	v16 =	vshrl.u32 v26, $0x1A;
	v9 =	vadd.s32 v9, v14  }
0x53: {  	v16 =	vor.u32 v16, v29;
	v14 =	vor.u32 v15, v28;
	v30 =	vshrl.u32 v9, $0x14  }
0x54: {  	v9 =	vand.u32 $0xFFFFF, v9;
	v10 =	vxor.u32 v4, v14;
	v4 =	vor.u32 v6, v63  }
0x55: {  	v19 =	vmul.u32 $0xBDC1, v30;
	v33 =	vxor.u32 v4, v17;
	v34 =	vand.u32 $0xFFFF, v10  }
0x56: {  	v42 =	vshrl.u32 v10, $0x10;
	v10 =	vmul.u32 $0x94D049BB, v10;
	v36 =	vand.u32 $0xFFFF, v33  }
0x57: {  	v13 =	vmul.u32 $0x1331, v34;
	v45 =	vshrl.u32 v33, $0x10;
	v12 =	vmul.u32 $0x94D049BB, v33  }
0x58: {  	v46 =	vmul.u32 $0x11EB, v42;
	v47 =	vmul.u32 $0x1331, v42;
	v9 =	vadd.s32 v9, v19  }
0x59: {  	v50 =	vmul.u32 $0x11EB, v45;
	v21 =	vmul.u32 $0x1331, v45;
	v32 =	vshrl.u32 v9, $0x14  }
0x5a: {  	v10 =	vadd.s32 v10, v11;
	v7 =	vadd.s32 v12, v7;
	v15 =	vmul.u32 $0xBDC1, v32  }
0x5b: {  	v9 =	vand.u32 $0xFFFFF, v9;
	v10 =	vadd.s32 v47, v10;
	v7 =	vadd.s32 v21, v7  }
0x5c: {  	v6 =	vadd.s32 v9, v15;
	v9 =	vxor.u32 v5, v16;
	v15 =	vmul.u32 $0x1331, v36  }
0x5d: {  	vm1 =	vgt.u32 v6, $0xF423E;
	v35 =	vand.u32 $0xFFFF, v9;
	v44 =	vshrl.u32 v9, $0x10  }
0x5e: {  	v9 =	vmul.u32 $0x94D049BB, v9;
	v4 =	vsel vm1, $0xFFF0BDC2, v0;
	vm1 =	veq.s32 v3, $0x0  }
0x5f: {  	v5 =	vmul.u32 $0x11EB, v35;
	v14 =	vmul.u32 $0x1331, v35;
	v48 =	vmul.u32 $0x11EB, v44  }
0x60: {  	v49 =	vmul.u32 $0x1331, v44;
	v3 =	vadd.s32 v6, v4;
	v4 =	vmul.u32 $0x11EB, v34  }
0x61: {  	v6 =	vmul.u32 $0x11EB, v36;
	v8 =	vadd.s32 v9, v8;
	v3 =	vsel vm1, $0x0, v3  }
0x62: {  	v41 =	vshrl.u32 v5, $0x10;
	v8 =	vadd.s32 v49, v8;
	v5 =	vand.u32 $0xFFFF, v5  }
0x63: {  	v40 =	vshrl.u32 v4, $0x10;
	v43 =	vshrl.u32 v6, $0x10;
	v14 =	vadd.s32 v14, v41  }
0x64: {  	v4 =	vand.u32 $0xFFFF, v4;
	v6 =	vand.u32 $0xFFFF, v6;
	v13 =	vadd.s32 v13, v40  }
0x65: {  	v15 =	vadd.s32 v15, v43;
	v52 =	vand.u32 $0xFFFF, v14;
	v55 =	vshrl.u32 v14, $0x10  }
0x66: {  	v51 =	vand.u32 $0xFFFF, v13;
	v9 =	vand.u32 $0xFFFF, v15;
	v53 =	vadd.s32 v48, v52  }
0x67: {  	v54 =	vshrl.u32 v13, $0x10;
	v56 =	vshrl.u32 v15, $0x10;
	v8 =	vadd.s32 v55, v8  }
0x68: {  	v11 =	vadd.s32 v46, v51;
	v9 =	vadd.s32 v50, v9;
	v58 =	vshrl.u32 v53, $0x10  }
0x69: {  	v10 =	vadd.s32 v54, v10;
	v7 =	vadd.s32 v56, v7;
	v16 =	vshll.u32 v53, $0x10  }
0x6a: {  	v57 =	vshrl.u32 v11, $0x10;
	v59 =	vshrl.u32 v9, $0x10;
	v8 =	vadd.s32 v58, v8  }
0x6b: {  	v11 =	vshll.u32 v11, $0x10;
	v9 =	vshll.u32 v9, $0x10;
	v5 =	vor.u32 v5, v16  }
0x6c: {  	v10 =	vadd.s32 v57, v10;
	v61 =	vshrl.u32 v8, $0x14;
	v7 =	vadd.s32 v59, v7  }
0x6d: {  	v26 =	vshrl.u32 v8, $0x1F;
	v27 =	vand.u32 $0xFFFFF, v8;
	v49 =	vshrl.u32 v9, $0x1  }
0x6e: {  	v8 =	vshll.u32 v8, $0x1;
	v4 =	vor.u32 v4, v11;
	v6 =	vor.u32 v6, v9  }
0x6f: {  	v60 =	vshrl.u32 v10, $0x14;
	v63 =	vmul.u32 $0xBDC1, v61;
	v24 =	vshrl.u32 v7, $0x14  }
0x70: {  	v15 =	vshrl.u32 v10, $0x1F;
	v25 =	vand.u32 $0xFFFFF, v10;
	v28 =	vshrl.u32 v7, $0x1F  }
0x71: {  	v29 =	vxor.u32 v26, v27;
	v30 =	vand.u32 $0xFFFFF, v7;
	v27 =	vshrl.u32 v11, $0x1  }
0x72: {  	v10 =	vshll.u32 v10, $0x1;
	v7 =	vshll.u32 v7, $0x1;
	v62 =	vmul.u32 $0xBDC1, v60  }
0x73: {  	v14 =	vmul.u32 $0xBDC1, v24;
	v15 =	vxor.u32 v15, v25;
	v31 =	vxor.u32 v28, v30  }
0x74: {  	v28 =	vshrl.u32 v16, $0x1;
	v50 =	vshrl.u32 v27, $0x1E;
	v25 =	vshrl.u32 v49, $0x1E  }
0x75: {  	v13 =	vadd.s32 v29, v63;
	v51 =	vshrl.u32 v28, $0x1E;
	v10 =	vor.u32 v50, v10  }
0x76: {  	v7 =	vor.u32 v25, v7;
	v12 =	vadd.s32 v15, v62;
	v33 =	vshrl.u32 v13, $0x14  }
0x77: {  	v14 =	vadd.s32 v31, v14;
	v13 =	vand.u32 $0xFFFFF, v13;
	v8 =	vor.u32 v51, v8  }
0x78: {  	v4 =	vxor.u32 v4, v10;
	v6 =	vxor.u32 v6, v7;
	v32 =	vshrl.u32 v12, $0x14  }
0x79: {  	v35 =	vmul.u32 $0xBDC1, v33;
	v36 =	vshrl.u32 v14, $0x14;
	v34 =	vmul.u32 $0xBDC1, v32  }
0x7a: {  	v12 =	vand.u32 $0xFFFFF, v12;
	v14 =	vand.u32 $0xFFFFF, v14;
	v18 =	vmul.u32 $0xBDC1, v36  }
0x7b: {  	v5 =	vxor.u32 v5, v8;
	v13 =	vadd.s32 v13, v35;
	v12 =	vadd.s32 v12, v34  }
0x7c: {  	v17 =	vshrl.u32 v13, $0x14;
	v14 =	vadd.s32 v14, v18;
	v15 =	vshrl.u32 v12, $0x14  }
0x7d: {  	v17 =	vmul.u32 $0xBDC1, v17;
	v18 =	vshrl.u32 v14, $0x14;
	v15 =	vmul.u32 $0xBDC1, v15  }
0x7e: {  	v13 =	vand.u32 $0xFFFFF, v13;
	v12 =	vand.u32 $0xFFFFF, v12;
	v18 =	vmul.u32 $0xBDC1, v18  }
0x7f: {  	v14 =	vand.u32 $0xFFFFF, v14;
	v13 =	vadd.s32 v13, v17;
	v12 =	vadd.s32 v12, v15  }
0x80: {  	v17 =	vand.u32 $0xFFFF, v13;
	v14 =	vadd.s32 v14, v18;
	v13 =	vshrl.u32 v13, $0x10  }
0x81: {  	v15 =	vand.u32 $0xFFFF, v12;
	v38 =	vmul.u32 $0xD346, v17;
	v39 =	vand.u32 $0xFFFF, v14  }
0x82: {  	v17 =	vmul.u32 $0xE, v17;
	v12 =	vshrl.u32 v12, $0x10;
	v14 =	vshrl.u32 v14, $0x10  }
0x83: {  	v45 =	vmul.u32 $0xD346, v13;
	v13 =	vmul.u32 $0xE, v13;
	v37 =	vmul.u32 $0xD346, v15  }
0x84: {  	v15 =	vmul.u32 $0xE, v15;
	v40 =	vmul.u32 $0xD346, v39;
	v20 =	vmul.u32 $0xE, v39  }
0x85: {  	v44 =	vmul.u32 $0xD346, v12;
	v46 =	vmul.u32 $0xD346, v14;
	v12 =	vmul.u32 $0xE, v12  }
0x86: {  	v14 =	vmul.u32 $0xE, v14;
	v42 =	vshrl.u32 v38, $0x10;
	v19 =	vand.u32 $0xFFFE, v38  }
0x87: {  	v41 =	vshrl.u32 v37, $0x10;
	v43 =	vshrl.u32 v40, $0x10;
	v17 =	vadd.s32 v17, v42  }
0x88: {  	v18 =	vand.u32 $0xFFFE, v37;
	v21 =	vand.u32 $0xFFFE, v40;
	v15 =	vadd.s32 v15, v41  }
0x89: {  	v20 =	vadd.s32 v20, v43;
	v48 =	vand.u32 $0xFFFF, v17;
	v17 =	vshrl.u32 v17, $0x10  }
0x8a: {  	v47 =	vand.u32 $0xFFFF, v15;
	v29 =	vand.u32 $0xFFFF, v20;
	v23 =	vadd.s32 v45, v48  }
0x8b: {  	v15 =	vshrl.u32 v15, $0x10;
	v13 =	vadd.s32 v13, v17;
	v22 =	vadd.s32 v44, v47  }
0x8c: {  	v24 =	vadd.s32 v46, v29;
	v53 =	vshll.u32 v23, $0x10;
	v57 =	vshrl.u32 v23, $0x10  }
0x8d: {  	v12 =	vadd.s32 v12, v15;
	v52 =	vshll.u32 v22, $0x10;
	v54 =	vshll.u32 v24, $0x10  }
0x8e: {  	v55 =	vor.u32 v19, v53;
	v58 =	vshrl.u32 v24, $0x10;
	v61 =	vadd.s32 v57, v13  }
0x8f: {  	v11 =	vor.u32 v18, v52;
	v8 =	vor.u32 v21, v54;
	v10 =	vadd.s32 v5, v55  }
0x90: {  	v7 =	vor.u32 v4, v52;
	v56 =	vor.u32 v6, v54;
	v9 =	vadd.s32 v4, v11  }
0x91: {  	v11 =	vor.u32 v5, v53;
	v8 =	vadd.s32 v6, v8;
	v4 =	vand.u32 v4, v52  }
0x92: {  	v5 =	vand.u32 v5, v53;
	v6 =	vand.u32 v6, v54;
	v60 =	vshrl.u32 v10, $0x14  }
0x93: {  	v7 =	vandn.u32 v7, v9;
	v11 =	vandn.u32 v11, v10;
	v16 =	vandn.u32 v56, v8  }
0x94: {  	v59 =	vshrl.u32 v9, $0x14;
	v62 =	vshrl.u32 v8, $0x14;
	v63 =	vmul.u32 $0xBDC1, v60  }
0x95: {  	v9 =	vand.u32 $0xFFFFF, v9;
	v10 =	vand.u32 $0xFFFFF, v10;
	v8 =	vand.u32 $0xFFFFF, v8  }
0x96: {  	v4 =	vor.u32 v4, v7;
	v5 =	vor.u32 v5, v11;
	v7 =	vshrl.u32 v20, $0x10  }
0x97: {  	v11 =	vshrl.u32 v22, $0x10;
	v6 =	vor.u32 v6, v16;
	v4 =	vshrl.u32 v4, $0x1F  }
0x98: {  	v5 =	vshrl.u32 v5, $0x1F;
	v7 =	vadd.s32 v14, v7;
	v11 =	vadd.s32 v11, v12  }
0x99: {  	v6 =	vshrl.u32 v6, $0x1F;
	v4 =	vadd.s32 v4, v11;
	v7 =	vadd.s32 v58, v7  }
0x9a: {  	v5 =	vadd.s32 v5, v61;
	v11 =	vmul.u32 $0xBDC1, v59;
	v6 =	vadd.s32 v6, v7  }
0x9b: {  	v4 =	vmul.u32 $0xED346, v4;
	v5 =	vmul.u32 $0xED346, v5;
	v7 =	vmul.u32 $0xBDC1, v62  }
0x9c: {  	v10 =	vadd.s32 v10, v63;
	v6 =	vmul.u32 $0xED346, v6;
	v9 =	vadd.s32 v9, v11  }
0x9d: {  	v4 =	vadd.s32 v4, v9;
	v5 =	vadd.s32 v5, v10;
	v7 =	vadd.s32 v8, v7  }
0x9e: {  	v8 =	vshrl.u32 v4, $0x14;
	v9 =	vshrl.u32 v5, $0x14;
	v6 =	vadd.s32 v6, v7  }
0x9f: {  	v7 =	vmul.u32 $0xBDC1, v8;
	v8 =	vmul.u32 $0xBDC1, v9;
	v9 =	vshrl.u32 v6, $0x14  }
0xa0: {  	v4 =	vand.u32 $0xFFFFF, v4;
	v5 =	vand.u32 $0xFFFFF, v5;
	v9 =	vmul.u32 $0xBDC1, v9  }
0xa1: {  	v6 =	vand.u32 $0xFFFFF, v6;
	v4 =	vadd.s32 v4, v7;
	v5 =	vadd.s32 v5, v8  }
0xa2: {  	v7 =	vshrl.u32 v4, $0x14;
	v8 =	vshrl.u32 v5, $0x14;
	v6 =	vadd.s32 v6, v9  }
0xa3: {  	v7 =	vmul.u32 $0xBDC1, v7;
	v8 =	vmul.u32 $0xBDC1, v8;
	v9 =	vshrl.u32 v6, $0x14  }
0xa4: {  	v4 =	vand.u32 $0xFFFFF, v4;
	v5 =	vand.u32 $0xFFFFF, v5;
	v9 =	vmul.u32 $0xBDC1, v9  }
0xa5: {  	v6 =	vand.u32 $0xFFFFF, v6;
	v4 =	vadd.s32 v4, v7;
	v5 =	vadd.s32 v5, v8  }
0xa6: {  	v7 =	vshrl.u32 v4, $0x14;
	v8 =	vshrl.u32 v5, $0x14;
	v6 =	vadd.s32 v6, v9  }
0xa7: {  	v9 =	vmul.u32 $0xBDC1, v7;
	v8 =	vmul.u32 $0xBDC1, v8;
	v7 =	vshrl.u32 v6, $0x14  }
0xa8: {  	v4 =	vand.u32 $0xFFFFF, v4;
	v5 =	vand.u32 $0xFFFFF, v5;
	v7 =	vmul.u32 $0xBDC1, v7  }
0xa9: {  	s11 =	simm.s32 $0x40;
	s10 =	simm.s32 $0x200;
	[tilespmem:s9+$0x3430] =	vst v3;
	v4 =	vadd.s32 v4, v9;
	v5 =	vadd.s32 v5, v8;
	v8 =	vand.u32 $0xFFFFF, v6  }
.LBB2_2:
0xaa: {  	p0 =	sne.s32 s10, $0xCF00;
	v3 =	vld [tilespmem:s11+$0x30];
	vm1 =	vgt.u32 v4, $0xF423E;
	vm2 =	vgt.u32 v5, $0xF423E;
	v6 =	vadd.s32 v8, v7  }
0xab: {  	v7 =	vld [tilespmem:s11+$0x0];
	v8 =	vsel vm1, $0xFFF0BDC2, v0;
	v9 =	vsel vm2, $0xFFF0BDC2, v0;
	vm1 =	vgt.u32 v6, $0xF423E  }
0xac: {  	v10 =	vld [tilespmem:s11+$0x10];
	v4 =	vadd.s32 v4, v8;
	v5 =	vadd.s32 v5, v9;
	v8 =	vsel vm1, $0xFFF0BDC2, v0  }
0xad: {  	vm2 =	veq.s32 v1, $0x0;
	vm1 =	veq.s32 v2, $0x0;
	v1 =	vld [tilespmem:s11+$0x20];
	v2 =	vadd.s32 v6, v8  }
0xae: {  	v4 =	vsel vm0, $0x0, v4;
	v5 =	vsel vm1, $0x0, v5;
	v2 =	vsel vm2, $0x0, v2  }
0xaf: {  	v6 =	vadd.s32 $0x7F4A7C15, v3;
	[tilespmem:s9+$0x3400] =	vst v4  }
0xb0: {  	v4 =	vadd.s32 $0x7F4A7C15, v7;
	vm0 =	veq.s32 v7, $0x0;
	v7 =	vshrl.u32 v6, $0x1E;
	[tilespmem:s9+$0x3410] =	vst v5  }
0xb1: {  	v5 =	vshrl.u32 v4, $0x1E;
	v8 =	vadd.s32 $0x7F4A7C15, v10;
	v7 =	vor.u32 $0x78DDE6E4, v7;
	[tilespmem:s9+$0x3420] =	vst v2;
	v2 =	vmovc v10;
	s9 =	smov.u32 s11  }
0xb2: {  	v9 =	vshrl.u32 v8, $0x1E;
	v10 =	vadd.s32 $0x7F4A7C15, v1;
	v6 =	vxor.u32 v6, v7  }
0xb3: {  	v5 =	vor.u32 $0x78DDE6E4, v5;
	v7 =	vshrl.u32 v10, $0x1E;
	v11 =	vand.u32 $0xFFFF, v6  }
0xb4: {  	v9 =	vor.u32 $0x78DDE6E4, v9;
	v7 =	vor.u32 $0x78DDE6E4, v7;
	v12 =	vmul.u32 $0xE5B9, v11  }
0xb5: {  	v13 =	vxor.u32 v4, v5;
	v8 =	vxor.u32 v8, v9;
	v4 =	vmul.u32 $0x1CE4, v11  }
0xb6: {  	v5 =	vshrl.u32 v6, $0x10;
	v6 =	vmul.u32 $0xBF58476D, v6;
	v9 =	vshrl.u32 v12, $0x10  }
0xb7: {  	v4 =	vadd.s32 v4, v9;
	v9 =	vmul.u32 $0xE5B9, v5;
	v5 =	vmul.u32 $0x1CE4, v5  }
0xb8: {  	v11 =	vand.u32 $0xFFFF, v13;
	v7 =	vxor.u32 v10, v7;
	v10 =	vand.u32 $0xFFFF, v4  }
0xb9: {  	v4 =	vshrl.u32 v4, $0x10;
	v9 =	vadd.s32 v9, v10;
	v5 =	vadd.s32 v5, v6  }
0xba: {  	v10 =	vand.u32 $0xFFFF, v8;
	v6 =	vshrl.u32 v9, $0x10;
	v4 =	vadd.s32 v4, v5  }
0xbb: {  	v14 =	vand.u32 $0xFFFF, v7;
	v9 =	vshll.u32 v9, $0x10;
	v5 =	vadd.s32 v6, v4  }
0xbc: {  	v4 =	vmul.u32 $0xE5B9, v11;
	v15 =	vadd.s32 $0xD4873F23, v5;
	v5 =	vshrl.u32 v9, $0x1  }
0xbd: {  	v6 =	vand.u32 $0xFFFF, v12;
	v12 =	vshll.u32 v15, $0x5;
	v16 =	vshrl.u32 v5, $0x1A  }
0xbe: {  	v9 =	vor.u32 v6, v9;
	v5 =	vmul.u32 $0xE5B9, v10;
	v12 =	vor.u32 v16, v12  }
0xbf: {  	v11 =	vmul.u32 $0x1CE4, v11;
	v6 =	vmul.u32 $0xE5B9, v14;
	v9 =	vxor.u32 v9, v12  }
0xc0: {  	v10 =	vmul.u32 $0x1CE4, v10;
	v12 =	vshrl.u32 v15, $0x1B;
	v16 =	vand.u32 $0xFFFF, v9  }
0xc1: {  	v14 =	vmul.u32 $0x1CE4, v14;
	v12 =	vxor.u32 v15, v12;
	v15 =	vmul.u32 $0x11EB, v16  }
0xc2: {  	v17 =	vshrl.u32 v4, $0x10;
	v16 =	vmul.u32 $0x1331, v16;
	v12 =	vmul.u32 $0x133111EB, v12  }
0xc3: {  	v18 =	vshrl.u32 v9, $0x10;
	v9 =	vmul.u32 $0x94D049BB, v9;
	v19 =	vshrl.u32 v15, $0x10  }
0xc4: {  	v16 =	vadd.s32 v16, v19;
	v19 =	vmul.u32 $0x11EB, v18;
	v18 =	vmul.u32 $0x1331, v18  }
0xc5: {  	v20 =	vshrl.u32 v5, $0x10;
	v9 =	vadd.s32 v9, v12;
	v21 =	vand.u32 $0xFFFF, v16  }
0xc6: {  	v16 =	vshrl.u32 v16, $0x10;
	v12 =	vadd.s32 v19, v21;
	v9 =	vadd.s32 v18, v9  }
0xc7: {  	v18 =	vshrl.u32 v6, $0x10;
	v19 =	vshrl.u32 v12, $0x10;
	v9 =	vadd.s32 v16, v9  }
0xc8: {  	v21 =	vshrl.u32 v8, $0x10;
	v16 =	vshrl.u32 v13, $0x10;
	v9 =	vadd.s32 v19, v9  }
0xc9: {  	v11 =	vadd.s32 v11, v17;
	v17 =	vshrl.u32 v7, $0x10;
	v19 =	vshrl.u32 v9, $0x14  }
0xca: {  	v22 =	vshrl.u32 v9, $0x1F;
	v23 =	vand.u32 $0xFFFFF, v9;
	v19 =	vmul.u32 $0xBDC1, v19  }
0xcb: {  	v10 =	vadd.s32 v10, v20;
	v14 =	vadd.s32 v14, v18;
	v18 =	vxor.u32 v22, v23  }
0xcc: {  	v20 =	vmul.u32 $0xE5B9, v16;
	v16 =	vmul.u32 $0x1CE4, v16;
	v18 =	vadd.s32 v18, v19  }
0xcd: {  	v19 =	vmul.u32 $0xE5B9, v21;
	v21 =	vmul.u32 $0x1CE4, v21;
	v22 =	vshrl.u32 v18, $0x14  }
0xce: {  	v23 =	vmul.u32 $0xE5B9, v17;
	v17 =	vmul.u32 $0x1CE4, v17;
	v22 =	vmul.u32 $0xBDC1, v22  }
0xcf: {  	v8 =	vmul.u32 $0xBF58476D, v8;
	v13 =	vmul.u32 $0xBF58476D, v13;
	v18 =	vand.u32 $0xFFFFF, v18  }
0xd0: {  	v7 =	vmul.u32 $0xBF58476D, v7;
	v24 =	vand.u32 $0xFFFF, v11;
	v18 =	vadd.s32 v18, v22  }
0xd1: {  	v25 =	vand.u32 $0xFFFF, v14;
	v22 =	vand.u32 $0xFFFF, v10;
	v26 =	vshrl.u32 v18, $0x14  }
0xd2: {  	v20 =	vadd.s32 v20, v24;
	v19 =	vadd.s32 v19, v22;
	v22 =	vmul.u32 $0xBDC1, v26  }
0xd3: {  	v11 =	vshrl.u32 v11, $0x10;
	v23 =	vadd.s32 v23, v25;
	v18 =	vand.u32 $0xFFFFF, v18  }
0xd4: {  	v14 =	vshrl.u32 v14, $0x10;
	v10 =	vshrl.u32 v10, $0x10;
	v18 =	vadd.s32 v18, v22  }
0xd5: {  	v13 =	vadd.s32 v16, v13;
	v8 =	vadd.s32 v21, v8;
	v16 =	vand.u32 $0xFFFF, v18  }
0xd6: {  	v7 =	vadd.s32 v17, v7;
	v21 =	vshrl.u32 v20, $0x10;
	v17 =	vmul.u32 $0xD346, v16  }
0xd7: {  	v24 =	vshrl.u32 v23, $0x10;
	v22 =	vshrl.u32 v19, $0x10;
	v16 =	vmul.u32 $0xE, v16  }
0xd8: {  	v15 =	vand.u32 $0xFFFF, v15;
	v18 =	vshrl.u32 v18, $0x10;
	v25 =	vshrl.u32 v17, $0x10  }
0xd9: {  	v12 =	vshll.u32 v12, $0x10;
	v16 =	vadd.s32 v16, v25;
	v25 =	vmul.u32 $0xD346, v18  }
0xda: {  	v15 =	vor.u32 v15, v12;
	v12 =	vshrl.u32 v12, $0x1;
	v26 =	vand.u32 $0xFFFF, v16  }
0xdb: {  	v9 =	vshll.u32 v9, $0x1;
	v12 =	vshrl.u32 v12, $0x1E;
	v25 =	vadd.s32 v25, v26  }
0xdc: {  	v9 =	vor.u32 v12, v9;
	v17 =	vand.u32 $0xFFFE, v17;
	v12 =	vshll.u32 v25, $0x10  }
0xdd: {  	v11 =	vadd.s32 v11, v13;
	v9 =	vxor.u32 v15, v9;
	v13 =	vor.u32 v17, v12  }
0xde: {  	v15 =	vmul.u32 $0xE, v18;
	v17 =	vor.u32 v9, v12;
	v13 =	vadd.s32 v9, v13  }
0xdf: {  	v16 =	vshrl.u32 v16, $0x10;
	v9 =	vand.u32 v9, v12;
	v12 =	vandn.u32 v17, v13  }
0xe0: {  	v15 =	vadd.s32 v15, v16;
	v16 =	vshrl.u32 v25, $0x10;
	v9 =	vor.u32 v9, v12  }
0xe1: {  	v12 =	vadd.s32 v16, v15;
	v15 =	vshrl.u32 v13, $0x14;
	v9 =	vshrl.u32 v9, $0x1F  }
0xe2: {  	v8 =	vadd.s32 v10, v8;
	v10 =	vmul.u32 $0xBDC1, v15;
	v9 =	vadd.s32 v9, v12  }
0xe3: {  	v7 =	vadd.s32 v14, v7;
	v12 =	vand.u32 $0xFFFFF, v13;
	v9 =	vmul.u32 $0xED346, v9  }
0xe4: {  	v11 =	vadd.s32 v21, v11;
	v8 =	vadd.s32 v22, v8;
	v10 =	vadd.s32 v12, v10  }
0xe5: {  	v7 =	vadd.s32 v24, v7;
	v12 =	vshll.u32 v20, $0x10;
	v9 =	vadd.s32 v9, v10  }
0xe6: {  	v13 =	vshll.u32 v23, $0x10;
	v10 =	vshll.u32 v19, $0x10;
	v14 =	vshrl.u32 v9, $0x14  }
0xe7: {  	v11 =	vadd.s32 $0xD4873F23, v11;
	v8 =	vadd.s32 $0xD4873F23, v8;
	v14 =	vmul.u32 $0xBDC1, v14  }
0xe8: {  	v7 =	vadd.s32 $0xD4873F23, v7;
	v15 =	vshrl.u32 v12, $0x1;
	v9 =	vand.u32 $0xFFFFF, v9  }
0xe9: {  	v17 =	vshrl.u32 v13, $0x1;
	v16 =	vshrl.u32 v10, $0x1;
	v9 =	vadd.s32 v9, v14  }
0xea: {  	v18 =	vshll.u32 v8, $0x5;
	v14 =	vshll.u32 v11, $0x5;
	v19 =	vshrl.u32 v9, $0x14  }
0xeb: {  	v20 =	vshll.u32 v7, $0x5;
	v15 =	vshrl.u32 v15, $0x1A;
	v19 =	vmul.u32 $0xBDC1, v19  }
0xec: {  	v17 =	vshrl.u32 v17, $0x1A;
	v16 =	vshrl.u32 v16, $0x1A;
	v9 =	vand.u32 $0xFFFFF, v9  }
0xed: {  	v4 =	vand.u32 $0xFFFF, v4;
	v5 =	vand.u32 $0xFFFF, v5;
	v9 =	vadd.s32 v9, v19  }
0xee: {  	v6 =	vand.u32 $0xFFFF, v6;
	v14 =	vor.u32 v15, v14;
	v15 =	vshrl.u32 v9, $0x14  }
0xef: {  	v17 =	vor.u32 v17, v20;
	v16 =	vor.u32 v16, v18;
	v15 =	vmul.u32 $0xBDC1, v15  }
0xf0: {  	v4 =	vor.u32 v4, v12;
	v5 =	vor.u32 v5, v10;
	v9 =	vand.u32 $0xFFFFF, v9  }
0xf1: {  	v10 =	vxor.u32 v4, v14;
	v4 =	vor.u32 v6, v13;
	v6 =	vadd.s32 v9, v15  }
0xf2: {  	v12 =	vxor.u32 v4, v17;
	v9 =	vxor.u32 v5, v16;
	vm1 =	vgt.u32 v6, $0xF423E  }
0xf3: {  	v13 =	vand.u32 $0xFFFF, v10;
	v14 =	vand.u32 $0xFFFF, v9;
	v4 =	vsel vm1, $0xFFF0BDC2, v0  }
0xf4: {  	v15 =	vand.u32 $0xFFFF, v12;
	vm1 =	veq.s32 v3, $0x0;
	v5 =	vadd.s32 v6, v4  }
0xf5: {  	v3 =	vmul.u32 $0x11EB, v13;
	v4 =	vmul.u32 $0x11EB, v14;
	v6 =	vsel vm1, $0x0, v5  }
0xf6: {  	v17 =	vshrl.u32 v8, $0x1B;
	v16 =	vshrl.u32 v11, $0x1B;
	v5 =	vmul.u32 $0x11EB, v15;
	[tilespmem:s9+$0x3430] =	vst v6  }
0xf7: {  	v6 =	vmul.u32 $0x1331, v13;
	v13 =	vmul.u32 $0x1331, v14;
	v14 =	vshrl.u32 v7, $0x1B  }
0xf8: {  	v8 =	vxor.u32 v8, v17;
	v11 =	vxor.u32 v11, v16;
	v15 =	vmul.u32 $0x1331, v15  }
0xf9: {  	v16 =	vshrl.u32 v3, $0x10;
	v17 =	vshrl.u32 v4, $0x10;
	v7 =	vxor.u32 v7, v14  }
0xfa: {  	v14 =	vshrl.u32 v10, $0x10;
	v10 =	vmul.u32 $0x94D049BB, v10;
	v18 =	vshrl.u32 v5, $0x10  }
0xfb: {  	v20 =	vshrl.u32 v12, $0x10;
	v19 =	vshrl.u32 v9, $0x10;
	v9 =	vmul.u32 $0x94D049BB, v9  }
0xfc: {  	v8 =	vmul.u32 $0x133111EB, v8;
	v12 =	vmul.u32 $0x94D049BB, v12;
	v11 =	vmul.u32 $0x133111EB, v11  }
0xfd: {  	v6 =	vadd.s32 v6, v16;
	v13 =	vadd.s32 v13, v17;
	v7 =	vmul.u32 $0x133111EB, v7  }
0xfe: {  	v16 =	vmul.u32 $0x11EB, v14;
	v14 =	vmul.u32 $0x1331, v14;
	v15 =	vadd.s32 v15, v18  }
0xff: {  	v17 =	vmul.u32 $0x11EB, v19;
	v18 =	vmul.u32 $0x1331, v19;
	v19 =	vmul.u32 $0x11EB, v20  }
0x100: {  	v20 =	vmul.u32 $0x1331, v20;
	v21 =	vand.u32 $0xFFFF, v6;
	v22 =	vand.u32 $0xFFFF, v13  }
0x101: {  	v8 =	vadd.s32 v9, v8;
	v10 =	vadd.s32 v10, v11;
	v9 =	vand.u32 $0xFFFF, v15  }
0x102: {  	v11 =	vadd.s32 v16, v21;
	v16 =	vadd.s32 v17, v22;
	v7 =	vadd.s32 v12, v7  }
0x103: {  	v6 =	vshrl.u32 v6, $0x10;
	v12 =	vshrl.u32 v13, $0x10;
	v9 =	vadd.s32 v19, v9  }
0x104: {  	v10 =	vadd.s32 v14, v10;
	v8 =	vadd.s32 v18, v8;
	v13 =	vshrl.u32 v15, $0x10  }
0x105: {  	v14 =	vshrl.u32 v11, $0x10;
	v15 =	vshrl.u32 v16, $0x10;
	v7 =	vadd.s32 v20, v7  }
0x106: {  	v6 =	vadd.s32 v6, v10;
	v8 =	vadd.s32 v12, v8;
	v10 =	vshrl.u32 v9, $0x10  }
0x107: {  	v6 =	vadd.s32 v14, v6;
	v8 =	vadd.s32 v15, v8;
	v7 =	vadd.s32 v13, v7  }
0x108: {  	v12 =	vshrl.u32 v6, $0x14;
	v13 =	vshrl.u32 v8, $0x14;
	v7 =	vadd.s32 v10, v7  }
0x109: {  	v10 =	vmul.u32 $0xBDC1, v12;
	v12 =	vmul.u32 $0xBDC1, v13;
	v13 =	vshrl.u32 v7, $0x14  }
0x10a: {  	v14 =	vshrl.u32 v6, $0x1F;
	v15 =	vand.u32 $0xFFFFF, v6;
	v13 =	vmul.u32 $0xBDC1, v13  }
0x10b: {  	v17 =	vshrl.u32 v8, $0x1F;
	v18 =	vand.u32 $0xFFFFF, v8;
	v19 =	vshrl.u32 v7, $0x1F  }
0x10c: {  	v14 =	vxor.u32 v14, v15;
	v15 =	vxor.u32 v17, v18;
	v17 =	vand.u32 $0xFFFFF, v7  }
0x10d: {  	v10 =	vadd.s32 v14, v10;
	v12 =	vadd.s32 v15, v12;
	v14 =	vxor.u32 v19, v17  }
0x10e: {  	v15 =	vshrl.u32 v10, $0x14;
	v17 =	vshrl.u32 v12, $0x14;
	v13 =	vadd.s32 v14, v13  }
0x10f: {  	v14 =	vmul.u32 $0xBDC1, v15;
	v15 =	vmul.u32 $0xBDC1, v17;
	v17 =	vshrl.u32 v13, $0x14  }
0x110: {  	v10 =	vand.u32 $0xFFFFF, v10;
	v12 =	vand.u32 $0xFFFFF, v12;
	v17 =	vmul.u32 $0xBDC1, v17  }
0x111: {  	v13 =	vand.u32 $0xFFFFF, v13;
	v10 =	vadd.s32 v10, v14;
	v12 =	vadd.s32 v12, v15  }
0x112: {  	v14 =	vshrl.u32 v10, $0x14;
	v15 =	vshrl.u32 v12, $0x14;
	v13 =	vadd.s32 v13, v17  }
0x113: {  	v14 =	vmul.u32 $0xBDC1, v14;
	v15 =	vmul.u32 $0xBDC1, v15;
	v17 =	vshrl.u32 v13, $0x14  }
0x114: {  	v10 =	vand.u32 $0xFFFFF, v10;
	v12 =	vand.u32 $0xFFFFF, v12;
	v17 =	vmul.u32 $0xBDC1, v17  }
0x115: {  	v13 =	vand.u32 $0xFFFFF, v13;
	v10 =	vadd.s32 v10, v14;
	v12 =	vadd.s32 v12, v15  }
0x116: {  	v14 =	vand.u32 $0xFFFF, v10;
	v15 =	vand.u32 $0xFFFF, v12;
	v13 =	vadd.s32 v13, v17  }
0x117: {  	v17 =	vmul.u32 $0xD346, v14;
	v18 =	vmul.u32 $0xD346, v15;
	v19 =	vand.u32 $0xFFFF, v13  }
0x118: {  	v14 =	vmul.u32 $0xE, v14;
	v15 =	vmul.u32 $0xE, v15;
	v20 =	vmul.u32 $0xD346, v19  }
0x119: {  	v19 =	vmul.u32 $0xE, v19;
	v21 =	vshrl.u32 v17, $0x10;
	v22 =	vshrl.u32 v18, $0x10  }
0x11a: {  	v10 =	vshrl.u32 v10, $0x10;
	v12 =	vshrl.u32 v12, $0x10;
	v23 =	vshrl.u32 v20, $0x10  }
0x11b: {  	v13 =	vshrl.u32 v13, $0x10;
	v14 =	vadd.s32 v14, v21;
	v15 =	vadd.s32 v15, v22  }
0x11c: {  	v21 =	vmul.u32 $0xD346, v10;
	v22 =	vmul.u32 $0xD346, v12;
	v19 =	vadd.s32 v19, v23  }
0x11d: {  	v11 =	vshll.u32 v11, $0x10;
	v16 =	vshll.u32 v16, $0x10;
	v23 =	vmul.u32 $0xD346, v13  }
0x11e: {  	v9 =	vshll.u32 v9, $0x10;
	v24 =	vand.u32 $0xFFFF, v14;
	v25 =	vand.u32 $0xFFFF, v15  }
0x11f: {  	v26 =	vshrl.u32 v11, $0x1;
	v27 =	vshrl.u32 v16, $0x1;
	v28 =	vand.u32 $0xFFFF, v19  }
0x120: {  	v21 =	vadd.s32 v21, v24;
	v22 =	vadd.s32 v22, v25;
	v24 =	vshrl.u32 v9, $0x1  }
0x121: {  	v6 =	vshll.u32 v6, $0x1;
	v25 =	vshrl.u32 v26, $0x1E;
	v23 =	vadd.s32 v23, v28  }
0x122: {  	v8 =	vshll.u32 v8, $0x1;
	v7 =	vshll.u32 v7, $0x1;
	v26 =	vshrl.u32 v27, $0x1E  }
0x123: {  	v3 =	vand.u32 $0xFFFF, v3;
	v4 =	vand.u32 $0xFFFF, v4;
	v24 =	vshrl.u32 v24, $0x1E  }
0x124: {  	v5 =	vand.u32 $0xFFFF, v5;
	v27 =	vshll.u32 v21, $0x10;
	v28 =	vshll.u32 v22, $0x10  }
0x125: {  	v17 =	vand.u32 $0xFFFE, v17;
	v18 =	vand.u32 $0xFFFE, v18;
	v29 =	vshll.u32 v23, $0x10  }
0x126: {  	v20 =	vand.u32 $0xFFFE, v20;
	v6 =	vor.u32 v25, v6;
	v8 =	vor.u32 v26, v8  }
0x127: {  	v3 =	vor.u32 v3, v11;
	v4 =	vor.u32 v4, v16;
	v7 =	vor.u32 v24, v7  }
0x128: {  	v5 =	vor.u32 v5, v9;
	v11 =	vor.u32 v17, v27;
	v16 =	vor.u32 v18, v28  }
0x129: {  	v3 =	vxor.u32 v3, v6;
	v4 =	vxor.u32 v4, v8;
	v6 =	vor.u32 v20, v29  }
0x12a: {  	v8 =	vadd.s32 v3, v11;
	v9 =	vadd.s32 v4, v16;
	v5 =	vxor.u32 v5, v7  }
0x12b: {  	v7 =	vor.u32 v3, v27;
	v11 =	vor.u32 v4, v28;
	v6 =	vadd.s32 v5, v6  }
0x12c: {  	v10 =	vmul.u32 $0xE, v10;
	v12 =	vmul.u32 $0xE, v12;
	v16 =	vor.u32 v5, v29  }
0x12d: {  	v13 =	vmul.u32 $0xE, v13;
	v7 =	vandn.u32 v7, v8;
	v11 =	vandn.u32 v11, v9  }
0x12e: {  	v3 =	vand.u32 v3, v27;
	v4 =	vand.u32 v4, v28;
	v16 =	vandn.u32 v16, v6  }
0x12f: {  	v14 =	vshrl.u32 v14, $0x10;
	v15 =	vshrl.u32 v15, $0x10;
	v5 =	vand.u32 v5, v29  }
0x130: {  	v3 =	vor.u32 v3, v7;
	v4 =	vor.u32 v4, v11;
	v7 =	vshrl.u32 v19, $0x10  }
0x131: {  	v17 =	vshrl.u32 v22, $0x10;
	v11 =	vshrl.u32 v21, $0x10;
	v5 =	vor.u32 v5, v16  }
0x132: {  	v10 =	vadd.s32 v10, v14;
	v12 =	vadd.s32 v12, v15;
	v14 =	vshrl.u32 v23, $0x10  }
0x133: {  	v3 =	vshrl.u32 v3, $0x1F;
	v4 =	vshrl.u32 v4, $0x1F;
	v7 =	vadd.s32 v13, v7  }
0x134: {  	v15 =	vshrl.u32 v9, $0x14;
	v13 =	vshrl.u32 v8, $0x14;
	v5 =	vshrl.u32 v5, $0x1F  }
0x135: {  	v10 =	vadd.s32 v11, v10;
	v11 =	vadd.s32 v17, v12;
	v12 =	vshrl.u32 v6, $0x14  }
0x136: {  	v3 =	vadd.s32 v3, v10;
	v4 =	vadd.s32 v4, v11;
	v7 =	vadd.s32 v14, v7  }
0x137: {  	v10 =	vmul.u32 $0xBDC1, v13;
	v11 =	vmul.u32 $0xBDC1, v15;
	v5 =	vadd.s32 v5, v7  }
0x138: {  	v3 =	vmul.u32 $0xED346, v3;
	v4 =	vmul.u32 $0xED346, v4;
	v7 =	vmul.u32 $0xBDC1, v12  }
0x139: {  	v9 =	vand.u32 $0xFFFFF, v9;
	v8 =	vand.u32 $0xFFFFF, v8;
	v5 =	vmul.u32 $0xED346, v5  }
0x13a: {  	v6 =	vand.u32 $0xFFFFF, v6;
	v8 =	vadd.s32 v8, v10;
	v9 =	vadd.s32 v9, v11  }
0x13b: {  	v3 =	vadd.s32 v3, v8;
	v4 =	vadd.s32 v4, v9;
	v6 =	vadd.s32 v6, v7  }
0x13c: {  	v7 =	vshrl.u32 v3, $0x14;
	v8 =	vshrl.u32 v4, $0x14;
	v5 =	vadd.s32 v5, v6  }
0x13d: {  	v6 =	vmul.u32 $0xBDC1, v7;
	v7 =	vmul.u32 $0xBDC1, v8;
	v8 =	vshrl.u32 v5, $0x14  }
0x13e: {  	v3 =	vand.u32 $0xFFFFF, v3;
	v4 =	vand.u32 $0xFFFFF, v4;
	v8 =	vmul.u32 $0xBDC1, v8  }
0x13f: {  	v5 =	vand.u32 $0xFFFFF, v5;
	v3 =	vadd.s32 v3, v6;
	v4 =	vadd.s32 v4, v7  }
0x140: {  	v6 =	vshrl.u32 v3, $0x14;
	v7 =	vshrl.u32 v4, $0x14;
	v5 =	vadd.s32 v5, v8  }
0x141: {  	v6 =	vmul.u32 $0xBDC1, v6;
	v7 =	vmul.u32 $0xBDC1, v7;
	v8 =	vshrl.u32 v5, $0x14  }
0x142: {  	v3 =	vand.u32 $0xFFFFF, v3;
	v4 =	vand.u32 $0xFFFFF, v4;
	v8 =	vmul.u32 $0xBDC1, v8  }
.Ltmp0:
0x143: {  	v5 =	vand.u32 $0xFFFFF, v5;
	v3 =	vadd.s32 v3, v6;
	v4 =	vadd.s32 v4, v7;
	(pc) =	sbr.rel @p0 .LBB2_2-.Ltmp0, $4  }
0x144: {  	v6 =	vshrl.u32 v3, $0x14;
	v7 =	vshrl.u32 v4, $0x14;
	v8 =	vadd.s32 v5, v8  }
0x145: {  	v5 =	vmul.u32 $0xBDC1, v6;
	v6 =	vmul.u32 $0xBDC1, v7;
	v7 =	vshrl.u32 v8, $0x14  }
0x146: {  	v3 =	vand.u32 $0xFFFFF, v3;
	v9 =	vand.u32 $0xFFFFF, v4;
	v7 =	vmul.u32 $0xBDC1, v7  }
0x147: {  	s11 =	sshra.s32 s10, $0x2;
	s10 =	sadd.s32 $0x100, s10;
	v8 =	vand.u32 $0xFFFFF, v8;
	v4 =	vadd.s32 v3, v5;
	v5 =	vadd.s32 v9, v6  }
0x148: {  	v6 =	vld [tilespmem:s11+$0x30]  }
0x149: {  	vm1 =	vgt.u32 v4, $0xF423E;
	vm2 =	vgt.u32 v5, $0xF423E;
	v7 =	vadd.s32 v8, v7;
	v42 =	vld [tilespmem:s11+$0x0]  }
0x14a: {  	v3 =	vld [tilespmem:s11+$0x10];
	vm6 =	veq.s32 v2, $0x0;
	vm7 =	veq.s32 v1, $0x0;
	vm5 =	vgt.u32 v7, $0xF423E  }
0x14b: {  	v9 =	vsel vm1, $0xFFF0BDC2, v0;
	v10 =	vsel vm2, $0xFFF0BDC2, v0;
	v43 =	vsel vm5, $0xFFF0BDC2, v0  }
0x14c: {  	v9 =	vadd.s32 v4, v9;
	v10 =	vadd.s32 v5, v10;
	v4 =	vld [tilespmem:s11+$0x20];
	v1 =	vadd.s32 v7, v43  }
0x14d: {  	v5 =	vsel vm0, $0x0, v9;
	v2 =	vsel vm6, $0x0, v10;
	v1 =	vsel vm7, $0x0, v1  }
0x14e: {  	v44 =	vadd.s32 $0x7F4A7C15, v6;
	v45 =	vadd.s32 $0x7F4A7C15, v42;
	vm8 =	veq.s32 v42, $0x0  }
0x14f: {  	v47 =	vadd.s32 $0x7F4A7C15, v3;
	vm10 =	veq.s32 v6, $0x0;
	vm14 =	veq.s32 v3, $0x0  }
0x150: {  	v46 =	vshrl.u32 v44, $0x1E;
	v11 =	vshrl.u32 v45, $0x1E;
	v12 =	vshrl.u32 v47, $0x1E  }
0x151: {  	v10 =	vor.u32 $0x78DDE6E4, v46;
	v48 =	vadd.s32 $0x7F4A7C15, v4;
	v11 =	vor.u32 $0x78DDE6E4, v11  }
0x152: {  	v12 =	vor.u32 $0x78DDE6E4, v12;
	v7 =	vxor.u32 v44, v10;
	v14 =	vshrl.u32 v48, $0x1E  }
0x153: {  	v11 =	vxor.u32 v45, v11;
	v12 =	vxor.u32 v47, v12;
	v13 =	vand.u32 $0xFFFF, v7  }
0x154: {  	v14 =	vor.u32 $0x78DDE6E4, v14;
	v50 =	vshrl.u32 v7, $0x10;
	v7 =	vmul.u32 $0xBF58476D, v7  }
0x155: {  	v17 =	vand.u32 $0xFFFF, v11;
	v54 =	vand.u32 $0xFFFF, v12;
	v31 =	vshrl.u32 v11, $0x10  }
0x156: {  	v32 =	vshrl.u32 v12, $0x10;
	v11 =	vmul.u32 $0xBF58476D, v11;
	v12 =	vmul.u32 $0xBF58476D, v12  }
0x157: {  	v15 =	vmul.u32 $0xE5B9, v13;
	v49 =	vmul.u32 $0x1CE4, v13;
	v51 =	vmul.u32 $0xE5B9, v50  }
0x158: {  	v13 =	vmul.u32 $0x1CE4, v50;
	v10 =	vxor.u32 v48, v14;
	v14 =	vmul.u32 $0x1CE4, v54  }
0x159: {  	v35 =	vmul.u32 $0xE5B9, v31;
	v36 =	vmul.u32 $0x1CE4, v31;
	v37 =	vmul.u32 $0xE5B9, v32  }
0x15a: {  	v55 =	vand.u32 $0xFFFF, v10;
	v26 =	vshrl.u32 v10, $0x10;
	v10 =	vmul.u32 $0xBF58476D, v10  }
0x15b: {  	v16 =	vshrl.u32 v15, $0x10;
	v7 =	vadd.s32 v13, v7;
	v58 =	vand.u32 $0xFFFF, v15  }
0x15c: {  	v39 =	vmul.u32 $0xE5B9, v26;
	v26 =	vmul.u32 $0x1CE4, v26;
	v9 =	vadd.s32 v49, v16  }
0x15d: {  	v13 =	vmul.u32 $0x1CE4, v55;
	v11 =	vadd.s32 v36, v11;
	v52 =	vand.u32 $0xFFFF, v9  }
0x15e: {  	v9 =	vshrl.u32 v9, $0x10;
	v10 =	vadd.s32 v26, v10;
	v8 =	vadd.s32 v51, v52  }
0x15f: {  	v7 =	vadd.s32 v9, v7;
	v53 =	vshrl.u32 v8, $0x10;
	v8 =	vshll.u32 v8, $0x10  }
0x160: {  	v7 =	vadd.s32 v53, v7;
	v57 =	vshrl.u32 v8, $0x1;
	v9 =	vor.u32 v58, v8  }
0x161: {  	v8 =	vmul.u32 $0xE5B9, v54;
	v56 =	vadd.s32 $0xD4873F23, v7;
	v18 =	vshrl.u32 v57, $0x1A  }
0x162: {  	v7 =	vmul.u32 $0xE5B9, v17;
	v17 =	vmul.u32 $0x1CE4, v17;
	v59 =	vshll.u32 v56, $0x5  }
0x163: {  	v60 =	vshrl.u32 v56, $0x1B;
	v29 =	vshrl.u32 v8, $0x10;
	v8 =	vand.u32 $0xFFFF, v8  }
0x164: {  	v15 =	vor.u32 v18, v59;
	v16 =	vxor.u32 v56, v60;
	v22 =	vshrl.u32 v7, $0x10  }
0x165: {  	v14 =	vadd.s32 v14, v29;
	v7 =	vand.u32 $0xFFFF, v7;
	v15 =	vxor.u32 v9, v15  }
0x166: {  	v9 =	vmul.u32 $0xE5B9, v55;
	v16 =	vmul.u32 $0x133111EB, v16;
	v17 =	vadd.s32 v17, v22  }
0x167: {  	v40 =	vand.u32 $0xFFFF, v14;
	v14 =	vshrl.u32 v14, $0x10;
	v19 =	vand.u32 $0xFFFF, v15  }
0x168: {  	v20 =	vshrl.u32 v15, $0x10;
	v15 =	vmul.u32 $0x94D049BB, v15;
	v27 =	vand.u32 $0xFFFF, v17  }
0x169: {  	v17 =	vshrl.u32 v17, $0x10;
	v61 =	vmul.u32 $0x11EB, v19;
	v19 =	vmul.u32 $0x1331, v19  }
0x16a: {  	v62 =	vmul.u32 $0x11EB, v20;
	v20 =	vmul.u32 $0x1331, v20;
	v30 =	vshrl.u32 v9, $0x10  }
0x16b: {  	v11 =	vadd.s32 v17, v11;
	v9 =	vand.u32 $0xFFFF, v9;
	v15 =	vadd.s32 v15, v16  }
0x16c: {  	v13 =	vadd.s32 v13, v30;
	v21 =	vshrl.u32 v61, $0x10;
	v15 =	vadd.s32 v20, v15  }
0x16d: {  	v29 =	vand.u32 $0xFFFF, v13;
	v13 =	vshrl.u32 v13, $0x10;
	v18 =	vand.u32 $0xFFFF, v61  }
0x16e: {  	v19 =	vadd.s32 v19, v21;
	v42 =	vadd.s32 v39, v29;
	v10 =	vadd.s32 v13, v10  }
0x16f: {  	v23 =	vand.u32 $0xFFFF, v19;
	v19 =	vshrl.u32 v19, $0x10;
	v51 =	vshrl.u32 v42, $0x10  }
0x170: {  	v63 =	vadd.s32 v62, v23;
	v15 =	vadd.s32 v19, v15;
	v19 =	vadd.s32 v35, v27  }
0x171: {  	v23 =	vadd.s32 v37, v40;
	v10 =	vadd.s32 v51, v10;
	v21 =	vshrl.u32 v63, $0x10  }
0x172: {  	v44 =	vshrl.u32 v19, $0x10;
	v46 =	vshrl.u32 v23, $0x10;
	v16 =	vshll.u32 v63, $0x10  }
0x173: {  	v62 =	vshll.u32 v19, $0x10;
	v63 =	vshll.u32 v23, $0x10;
	v15 =	vadd.s32 v21, v15  }
0x174: {  	v10 =	vadd.s32 $0xD4873F23, v10;
	v21 =	vmul.u32 $0x1CE4, v32;
	v33 =	vshrl.u32 v15, $0x14  }
0x175: {  	v24 =	vshrl.u32 v15, $0x1F;
	v25 =	vand.u32 $0xFFFFF, v15;
	v22 =	vmul.u32 $0xBDC1, v33  }
0x176: {  	v18 =	vor.u32 v18, v16;
	v16 =	vshrl.u32 v16, $0x1;
	v34 =	vxor.u32 v24, v25  }
0x177: {  	v11 =	vadd.s32 v44, v11;
	v7 =	vor.u32 v7, v62;
	v20 =	vadd.s32 v34, v22  }
0x178: {  	v8 =	vor.u32 v8, v63;
	v15 =	vshll.u32 v15, $0x1;
	v38 =	vshrl.u32 v20, $0x14  }
0x179: {  	v16 =	vshrl.u32 v16, $0x1E;
	v11 =	vadd.s32 $0xD4873F23, v11;
	v24 =	vmul.u32 $0xBDC1, v38  }
0x17a: {  	v12 =	vadd.s32 v21, v12;
	v15 =	vor.u32 v16, v15;
	v20 =	vand.u32 $0xFFFFF, v20  }
0x17b: {  	v30 =	vshll.u32 v11, $0x5;
	v12 =	vadd.s32 v14, v12;
	v20 =	vadd.s32 v20, v24  }
0x17c: {  	v33 =	vshll.u32 v10, $0x5;
	v12 =	vadd.s32 v46, v12;
	v28 =	vshrl.u32 v20, $0x14  }
0x17d: {  	v15 =	vxor.u32 v18, v15;
	v12 =	vadd.s32 $0xD4873F23, v12;
	v41 =	vmul.u32 $0xBDC1, v28  }
0x17e: {  	v31 =	vshll.u32 v12, $0x5;
	v46 =	vshrl.u32 v12, $0x1B;
	v20 =	vand.u32 $0xFFFFF, v20  }
0x17f: {  	v12 =	vxor.u32 v12, v46;
	v28 =	vshrl.u32 v63, $0x1;
	v20 =	vadd.s32 v20, v41  }
0x180: {  	v12 =	vmul.u32 $0x133111EB, v12;
	v19 =	vshrl.u32 v28, $0x1A;
	v43 =	vand.u32 $0xFFFF, v20  }
0x181: {  	v19 =	vor.u32 v19, v31;
	v20 =	vshrl.u32 v20, $0x10;
	v45 =	vmul.u32 $0xD346, v43  }
0x182: {  	v38 =	vxor.u32 v8, v19;
	v22 =	vmul.u32 $0xE, v43;
	v48 =	vmul.u32 $0xD346, v20  }
0x183: {  	v20 =	vmul.u32 $0xE, v20;
	v41 =	vand.u32 $0xFFFF, v38;
	v47 =	vshrl.u32 v45, $0x10  }
0x184: {  	v25 =	vand.u32 $0xFFFE, v45;
	v45 =	vshrl.u32 v11, $0x1B;
	v22 =	vadd.s32 v22, v47  }
0x185: {  	v47 =	vshrl.u32 v10, $0x1B;
	v11 =	vxor.u32 v11, v45;
	v49 =	vand.u32 $0xFFFF, v22  }
0x186: {  	v22 =	vshrl.u32 v22, $0x10;
	v10 =	vxor.u32 v10, v47;
	v11 =	vmul.u32 $0x133111EB, v11  }
0x187: {  	v27 =	vadd.s32 v48, v49;
	v20 =	vadd.s32 v20, v22;
	v10 =	vmul.u32 $0x133111EB, v10  }
0x188: {  	v50 =	vshll.u32 v27, $0x10;
	v55 =	vshrl.u32 v27, $0x10;
	v27 =	vshrl.u32 v62, $0x1  }
0x189: {  	v52 =	vor.u32 v25, v50;
	v53 =	vor.u32 v15, v50;
	v56 =	vadd.s32 v55, v20  }
0x18a: {  	v25 =	vshll.u32 v42, $0x10;
	v18 =	vadd.s32 v15, v52;
	v15 =	vand.u32 v15, v50  }
0x18b: {  	v29 =	vshrl.u32 v25, $0x1;
	v36 =	vor.u32 v9, v25;
	v54 =	vandn.u32 v53, v18  }
0x18c: {  	v9 =	vmul.u32 $0x11EB, v41;
	v52 =	vshrl.u32 v38, $0x10;
	v15 =	vor.u32 v15, v54  }
0x18d: {  	v57 =	vshrl.u32 v18, $0x14;
	v61 =	vand.u32 $0xFFFFF, v18;
	v15 =	vshrl.u32 v15, $0x1F  }
0x18e: {  	v20 =	vshrl.u32 v29, $0x1A;
	v59 =	vmul.u32 $0xBDC1, v57;
	v58 =	vadd.s32 v15, v56  }
0x18f: {  	v18 =	vshrl.u32 v27, $0x1A;
	v20 =	vor.u32 v20, v33;
	v60 =	vmul.u32 $0xED346, v58  }
0x190: {  	v49 =	vshrl.u32 v9, $0x10;
	v57 =	vmul.u32 $0x1331, v52;
	v14 =	vadd.s32 v61, v59  }
0x191: {  	v9 =	vand.u32 $0xFFFF, v9;
	v39 =	vxor.u32 v36, v20;
	v13 =	vadd.s32 v60, v14  }
0x192: {  	v53 =	vshrl.u32 v39, $0x10;
	v15 =	vmul.u32 $0x94D049BB, v39;
	v26 =	vshrl.u32 v13, $0x14  }
0x193: {  	v43 =	vand.u32 $0xFFFF, v39;
	v24 =	vmul.u32 $0x1331, v53;
	v17 =	vmul.u32 $0xBDC1, v26  }
0x194: {  	v56 =	vmul.u32 $0x11EB, v52;
	v10 =	vadd.s32 v15, v10;
	v13 =	vand.u32 $0xFFFFF, v13  }
0x195: {  	v58 =	vmul.u32 $0x11EB, v53;
	v10 =	vadd.s32 v24, v10;
	v13 =	vadd.s32 v13, v17  }
0x196: {  	v17 =	vor.u32 v18, v30;
	v32 =	vshrl.u32 v13, $0x14;
	v13 =	vand.u32 $0xFFFFF, v13  }
0x197: {  	v35 =	vxor.u32 v7, v17;
	v7 =	vmul.u32 $0x11EB, v43;
	v17 =	vmul.u32 $0x1331, v41  }
0x198: {  	v22 =	vmul.u32 $0xBDC1, v32;
	v40 =	vand.u32 $0xFFFF, v35;
	v50 =	vshrl.u32 v35, $0x10  }
0x199: {  	v14 =	vmul.u32 $0x94D049BB, v35;
	v8 =	vmul.u32 $0x11EB, v40;
	v16 =	vmul.u32 $0x1331, v40  }
0x19a: {  	v51 =	vshrl.u32 v7, $0x10;
	v17 =	vadd.s32 v17, v49;
	v54 =	vmul.u32 $0x11EB, v50  }
0x19b: {  	v55 =	vmul.u32 $0x1331, v50;
	v7 =	vand.u32 $0xFFFF, v7;
	v13 =	vadd.s32 v13, v22  }
0x19c: {  	v60 =	vand.u32 $0xFFFF, v17;
	v11 =	vadd.s32 v14, v11;
	v26 =	vshrl.u32 v17, $0x10  }
0x19d: {  	v34 =	vshrl.u32 v13, $0x14;
	v13 =	vand.u32 $0xFFFFF, v13;
	v48 =	vshrl.u32 v8, $0x10  }
0x19e: {  	v63 =	vadd.s32 v56, v60;
	v11 =	vadd.s32 v55, v11;
	v8 =	vand.u32 $0xFFFF, v8  }
0x19f: {  	v18 =	vmul.u32 $0xBDC1, v34;
	v16 =	vadd.s32 v16, v48;
	v29 =	vshrl.u32 v63, $0x10  }
0x1a0: {  	v19 =	vshll.u32 v63, $0x10;
	v59 =	vand.u32 $0xFFFF, v16;
	v25 =	vshrl.u32 v16, $0x10  }
0x1a1: {  	v9 =	vor.u32 v9, v19;
	v37 =	vadd.s32 v13, v18;
	v18 =	vmul.u32 $0x1331, v43  }
0x1a2: {  	v13 =	vmul.u32 $0x94D049BB, v38;
	v62 =	vadd.s32 v54, v59;
	v11 =	vadd.s32 v25, v11  }
0x1a3: {  	vm9 =	vgt.u32 v37, $0xF423E;
	v28 =	vshrl.u32 v62, $0x10;
	v14 =	vshll.u32 v62, $0x10  }
0x1a4: {  	v62 =	vshrl.u32 v19, $0x1;
	v42 =	vsel vm9, $0xFFF0BDC2, v0;
	v18 =	vadd.s32 v18, v51  }
0x1a5: {  	v12 =	vadd.s32 v13, v12;
	v11 =	vadd.s32 v28, v11;
	v28 =	vshrl.u32 v62, $0x1E  }
0x1a6: {  	v8 =	vor.u32 v8, v14;
	v44 =	vadd.s32 v37, v42;
	v61 =	vand.u32 $0xFFFF, v18  }
0x1a7: {  	v12 =	vadd.s32 v57, v12;
	v27 =	vshrl.u32 v18, $0x10;
	v31 =	vshrl.u32 v11, $0x14  }
0x1a8: {  	v18 =	vshrl.u32 v11, $0x1F;
	v36 =	vand.u32 $0xFFFFF, v11;
	v11 =	vshll.u32 v11, $0x1  }
0x1a9: {  	v6 =	vsel vm10, $0x0, v44;
	v13 =	vadd.s32 v58, v61;
	v12 =	vadd.s32 v26, v12  }
0x1aa: {  	v10 =	vadd.s32 v27, v10;
	v33 =	vmul.u32 $0xBDC1, v31;
	v18 =	vxor.u32 v18, v36  }
0x1ab: {  	v61 =	vshrl.u32 v14, $0x1;
	v30 =	vshrl.u32 v13, $0x10;
	v12 =	vadd.s32 v29, v12  }
0x1ac: {  	v13 =	vshll.u32 v13, $0x10;
	v29 =	vshrl.u32 v61, $0x1E;
	v32 =	vshrl.u32 v12, $0x14  }
0x1ad: {  	v10 =	vadd.s32 v30, v10;
	v37 =	vshrl.u32 v12, $0x1F;
	v38 =	vand.u32 $0xFFFFF, v12  }
0x1ae: {  	v15 =	vadd.s32 v18, v33;
	v11 =	vor.u32 v29, v11;
	v63 =	vshrl.u32 v13, $0x1  }
0x1af: {  	v12 =	vshll.u32 v12, $0x1;
	v7 =	vor.u32 v7, v13;
	v34 =	vmul.u32 $0xBDC1, v32  }
0x1b0: {  	v35 =	vshrl.u32 v10, $0x14;
	v39 =	vshrl.u32 v10, $0x1F;
	v40 =	vxor.u32 v37, v38  }
0x1b1: {  	v41 =	vand.u32 $0xFFFFF, v10;
	v43 =	vshrl.u32 v15, $0x14;
	v15 =	vand.u32 $0xFFFFF, v15  }
0x1b2: {  	v10 =	vshll.u32 v10, $0x1;
	v29 =	vshrl.u32 v63, $0x1E;
	v12 =	vor.u32 v28, v12  }
0x1b3: {  	v8 =	vxor.u32 v8, v11;
	v17 =	vmul.u32 $0xBDC1, v35;
	v42 =	vxor.u32 v39, v41  }
0x1b4: {  	v45 =	vmul.u32 $0xBDC1, v43;
	v10 =	vor.u32 v29, v10;
	v16 =	vadd.s32 v40, v34  }
0x1b5: {  	v9 =	vxor.u32 v9, v12;
	v7 =	vxor.u32 v7, v10;
	v44 =	vshrl.u32 v16, $0x14  }
0x1b6: {  	v17 =	vadd.s32 v42, v17;
	v15 =	vadd.s32 v15, v45;
	v46 =	vmul.u32 $0xBDC1, v44  }
0x1b7: {  	v16 =	vand.u32 $0xFFFFF, v16;
	v47 =	vshrl.u32 v17, $0x14;
	v18 =	vshrl.u32 v15, $0x14  }
0x1b8: {  	v21 =	vmul.u32 $0xBDC1, v47;
	v18 =	vmul.u32 $0xBDC1, v18;
	v16 =	vadd.s32 v16, v46  }
0x1b9: {  	v17 =	vand.u32 $0xFFFFF, v17;
	v15 =	vand.u32 $0xFFFFF, v15;
	v20 =	vshrl.u32 v16, $0x14  }
0x1ba: {  	v17 =	vadd.s32 v17, v21;
	v16 =	vand.u32 $0xFFFFF, v16;
	v15 =	vadd.s32 v15, v18  }
0x1bb: {  	v20 =	vmul.u32 $0xBDC1, v20;
	v21 =	vshrl.u32 v17, $0x14;
	v17 =	vand.u32 $0xFFFFF, v17  }
0x1bc: {  	v18 =	vand.u32 $0xFFFF, v15;
	v15 =	vshrl.u32 v15, $0x10;
	v21 =	vmul.u32 $0xBDC1, v21  }
0x1bd: {  	v48 =	vmul.u32 $0xD346, v18;
	v18 =	vmul.u32 $0xE, v18;
	v16 =	vadd.s32 v16, v20  }
0x1be: {  	v55 =	vmul.u32 $0xD346, v15;
	v15 =	vmul.u32 $0xE, v15;
	v20 =	vand.u32 $0xFFFF, v16  }
0x1bf: {  	v17 =	vadd.s32 v17, v21;
	v52 =	vshrl.u32 v48, $0x10;
	v16 =	vshrl.u32 v16, $0x10  }
0x1c0: {  	v21 =	vand.u32 $0xFFFE, v48;
	v49 =	vmul.u32 $0xD346, v20;
	v50 =	vand.u32 $0xFFFF, v17  }
0x1c1: {  	v20 =	vmul.u32 $0xE, v20;
	v18 =	vadd.s32 v18, v52;
	v17 =	vshrl.u32 v17, $0x10  }
0x1c2: {  	v56 =	vmul.u32 $0xD346, v16;
	v16 =	vmul.u32 $0xE, v16;
	v51 =	vmul.u32 $0xD346, v50  }
0x1c3: {  	v23 =	vmul.u32 $0xE, v50;
	v57 =	vmul.u32 $0xD346, v17;
	v58 =	vand.u32 $0xFFFF, v18  }
0x1c4: {  	v17 =	vmul.u32 $0xE, v17;
	v18 =	vshrl.u32 v18, $0x10;
	v53 =	vshrl.u32 v49, $0x10  }
0x1c5: {  	v25 =	vadd.s32 v55, v58;
	v22 =	vand.u32 $0xFFFE, v49;
	v45 =	vadd.s32 v15, v18  }
0x1c6: {  	v54 =	vshrl.u32 v51, $0x10;
	v20 =	vadd.s32 v20, v53;
	v32 =	vshll.u32 v25, $0x10  }
0x1c7: {  	v24 =	vand.u32 $0xFFFE, v51;
	v43 =	vshrl.u32 v25, $0x10;
	v23 =	vadd.s32 v23, v54  }
0x1c8: {  	v59 =	vand.u32 $0xFFFF, v20;
	v21 =	vor.u32 v21, v32;
	v38 =	vor.u32 v8, v32  }
0x1c9: {  	v20 =	vshrl.u32 v20, $0x10;
	v14 =	vadd.s32 v43, v45;
	v60 =	vand.u32 $0xFFFF, v23  }
0x1ca: {  	v26 =	vadd.s32 v56, v59;
	v36 =	vadd.s32 v8, v21;
	v8 =	vand.u32 v8, v32  }
0x1cb: {  	v42 =	vshrl.u32 v23, $0x10;
	v46 =	vadd.s32 v16, v20;
	v27 =	vadd.s32 v57, v60  }
0x1cc: {  	v33 =	vshll.u32 v26, $0x10;
	v10 =	vandn.u32 v38, v36;
	v44 =	vshrl.u32 v26, $0x10  }
0x1cd: {  	v48 =	vshrl.u32 v36, $0x14;
	v12 =	vand.u32 $0xFFFFF, v36;
	v34 =	vshll.u32 v27, $0x10  }
0x1ce: {  	v22 =	vor.u32 v22, v33;
	v39 =	vor.u32 v9, v33;
	v8 =	vor.u32 v8, v10  }
0x1cf: {  	v47 =	vshrl.u32 v27, $0x10;
	v10 =	vadd.s32 v17, v42;
	v15 =	vadd.s32 v44, v46  }
0x1d0: {  	v51 =	vmul.u32 $0xBDC1, v48;
	v35 =	vor.u32 v24, v34;
	v37 =	vadd.s32 v9, v22  }
0x1d1: {  	v40 =	vor.u32 v7, v34;
	v9 =	vand.u32 v9, v33;
	v8 =	vshrl.u32 v8, $0x1F  }
0x1d2: {  	v10 =	vadd.s32 v47, v10;
	v11 =	vadd.s32 v7, v35;
	v21 =	vandn.u32 v39, v37  }
0x1d3: {  	v7 =	vand.u32 v7, v34;
	v49 =	vshrl.u32 v37, $0x14;
	v8 =	vadd.s32 v8, v14  }
0x1d4: {  	v13 =	vand.u32 $0xFFFFF, v37;
	v12 =	vadd.s32 v12, v51;
	v41 =	vandn.u32 v40, v11  }
0x1d5: {  	v9 =	vor.u32 v9, v21;
	v50 =	vshrl.u32 v11, $0x14;
	v52 =	vmul.u32 $0xBDC1, v49  }
0x1d6: {  	v8 =	vmul.u32 $0xED346, v8;
	v7 =	vor.u32 v7, v41;
	v9 =	vshrl.u32 v9, $0x1F  }
0x1d7: {  	v11 =	vand.u32 $0xFFFFF, v11;
	v7 =	vshrl.u32 v7, $0x1F;
	v9 =	vadd.s32 v9, v15  }
0x1d8: {  	v53 =	vmul.u32 $0xBDC1, v50;
	v7 =	vadd.s32 v7, v10;
	v9 =	vmul.u32 $0xED346, v9  }
0x1d9: {  	v13 =	vadd.s32 v13, v52;
	v8 =	vadd.s32 v8, v12;
	v7 =	vmul.u32 $0xED346, v7  }
0x1da: {  	v10 =	vadd.s32 v11, v53;
	v54 =	vshrl.u32 v8, $0x14;
	v9 =	vadd.s32 v9, v13  }
0x1db: {  	v56 =	vmul.u32 $0xBDC1, v54;
	v55 =	vshrl.u32 v9, $0x14;
	v7 =	vadd.s32 v7, v10  }
0x1dc: {  	v8 =	vand.u32 $0xFFFFF, v8;
	v57 =	vmul.u32 $0xBDC1, v55;
	v58 =	vshrl.u32 v7, $0x14  }
0x1dd: {  	v9 =	vand.u32 $0xFFFFF, v9;
	v8 =	vadd.s32 v8, v56;
	v12 =	vmul.u32 $0xBDC1, v58  }
0x1de: {  	v7 =	vand.u32 $0xFFFFF, v7;
	v10 =	vshrl.u32 v8, $0x14;
	v9 =	vadd.s32 v9, v57  }
0x1df: {  	v10 =	vmul.u32 $0xBDC1, v10;
	v11 =	vshrl.u32 v9, $0x14;
	v7 =	vadd.s32 v7, v12  }
0x1e0: {  	v8 =	vand.u32 $0xFFFFF, v8;
	v11 =	vmul.u32 $0xBDC1, v11;
	v12 =	vshrl.u32 v7, $0x14  }
0x1e1: {  	v9 =	vand.u32 $0xFFFFF, v9;
	v8 =	vadd.s32 v8, v10;
	v12 =	vmul.u32 $0xBDC1, v12  }
0x1e2: {  	v7 =	vand.u32 $0xFFFFF, v7;
	v10 =	vshrl.u32 v8, $0x14;
	v9 =	vadd.s32 v9, v11  }
0x1e3: {  	v10 =	vmul.u32 $0xBDC1, v10;
	v11 =	vshrl.u32 v9, $0x14;
	v7 =	vadd.s32 v7, v12  }
0x1e4: {  	v8 =	vand.u32 $0xFFFFF, v8;
	v11 =	vmul.u32 $0xBDC1, v11;
	v12 =	vshrl.u32 v7, $0x14  }
0x1e5: {  	v9 =	vand.u32 $0xFFFFF, v9;
	v8 =	vadd.s32 v8, v10;
	v12 =	vmul.u32 $0xBDC1, v12  }
0x1e6: {  	[tilespmem:s9+$0x3400] =	vst v5;
	v59 =	vand.u32 $0xFFFFF, v7;
	vm11 =	vgt.u32 v8, $0xF423E;
	v9 =	vadd.s32 v9, v11  }
0x1e7: {  	[tilespmem:s9+$0x3410] =	vst v2;
	v60 =	vsel vm11, $0xFFF0BDC2, v0;
	vm12 =	vgt.u32 v9, $0xF423E;
	v2 =	vadd.s32 v59, v12  }
0x1e8: {  	[tilespmem:s9+$0x3420] =	vst v1;
	v1 =	vadd.s32 v8, v60;
	v61 =	vsel vm12, $0xFFF0BDC2, v0;
	vm13 =	vgt.u32 v2, $0xF423E  }
0x1e9: {  	[tilespmem:s11+$0x3430] =	vst v6;
	v1 =	vsel vm8, $0x0, v1;
	v62 =	vadd.s32 v9, v61;
	v63 =	vsel vm13, $0xFFF0BDC2, v0  }
0x1ea: {  	s8 =	sadd.s32 $0x1, s8;
	vm15 =	veq.s32 v4, $0x0;
	[tilespmem:s11+$0x3400] =	vst v1;
	v2 =	vadd.s32 v2, v63;
	v3 =	vsel vm14, $0x0, v62  }
0x1eb: {  	p0 =	sne.s32 s8, s5;
	v1 =	vsel vm15, $0x0, v2;
	[tilespmem:s11+$0x3410] =	vst v3  }
.Ltmp1:
0x1ec: {  	[tilespmem:s11+$0x3420] =	vst v1;
	(pc) =	sbr.rel @p0 .LBB2_1-.Ltmp1, $4  }
0x1ed: {  	[hbm4b:s4+s2] =	stream.linear.scatter [tilespmem:s7], [sflag:$0x1], $0x3400, $0x38;
	[tilespmem:$0x6800] =	vst v63  }
0x1ee: {  	_ =	swait.ge [sflag:s6], $0x3400  }
0x1ef: {  	[sflag:s6] =	ssyncset.done $0x0  }
0x1f0: {  	[sflag:s6] =	ssyncadd.s32 $0xFFFFCC00  }
0x1f1: {  	_ =	sfence.sel $0x180000  }
0x1f2: {  	[bflag:$0x0] =	sbarrier.arrive $0xFFFF  }
0x1f3: {  	p0 =	sne.s32 s0, $0x0;
	_ =	strace $0x90000047  }
0x1f4: {  	s0 =	sadd.s32 @!p0 $0x100000, s1;
	[bflag:$0x2] =	sbarrier.arrive $0xFFFF  }
0x1f5: {  	[sflag:s0] =	ssyncadd.tile.s32 @!p0 $0x1;
	_ =	shalt  }
.Lfunc_end2:
_tile_overlayer_lowered:
.L_overlay_start_2:
0x1f6: {  	(tag) =	ssettag $0x2  }
0x1f7: {  	s0 =	rddreg [dreg:$0x0];
	s2 =	stileid.u32  }
0x1f8: {  	s1 =	rddreg [dreg:$0x1];
	p0 =	sne.s32 s2, $0x0  }
0x1f9: {  	s3 =	rddreg [dreg:$0x2];
	[bflag:$0x3] =	sbarrier.arrive $0xFFFF;
	s2 =	simm.s32 @!p0 $0x1C01  }
0x1fa: {  	[timem:s3], [sflag:s2] =	dma.local @!p0 [hbm:s0], s1  }
0x1fb: {  	s0 =	simm.s32 @!p0 $0x1  }
0x1fc: {  	_ =	swait.ge @!p0 [sflag:s0], s1  }
0x1fd: {  	s1 =	ssub.s32 @!p0 $0x0, s1;
	[sflag:s0] =	ssyncset.done @!p0 $0x0  }
0x1fe: {  	[sflag:s0] =	ssyncadd.s32 @!p0 s1  }
0x1ff: {  	[bflag:$0x3] =	sbarrier.arrive $0xFFFF  }
0x200: {  	_ =	shalt  }

</sc_bundles>
